<compile_context>
chip_gen: v7x
topology: tpu7x:2x2x1
jax: 0.10.2.dev20260603
libtpu: 0.0.44.dev20260713+nightly
codegen_flags: <defaults>
</compile_context>

<pallas_src>
import jax
import jax.numpy as jnp
from jax import lax
from jax.experimental import pallas as pl
from jax.experimental.pallas import tpu as pltpu
from jax.experimental.pallas import tpu_sc as plsc

V = 256
D_G = 512
T = 2048
P = 16
K = 128
B = 4

SB = 1
TB = 1024

_info = plsc.get_sparse_core_info()
NS, L = _info.num_subcores, _info.num_lanes
C = T // NS
R = 32
NSUB = (SB * C) // R
NRING = 3


def _sc_body(bytes_hbm, emb_hbm, pos_hbm, out_hbm,
             idx_buf, pbuf, ring0, ring1, ring2,
             psem, gsem0, gsem1, gsem2, osem0, osem1, osem2):
    s = lax.axis_index("s")
    t0 = s * C

    rings = (ring0, ring1, ring2)
    gsems = (gsem0, gsem1, gsem2)
    osems = (osem0, osem1, osem2)

    pos_dma = pltpu.async_copy(pos_hbm.at[pl.ds(t0, C)], pbuf, psem)
    for b in range(SB):
        pltpu.sync_copy(bytes_hbm.at[b, pl.ds(t0, C)], idx_buf.at[b])

    def issue_gather(sn):
        b, h = divmod(sn, C // R)
        slot = sn % NRING
        idx = idx_buf.at[b, pl.ds(h * R, R)]
        return pltpu.async_copy(emb_hbm.at[idx], rings[slot], gsems[slot])

    gather_dmas = [None] * NSUB
    out_dmas = [None] * NSUB
    for sn in range(2):
        gather_dmas[sn] = issue_gather(sn)
    pos_dma.wait()

    for sn in range(NSUB):
        b, h = divmod(sn, C // R)
        slot = sn % NRING
        buf = rings[slot]
        gather_dmas[sn].wait()

        @plsc.parallel_loop(0, R)
        def add_row(r, buf=buf, h=h):
            for j in range(D_G // L):
                sl = pl.ds(j * L, L)
                plsc.addupdate(buf.at[r, sl], pbuf[h * R + r, sl])

        out_dmas[sn] = pltpu.async_copy(
            buf, out_hbm.at[pl.ds(b * T + t0 + h * R, R)], osems[slot])

        nxt = sn + 2
        if nxt < NSUB:
            if nxt >= NRING:
                out_dmas[nxt - NRING].wait()
            gather_dmas[nxt] = issue_gather(nxt)

    for sn in range(NSUB - NRING, NSUB):
        if out_dmas[sn] is not None:
            out_dmas[sn].wait()


def _tc_body(bytes_ref, emb_ref, pos_ref, out_ref):
    jt = pl.program_id(0)
    bb = pl.program_id(1)
    ids = bytes_ref[bb, pl.ds(jt * TB, TB)]
    onehot = (ids[:, None] == lax.broadcasted_iota(jnp.int32, (TB, V), 1))
    gathered = jnp.dot(onehot.astype(jnp.bfloat16), emb_ref[...],
                       preferred_element_type=jnp.float32)
    out_ref[0] = gathered + pos_ref[...]


def _inj_body(dummy_ref, sc_ref, out_ref):
    del dummy_ref
    out_ref[0] = sc_ref[...]


@jax.jit
def _patch_embed(bytes_, emb, pos):
    sc = pl.kernel(
        _sc_body,
        out_type=jax.ShapeDtypeStruct((SB * T, D_G), jnp.float32),
        mesh=plsc.VectorSubcoreMesh(core_axis_name="c", subcore_axis_name="s",
                                    num_cores=1),
        scratch_types=(
            [pltpu.VMEM((SB, C), jnp.int32),
             pltpu.VMEM((C, D_G), jnp.float32)]
            + [pltpu.VMEM((R, D_G), jnp.float32) for _ in range(NRING)]
            + [pltpu.SemaphoreType.DMA for _ in range(1 + 2 * NRING)]
        ),
    )
    sc_out = sc(bytes_, emb, pos)

    tc_full = pl.pallas_call(
        _tc_body,
        grid=(T // TB, B - SB),
        in_specs=[
            pl.BlockSpec((B - SB, T), lambda jt, bb: (0, 0)),
            pl.BlockSpec((V, D_G), lambda jt, bb: (0, 0)),
            pl.BlockSpec((TB, D_G), lambda jt, bb: (jt, 0)),
        ],
        out_specs=pl.BlockSpec((1, TB, D_G), lambda jt, bb: (SB + bb, jt, 0)),
        out_shape=jax.ShapeDtypeStruct((B, T, D_G), jnp.float32),
    )(bytes_[SB:], emb.astype(jnp.bfloat16), pos)

    out = pl.pallas_call(
        _inj_body,
        grid=(SB * T // TB,),
        in_specs=[
            pl.BlockSpec((1, 8, 128), lambda jt: (0, 0, 0)),
            pl.BlockSpec((TB, D_G), lambda jt: (jt, 0)),
        ],
        out_specs=pl.BlockSpec((1, TB, D_G), lambda jt: (0, jt, 0)),
        out_shape=jax.ShapeDtypeStruct((B, T, D_G), jnp.float32),
        input_output_aliases={0: 0},
    )(tc_full, sc_out)
    return out.reshape(B, K, P * D_G)


def kernel(bytes, emb, pos):
    return _patch_embed(bytes, emb, pos)

# --- scband reference (transcript-rebuilt; emitter-appended) ---
"""Pipeline reference for scband-patch-embedder-18940805775484 (READ-ONLY COPY).

The authoritative reference and input builder live on the scoring server;
editing this copy changes nothing except your own understanding.
"""

import jax, jax.numpy as jnp
import numpy as np

V = 256
D_G = 512
T = 2048
P = 16
K = 128
B = 4


def setup_inputs(seed: int = 0) -> dict:
    key = jax.random.key(seed)
    k1, k2, k3 = jax.random.split(key, 3)
    bytes_ = jax.random.randint(k1, (B, T), 0, V, dtype=jnp.int32)
    emb = jax.random.normal(k2, (V, D_G), dtype=jnp.float32) * 0.02
    pos = jax.random.normal(k3, (T, D_G), dtype=jnp.float32) * 0.02
    return {"bytes": bytes_, "emb": emb, "pos": pos}


def reference(bytes, emb, pos):
    # token embedding lookup (gather) + positional embedding lookup
    x = jnp.take(emb, bytes, axis=0) + jnp.take(pos, jnp.arange(T), axis=0)[None, :, :]
    # rearrange 'b (k p) d -> b k (p d)'
    b = bytes.shape[0]
    x = x.reshape(b, K, P * D_G)
    return x

if __name__ == "__main__":
    import jax
    _d = setup_inputs()
    print(jax.jit(kernel)(*tuple(_d.values())))

</pallas_src>

<mosaic_0001>
#map = affine_map<(d0, d1) -> (0, 0)>
module attributes {stable_mosaic.version = 14 : i64} {
  func.func @_sc_body(%arg0: i32, %arg1: i32, %arg2: memref<4x2048xi32, #tpu.memory_space<hbm>>, %arg3: memref<256x512xf32, #tpu.memory_space<hbm>>, %arg4: memref<2048x512xf32, #tpu.memory_space<hbm>>, %arg5: memref<2048x512xf32, #tpu.memory_space<hbm>>, %arg6: memref<1x128xi32, #tpu.memory_space<vmem>>, %arg7: memref<128x512xf32, #tpu.memory_space<vmem>>, %arg8: memref<32x512xf32, #tpu.memory_space<vmem>>, %arg9: memref<32x512xf32, #tpu.memory_space<vmem>>, %arg10: memref<32x512xf32, #tpu.memory_space<vmem>>, %arg11: memref<!tpu.dma_semaphore, #tpu.memory_space<semaphore_mem>>, %arg12: memref<!tpu.dma_semaphore, #tpu.memory_space<semaphore_mem>>, %arg13: memref<!tpu.dma_semaphore, #tpu.memory_space<semaphore_mem>>, %arg14: memref<!tpu.dma_semaphore, #tpu.memory_space<semaphore_mem>>, %arg15: memref<!tpu.dma_semaphore, #tpu.memory_space<semaphore_mem>>, %arg16: memref<!tpu.dma_semaphore, #tpu.memory_space<semaphore_mem>>, %arg17: memref<!tpu.dma_semaphore, #tpu.memory_space<semaphore_mem>>) attributes {dimension_semantics = [#tpu.dimension_semantics<core_parallel>, #tpu.dimension_semantics<subcore_parallel>], iteration_bounds = array<i64: 1, 16>, scalar_prefetch = 0 : i64, scratch_operands = 12 : i64, tpu.core_type = #tpu.core_type<sc_vector_subcore>, window_params = [{transform_indices = #map}, {transform_indices = #map}, {transform_indices = #map}, {transform_indices = #map}]} {
    %mul3A = arith.constant 128 : i32
    %mul3A_0 = arith.muli %arg1, %mul3A : i32
    %dma_start3A = arith.constant 0 : i32
    %dma_start3A_1 = tpu.memref_slice %arg4[%mul3A_0, %dma_start3A] : memref<2048x512xf32, #tpu.memory_space<hbm>> -> memref<128x512xf32, #tpu.memory_space<hbm>>
    %dma_start3A_2 = arith.constant 0 : i32
    %dma_start3A_3 = tpu.memref_slice %arg4[%mul3A_0, %dma_start3A_2] : memref<2048x512xf32, #tpu.memory_space<hbm>> -> memref<128x512xf32, #tpu.memory_space<hbm>>
    tpu.enqueue_dma source(%dma_start3A_3 : memref<128x512xf32, #tpu.memory_space<hbm>>) target(%arg7 : memref<128x512xf32, #tpu.memory_space<vmem>>) target_semaphore(%arg11 : memref<!tpu.dma_semaphore, #tpu.memory_space<semaphore_mem>>)
    %run_scoped3A = arith.constant 0 : i32
    %run_scoped3A_4 = arith.constant 0 : i32
    "tpu.region"() ({
      %run_scoped3A_122 = tpu.sem_alloc : memref<!tpu.dma_semaphore, #tpu.memory_space<semaphore_mem>>
      %dma_start3A_123 = arith.constant 0 : i32
      %dma_start3A_124 = tpu.memref_slice %arg6[%run_scoped3A_4, %dma_start3A_123] : memref<1x128xi32, #tpu.memory_space<vmem>> -> memref<1x128xi32, #tpu.memory_space<vmem>>
      %dma_start3A_125 = tpu.memref_squeeze %dma_start3A_124 : memref<1x128xi32, #tpu.memory_space<vmem>> -> memref<128xi32, #tpu.memory_space<vmem>>
      %dma_start3A_126 = tpu.memref_slice %arg2[%run_scoped3A, %mul3A_0] : memref<4x2048xi32, #tpu.memory_space<hbm>> -> memref<1x128xi32, #tpu.memory_space<hbm>>
      %dma_start3A_127 = tpu.memref_squeeze %dma_start3A_126 : memref<1x128xi32, #tpu.memory_space<hbm>> -> memref<128xi32, #tpu.memory_space<hbm>>
      %dma_start3A_128 = arith.constant 0 : i32
      %dma_start3A_129 = tpu.memref_slice %arg6[%run_scoped3A_4, %dma_start3A_128] : memref<1x128xi32, #tpu.memory_space<vmem>> -> memref<1x128xi32, #tpu.memory_space<vmem>>
      %dma_start3A_130 = tpu.memref_squeeze %dma_start3A_129 : memref<1x128xi32, #tpu.memory_space<vmem>> -> memref<128xi32, #tpu.memory_space<vmem>>
      %dma_start3A_131 = tpu.memref_slice %arg2[%run_scoped3A, %mul3A_0] : memref<4x2048xi32, #tpu.memory_space<hbm>> -> memref<1x128xi32, #tpu.memory_space<hbm>>
      %dma_start3A_132 = tpu.memref_squeeze %dma_start3A_131 : memref<1x128xi32, #tpu.memory_space<hbm>> -> memref<128xi32, #tpu.memory_space<hbm>>
      tpu.enqueue_dma source(%dma_start3A_132 : memref<128xi32, #tpu.memory_space<hbm>>) target(%dma_start3A_130 : memref<128xi32, #tpu.memory_space<vmem>>) target_semaphore(%run_scoped3A_122 : memref<!tpu.dma_semaphore, #tpu.memory_space<semaphore_mem>>)
      %dma_wait3A_133 = arith.constant 0 : i32
      %dma_wait3A_134 = tpu.memref_slice %arg6[%run_scoped3A_4, %dma_wait3A_133] : memref<1x128xi32, #tpu.memory_space<vmem>> -> memref<1x128xi32, #tpu.memory_space<vmem>>
      %dma_wait3A_135 = tpu.memref_squeeze %dma_wait3A_134 : memref<1x128xi32, #tpu.memory_space<vmem>> -> memref<128xi32, #tpu.memory_space<vmem>>
      %dma_wait3A_136 = tpu.memref_slice %arg2[%run_scoped3A, %mul3A_0] : memref<4x2048xi32, #tpu.memory_space<hbm>> -> memref<1x128xi32, #tpu.memory_space<hbm>>
      %dma_wait3A_137 = tpu.memref_squeeze %dma_wait3A_136 : memref<1x128xi32, #tpu.memory_space<hbm>> -> memref<128xi32, #tpu.memory_space<hbm>>
      %dma_wait3A_138 = arith.constant 0 : i32
      %dma_wait3A_139 = tpu.memref_slice %arg6[%run_scoped3A_4, %dma_wait3A_138] : memref<1x128xi32, #tpu.memory_space<vmem>> -> memref<1x128xi32, #tpu.memory_space<vmem>>
      %dma_wait3A_140 = tpu.memref_squeeze %dma_wait3A_139 : memref<1x128xi32, #tpu.memory_space<vmem>> -> memref<128xi32, #tpu.memory_space<vmem>>
      %dma_wait3A_141 = tpu.memref_slice %arg2[%run_scoped3A, %mul3A_0] : memref<4x2048xi32, #tpu.memory_space<hbm>> -> memref<1x128xi32, #tpu.memory_space<hbm>>
      %dma_wait3A_142 = tpu.memref_squeeze %dma_wait3A_141 : memref<1x128xi32, #tpu.memory_space<hbm>> -> memref<128xi32, #tpu.memory_space<hbm>>
      tpu.wait_dma2 semaphore(%run_scoped3A_122 : memref<!tpu.dma_semaphore, #tpu.memory_space<semaphore_mem>>) src(%dma_wait3A_142 : memref<128xi32, #tpu.memory_space<hbm>>) dst(%dma_wait3A_140 : memref<128xi32, #tpu.memory_space<vmem>>)
      tpu.yield
    }) : () -> ()
    %dma_start3A_5 = arith.constant 0 : i32
    %dma_start3A_6 = arith.constant 0 : i32
    %dma_start3A_7 = tpu.memref_slice %arg6[%dma_start3A_5, %dma_start3A_6] : memref<1x128xi32, #tpu.memory_space<vmem>> -> memref<1x32xi32, #tpu.memory_space<vmem>>
    %dma_start3A_8 = tpu.memref_squeeze %dma_start3A_7 : memref<1x32xi32, #tpu.memory_space<vmem>> -> memref<32xi32, #tpu.memory_space<vmem>>
    %dma_start3A_9 = arith.constant 0 : i32
    %dma_start3A_10 = arith.constant 0 : i32
    %dma_start3A_11 = tpu.memref_slice %arg3[%dma_start3A_9, %dma_start3A_10] : memref<256x512xf32, #tpu.memory_space<hbm>> -> memref<256x512xf32, #tpu.memory_space<hbm>>
    tpu.enqueue_indirect_dma source(%dma_start3A_11 : memref<256x512xf32, #tpu.memory_space<hbm>>) target(%arg8 : memref<32x512xf32, #tpu.memory_space<vmem>>) offsets(%dma_start3A_8 : memref<32xi32, #tpu.memory_space<vmem>>) semaphore(%arg12 : memref<!tpu.dma_semaphore, #tpu.memory_space<semaphore_mem>>)
    %dma_start3A_12 = arith.constant 0 : i32
    %dma_start3A_13 = arith.constant 32 : i32
    %dma_start3A_14 = tpu.memref_slice %arg6[%dma_start3A_12, %dma_start3A_13] : memref<1x128xi32, #tpu.memory_space<vmem>> -> memref<1x32xi32, #tpu.memory_space<vmem>>
    %dma_start3A_15 = tpu.memref_squeeze %dma_start3A_14 : memref<1x32xi32, #tpu.memory_space<vmem>> -> memref<32xi32, #tpu.memory_space<vmem>>
    %dma_start3A_16 = arith.constant 0 : i32
    %dma_start3A_17 = arith.constant 0 : i32
    %dma_start3A_18 = tpu.memref_slice %arg3[%dma_start3A_16, %dma_start3A_17] : memref<256x512xf32, #tpu.memory_space<hbm>> -> memref<256x512xf32, #tpu.memory_space<hbm>>
    tpu.enqueue_indirect_dma source(%dma_start3A_18 : memref<256x512xf32, #tpu.memory_space<hbm>>) target(%arg9 : memref<32x512xf32, #tpu.memory_space<vmem>>) offsets(%dma_start3A_15 : memref<32xi32, #tpu.memory_space<vmem>>) semaphore(%arg13 : memref<!tpu.dma_semaphore, #tpu.memory_space<semaphore_mem>>)
    %dma_wait3A = arith.constant 0 : i32
    %dma_wait3A_19 = tpu.memref_slice %arg4[%mul3A_0, %dma_wait3A] : memref<2048x512xf32, #tpu.memory_space<hbm>> -> memref<128x512xf32, #tpu.memory_space<hbm>>
    %dma_wait3A_20 = arith.constant 0 : i32
    %dma_wait3A_21 = tpu.memref_slice %arg4[%mul3A_0, %dma_wait3A_20] : memref<2048x512xf32, #tpu.memory_space<hbm>> -> memref<128x512xf32, #tpu.memory_space<hbm>>
    tpu.wait_dma2 semaphore(%arg11 : memref<!tpu.dma_semaphore, #tpu.memory_space<semaphore_mem>>) src(%dma_wait3A_21 : memref<128x512xf32, #tpu.memory_space<hbm>>) dst(%arg7 : memref<128x512xf32, #tpu.memory_space<vmem>>)
    %dma_wait3A_22 = arith.constant 0 : i32
    %dma_wait3A_23 = arith.constant 0 : i32
    %dma_wait3A_24 = tpu.memref_slice %arg6[%dma_wait3A_22, %dma_wait3A_23] : memref<1x128xi32, #tpu.memory_space<vmem>> -> memref<1x32xi32, #tpu.memory_space<vmem>>
    %dma_wait3A_25 = tpu.memref_squeeze %dma_wait3A_24 : memref<1x32xi32, #tpu.memory_space<vmem>> -> memref<32xi32, #tpu.memory_space<vmem>>
    %dma_wait3A_26 = arith.constant 0 : i32
    %dma_wait3A_27 = arith.constant 0 : i32
    %dma_wait3A_28 = tpu.memref_slice %arg3[%dma_wait3A_26, %dma_wait3A_27] : memref<256x512xf32, #tpu.memory_space<hbm>> -> memref<256x512xf32, #tpu.memory_space<hbm>>
    tpu.wait_indirect_dma semaphore(%arg12 : memref<!tpu.dma_semaphore, #tpu.memory_space<semaphore_mem>>) src(%dma_wait3A_28 : memref<256x512xf32, #tpu.memory_space<hbm>>) dst(%arg8 : memref<32x512xf32, #tpu.memory_space<vmem>>)
    %parallel_loop3A = arith.constant 0 : i32
    %parallel_loop3A_29 = arith.constant 32 : i32
    %parallel_loop3A_30 = arith.constant 1 : i32
    scf.for %parallel_loop3A_122 = %parallel_loop3A to %parallel_loop3A_29 step %parallel_loop3A_30  : i32 {
      %parallel_loop3A_123 = arith.constant 0 : i32
      %parallel_loop3A_124 = arith.addi %parallel_loop3A_123, %parallel_loop3A_122 : i32
      %parallel_loop3A_125 = arith.index_cast %parallel_loop3A_124 : i32 to index
      %parallel_loop3A_126 = arith.constant 0 : index
      %parallel_loop3A_127 = tpu.vector_load %arg7[%parallel_loop3A_125, %parallel_loop3A_126] {strides = array<i32>} : memref<128x512xf32, #tpu.memory_space<vmem>>, vector<1x16xf32>,
      %parallel_loop3A_128 = vector.shape_cast %parallel_loop3A_127 : vector<1x16xf32> to vector<16xf32>
      %parallel_loop3A_129 = arith.index_cast %parallel_loop3A_122 : i32 to index
      %parallel_loop3A_130 = arith.constant 0 : index
      %parallel_loop3A_131 = tpu.vector_load %arg8[%parallel_loop3A_129, %parallel_loop3A_130] {strides = array<i32>} : memref<32x512xf32, #tpu.memory_space<vmem>>, vector<1x16xf32>,
      %parallel_loop3A_132 = vector.shape_cast %parallel_loop3A_131 : vector<1x16xf32> to vector<16xf32>
      %parallel_loop3A_133 = vector.shape_cast %parallel_loop3A_128 : vector<16xf32> to vector<1x16xf32>
      tpu.vector_store %arg8[%parallel_loop3A_129, %parallel_loop3A_130], %parallel_loop3A_133 {add = true, strides = array<i32>} : memref<32x512xf32, #tpu.memory_space<vmem>>, vector<1x16xf32>,
      %parallel_loop3A_134 = arith.constant 0 : i32
      %parallel_loop3A_135 = arith.addi %parallel_loop3A_134, %parallel_loop3A_122 : i32
      %parallel_loop3A_136 = arith.index_cast %parallel_loop3A_135 : i32 to index
      %parallel_loop3A_137 = arith.constant 16 : index
      %parallel_loop3A_138 = tpu.vector_load %arg7[%parallel_loop3A_136, %parallel_loop3A_137] {strides = array<i32>} : memref<128x512xf32, #tpu.memory_space<vmem>>, vector<1x16xf32>,
      %parallel_loop3A_139 = vector.shape_cast %parallel_loop3A_138 : vector<1x16xf32> to vector<16xf32>
      %parallel_loop3A_140 = arith.index_cast %parallel_loop3A_122 : i32 to index
      %parallel_loop3A_141 = arith.constant 16 : index
      %parallel_loop3A_142 = tpu.vector_load %arg8[%parallel_loop3A_140, %parallel_loop3A_141] {strides = array<i32>} : memref<32x512xf32, #tpu.memory_space<vmem>>, vector<1x16xf32>,
      %parallel_loop3A_143 = vector.shape_cast %parallel_loop3A_142 : vector<1x16xf32> to vector<16xf32>
      %parallel_loop3A_144 = vector.shape_cast %parallel_loop3A_139 : vector<16xf32> to vector<1x16xf32>
      tpu.vector_store %arg8[%parallel_loop3A_140, %parallel_loop3A_141], %parallel_loop3A_144 {add = true, strides = array<i32>} : memref<32x512xf32, #tpu.memory_space<vmem>>, vector<1x16xf32>,
      %parallel_loop3A_145 = arith.constant 0 : i32
      %parallel_loop3A_146 = arith.addi %parallel_loop3A_145, %parallel_loop3A_122 : i32
      %parallel_loop3A_147 = arith.index_cast %parallel_loop3A_146 : i32 to index
      %parallel_loop3A_148 = arith.constant 32 : index
      %parallel_loop3A_149 = tpu.vector_load %arg7[%parallel_loop3A_147, %parallel_loop3A_148] {strides = array<i32>} : memref<128x512xf32, #tpu.memory_space<vmem>>, vector<1x16xf32>,
      %parallel_loop3A_150 = vector.shape_cast %parallel_loop3A_149 : vector<1x16xf32> to vector<16xf32>
      %parallel_loop3A_151 = arith.index_cast %parallel_loop3A_122 : i32 to index
      %parallel_loop3A_152 = arith.constant 32 : index
      %parallel_loop3A_153 = tpu.vector_load %arg8[%parallel_loop3A_151, %parallel_loop3A_152] {strides = array<i32>} : memref<32x512xf32, #tpu.memory_space<vmem>>, vector<1x16xf32>,
      %parallel_loop3A_154 = vector.shape_cast %parallel_loop3A_153 : vector<1x16xf32> to vector<16xf32>
      %parallel_loop3A_155 = vector.shape_cast %parallel_loop3A_150 : vector<16xf32> to vector<1x16xf32>
      tpu.vector_store %arg8[%parallel_loop3A_151, %parallel_loop3A_152], %parallel_loop3A_155 {add = true, strides = array<i32>} : memref<32x512xf32, #tpu.memory_space<vmem>>, vector<1x16xf32>,
      %parallel_loop3A_156 = arith.constant 0 : i32
      %parallel_loop3A_157 = arith.addi %parallel_loop3A_156, %parallel_loop3A_122 : i32
      %parallel_loop3A_158 = arith.index_cast %parallel_loop3A_157 : i32 to index
      %parallel_loop3A_159 = arith.constant 48 : index
      %parallel_loop3A_160 = tpu.vector_load %arg7[%parallel_loop3A_158, %parallel_loop3A_159] {strides = array<i32>} : memref<128x512xf32, #tpu.memory_space<vmem>>, vector<1x16xf32>,
      %parallel_loop3A_161 = vector.shape_cast %parallel_loop3A_160 : vector<1x16xf32> to vector<16xf32>
      %parallel_loop3A_162 = arith.index_cast %parallel_loop3A_122 : i32 to index
      %parallel_loop3A_163 = arith.constant 48 : index
      %parallel_loop3A_164 = tpu.vector_load %arg8[%parallel_loop3A_162, %parallel_loop3A_163] {strides = array<i32>} : memref<32x512xf32, #tpu.memory_space<vmem>>, vector<1x16xf32>,
      %parallel_loop3A_165 = vector.shape_cast %parallel_loop3A_164 : vector<1x16xf32> to vector<16xf32>
      %parallel_loop3A_166 = vector.shape_cast %parallel_loop3A_161 : vector<16xf32> to vector<1x16xf32>
      tpu.vector_store %arg8[%parallel_loop3A_162, %parallel_loop3A_163], %parallel_loop3A_166 {add = true, strides = array<i32>} : memref<32x512xf32, #tpu.memory_space<vmem>>, vector<1x16xf32>,
      %parallel_loop3A_167 = arith.constant 0 : i32
      %parallel_loop3A_168 = arith.addi %parallel_loop3A_167, %parallel_loop3A_122 : i32
      %parallel_loop3A_169 = arith.index_cast %parallel_loop3A_168 : i32 to index
      %parallel_loop3A_170 = arith.constant 64 : index
      %parallel_loop3A_171 = tpu.vector_load %arg7[%parallel_loop3A_169, %parallel_loop3A_170] {strides = array<i32>} : memref<128x512xf32, #tpu.memory_space<vmem>>, vector<1x16xf32>,
      %parallel_loop3A_172 = vector.shape_cast %parallel_loop3A_171 : vector<1x16xf32> to vector<16xf32>
      %parallel_loop3A_173 = arith.index_cast %parallel_loop3A_122 : i32 to index
      %parallel_loop3A_174 = arith.constant 64 : index
      %parallel_loop3A_175 = tpu.vector_load %arg8[%parallel_loop3A_173, %parallel_loop3A_174] {strides = array<i32>} : memref<32x512xf32, #tpu.memory_space<vmem>>, vector<1x16xf32>,
      %parallel_loop3A_176 = vector.shape_cast %parallel_loop3A_175 : vector<1x16xf32> to vector<16xf32>
      %parallel_loop3A_177 = vector.shape_cast %parallel_loop3A_172 : vector<16xf32> to vector<1x16xf32>
      tpu.vector_store %arg8[%parallel_loop3A_173, %parallel_loop3A_174], %parallel_loop3A_177 {add = true, strides = array<i32>} : memref<32x512xf32, #tpu.memory_space<vmem>>, vector<1x16xf32>,
      %parallel_loop3A_178 = arith.constant 0 : i32
      %parallel_loop3A_179 = arith.addi %parallel_loop3A_178, %parallel_loop3A_122 : i32
      %parallel_loop3A_180 = arith.index_cast %parallel_loop3A_179 : i32 to index
      %parallel_loop3A_181 = arith.constant 80 : index
      %parallel_loop3A_182 = tpu.vector_load %arg7[%parallel_loop3A_180, %parallel_loop3A_181] {strides = array<i32>} : memref<128x512xf32, #tpu.memory_space<vmem>>, vector<1x16xf32>,
      %parallel_loop3A_183 = vector.shape_cast %parallel_loop3A_182 : vector<1x16xf32> to vector<16xf32>
      %parallel_loop3A_184 = arith.index_cast %parallel_loop3A_122 : i32 to index
      %parallel_loop3A_185 = arith.constant 80 : index
      %parallel_loop3A_186 = tpu.vector_load %arg8[%parallel_loop3A_184, %parallel_loop3A_185] {strides = array<i32>} : memref<32x512xf32, #tpu.memory_space<vmem>>, vector<1x16xf32>,
      %parallel_loop3A_187 = vector.shape_cast %parallel_loop3A_186 : vector<1x16xf32> to vector<16xf32>
      %parallel_loop3A_188 = vector.shape_cast %parallel_loop3A_183 : vector<16xf32> to vector<1x16xf32>
      tpu.vector_store %arg8[%parallel_loop3A_184, %parallel_loop3A_185], %parallel_loop3A_188 {add = true, strides = array<i32>} : memref<32x512xf32, #tpu.memory_space<vmem>>, vector<1x16xf32>,
      %parallel_loop3A_189 = arith.constant 0 : i32
      %parallel_loop3A_190 = arith.addi %parallel_loop3A_189, %parallel_loop3A_122 : i32
      %parallel_loop3A_191 = arith.index_cast %parallel_loop3A_190 : i32 to index
      %parallel_loop3A_192 = arith.constant 96 : index
      %parallel_loop3A_193 = tpu.vector_load %arg7[%parallel_loop3A_191, %parallel_loop3A_192] {strides = array<i32>} : memref<128x512xf32, #tpu.memory_space<vmem>>, vector<1x16xf32>,
      %parallel_loop3A_194 = vector.shape_cast %parallel_loop3A_193 : vector<1x16xf32> to vector<16xf32>
      %parallel_loop3A_195 = arith.index_cast %parallel_loop3A_122 : i32 to index
      %parallel_loop3A_196 = arith.constant 96 : index
      %parallel_loop3A_197 = tpu.vector_load %arg8[%parallel_loop3A_195, %parallel_loop3A_196] {strides = array<i32>} : memref<32x512xf32, #tpu.memory_space<vmem>>, vector<1x16xf32>,
      %parallel_loop3A_198 = vector.shape_cast %parallel_loop3A_197 : vector<1x16xf32> to vector<16xf32>
      %parallel_loop3A_199 = vector.shape_cast %parallel_loop3A_194 : vector<16xf32> to vector<1x16xf32>
      tpu.vector_store %arg8[%parallel_loop3A_195, %parallel_loop3A_196], %parallel_loop3A_199 {add = true, strides = array<i32>} : memref<32x512xf32, #tpu.memory_space<vmem>>, vector<1x16xf32>,
      %parallel_loop3A_200 = arith.constant 0 : i32
      %parallel_loop3A_201 = arith.addi %parallel_loop3A_200, %parallel_loop3A_122 : i32
      %parallel_loop3A_202 = arith.index_cast %parallel_loop3A_201 : i32 to index
      %parallel_loop3A_203 = arith.constant 112 : index
      %parallel_loop3A_204 = tpu.vector_load %arg7[%parallel_loop3A_202, %parallel_loop3A_203] {strides = array<i32>} : memref<128x512xf32, #tpu.memory_space<vmem>>, vector<1x16xf32>,
      %parallel_loop3A_205 = vector.shape_cast %parallel_loop3A_204 : vector<1x16xf32> to vector<16xf32>
      %parallel_loop3A_206 = arith.index_cast %parallel_loop3A_122 : i32 to index
      %parallel_loop3A_207 = arith.constant 112 : index
      %parallel_loop3A_208 = tpu.vector_load %arg8[%parallel_loop3A_206, %parallel_loop3A_207] {strides = array<i32>} : memref<32x512xf32, #tpu.memory_space<vmem>>, vector<1x16xf32>,
      %parallel_loop3A_209 = vector.shape_cast %parallel_loop3A_208 : vector<1x16xf32> to vector<16xf32>
      %parallel_loop3A_210 = vector.shape_cast %parallel_loop3A_205 : vector<16xf32> to vector<1x16xf32>
      tpu.vector_store %arg8[%parallel_loop3A_206, %parallel_loop3A_207], %parallel_loop3A_210 {add = true, strides = array<i32>} : memref<32x512xf32, #tpu.memory_space<vmem>>, vector<1x16xf32>,
      %parallel_loop3A_211 = arith.constant 0 : i32
      %parallel_loop3A_212 = arith.addi %parallel_loop3A_211, %parallel_loop3A_122 : i32
      %parallel_loop3A_213 = arith.index_cast %parallel_loop3A_212 : i32 to index
      %parallel_loop3A_214 = arith.constant 128 : index
      %parallel_loop3A_215 = tpu.vector_load %arg7[%parallel_loop3A_213, %parallel_loop3A_214] {strides = array<i32>} : memref<128x512xf32, #tpu.memory_space<vmem>>, vector<1x16xf32>,
      %parallel_loop3A_216 = vector.shape_cast %parallel_loop3A_215 : vector<1x16xf32> to vector<16xf32>
      %parallel_loop3A_217 = arith.index_cast %parallel_loop3A_122 : i32 to index
      %parallel_loop3A_218 = arith.constant 128 : index
      %parallel_loop3A_219 = tpu.vector_load %arg8[%parallel_loop3A_217, %parallel_loop3A_218] {strides = array<i32>} : memref<32x512xf32, #tpu.memory_space<vmem>>, vector<1x16xf32>,
      %parallel_loop3A_220 = vector.shape_cast %parallel_loop3A_219 : vector<1x16xf32> to vector<16xf32>
      %parallel_loop3A_221 = vector.shape_cast %parallel_loop3A_216 : vector<16xf32> to vector<1x16xf32>
      tpu.vector_store %arg8[%parallel_loop3A_217, %parallel_loop3A_218], %parallel_loop3A_221 {add = true, strides = array<i32>} : memref<32x512xf32, #tpu.memory_space<vmem>>, vector<1x16xf32>,
      %parallel_loop3A_222 = arith.constant 0 : i32
      %parallel_loop3A_223 = arith.addi %parallel_loop3A_222, %parallel_loop3A_122 : i32
      %parallel_loop3A_224 = arith.index_cast %parallel_loop3A_223 : i32 to index
      %parallel_loop3A_225 = arith.constant 144 : index
      %parallel_loop3A_226 = tpu.vector_load %arg7[%parallel_loop3A_224, %parallel_loop3A_225] {strides = array<i32>} : memref<128x512xf32, #tpu.memory_space<vmem>>, vector<1x16xf32>,
      %parallel_loop3A_227 = vector.shape_cast %parallel_loop3A_226 : vector<1x16xf32> to vector<16xf32>
      %parallel_loop3A_228 = arith.index_cast %parallel_loop3A_122 : i32 to index
      %parallel_loop3A_229 = arith.constant 144 : index
      %parallel_loop3A_230 = tpu.vector_load %arg8[%parallel_loop3A_228, %parallel_loop3A_229] {strides = array<i32>} : memref<32x512xf32, #tpu.memory_space<vmem>>, vector<1x16xf32>,
      %parallel_loop3A_231 = vector.shape_cast %parallel_loop3A_230 : vector<1x16xf32> to vector<16xf32>
      %parallel_loop3A_232 = vector.shape_cast %parallel_loop3A_227 : vector<16xf32> to vector<1x16xf32>
      tpu.vector_store %arg8[%parallel_loop3A_228, %parallel_loop3A_229], %parallel_loop3A_232 {add = true, strides = array<i32>} : memref<32x512xf32, #tpu.memory_space<vmem>>, vector<1x16xf32>,
      %parallel_loop3A_233 = arith.constant 0 : i32
      %parallel_loop3A_234 = arith.addi %parallel_loop3A_233, %parallel_loop3A_122 : i32
      %parallel_loop3A_235 = arith.index_cast %parallel_loop3A_234 : i32 to index
      %parallel_loop3A_236 = arith.constant 160 : index
      %parallel_loop3A_237 = tpu.vector_load %arg7[%parallel_loop3A_235, %parallel_loop3A_236] {strides = array<i32>} : memref<128x512xf32, #tpu.memory_space<vmem>>, vector<1x16xf32>,
      %parallel_loop3A_238 = vector.shape_cast %parallel_loop3A_237 : vector<1x16xf32> to vector<16xf32>
      %parallel_loop3A_239 = arith.index_cast %parallel_loop3A_122 : i32 to index
      %parallel_loop3A_240 = arith.constant 160 : index
      %parallel_loop3A_241 = tpu.vector_load %arg8[%parallel_loop3A_239, %parallel_loop3A_240] {strides = array<i32>} : memref<32x512xf32, #tpu.memory_space<vmem>>, vector<1x16xf32>,
      %parallel_loop3A_242 = vector.shape_cast %parallel_loop3A_241 : vector<1x16xf32> to vector<16xf32>
      %parallel_loop3A_243 = vector.shape_cast %parallel_loop3A_238 : vector<16xf32> to vector<1x16xf32>
      tpu.vector_store %arg8[%parallel_loop3A_239, %parallel_loop3A_240], %parallel_loop3A_243 {add = true, strides = array<i32>} : memref<32x512xf32, #tpu.memory_space<vmem>>, vector<1x16xf32>,
      %parallel_loop3A_244 = arith.constant 0 : i32
      %parallel_loop3A_245 = arith.addi %parallel_loop3A_244, %parallel_loop3A_122 : i32
      %parallel_loop3A_246 = arith.index_cast %parallel_loop3A_245 : i32 to index
      %parallel_loop3A_247 = arith.constant 176 : index
      %parallel_loop3A_248 = tpu.vector_load %arg7[%parallel_loop3A_246, %parallel_loop3A_247] {strides = array<i32>} : memref<128x512xf32, #tpu.memory_space<vmem>>, vector<1x16xf32>,
      %parallel_loop3A_249 = vector.shape_cast %parallel_loop3A_248 : vector<1x16xf32> to vector<16xf32>
      %parallel_loop3A_250 = arith.index_cast %parallel_loop3A_122 : i32 to index
      %parallel_loop3A_251 = arith.constant 176 : index
      %parallel_loop3A_252 = tpu.vector_load %arg8[%parallel_loop3A_250, %parallel_loop3A_251] {strides = array<i32>} : memref<32x512xf32, #tpu.memory_space<vmem>>, vector<1x16xf32>,
      %parallel_loop3A_253 = vector.shape_cast %parallel_loop3A_252 : vector<1x16xf32> to vector<16xf32>
      %parallel_loop3A_254 = vector.shape_cast %parallel_loop3A_249 : vector<16xf32> to vector<1x16xf32>
      tpu.vector_store %arg8[%parallel_loop3A_250, %parallel_loop3A_251], %parallel_loop3A_254 {add = true, strides = array<i32>} : memref<32x512xf32, #tpu.memory_space<vmem>>, vector<1x16xf32>,
      %parallel_loop3A_255 = arith.constant 0 : i32
      %parallel_loop3A_256 = arith.addi %parallel_loop3A_255, %parallel_loop3A_122 : i32
      %parallel_loop3A_257 = arith.index_cast %parallel_loop3A_256 : i32 to index
      %parallel_loop3A_258 = arith.constant 192 : index
      %parallel_loop3A_259 = tpu.vector_load %arg7[%parallel_loop3A_257, %parallel_loop3A_258] {strides = array<i32>} : memref<128x512xf32, #tpu.memory_space<vmem>>, vector<1x16xf32>,
      %parallel_loop3A_260 = vector.shape_cast %parallel_loop3A_259 : vector<1x16xf32> to vector<16xf32>
      %parallel_loop3A_261 = arith.index_cast %parallel_loop3A_122 : i32 to index
      %parallel_loop3A_262 = arith.constant 192 : index
      %parallel_loop3A_263 = tpu.vector_load %arg8[%parallel_loop3A_261, %parallel_loop3A_262] {strides = array<i32>} : memref<32x512xf32, #tpu.memory_space<vmem>>, vector<1x16xf32>,
      %parallel_loop3A_264 = vector.shape_cast %parallel_loop3A_263 : vector<1x16xf32> to vector<16xf32>
      %parallel_loop3A_265 = vector.shape_cast %parallel_loop3A_260 : vector<16xf32> to vector<1x16xf32>
      tpu.vector_store %arg8[%parallel_loop3A_261, %parallel_loop3A_262], %parallel_loop3A_265 {add = true, strides = array<i32>} : memref<32x512xf32, #tpu.memory_space<vmem>>, vector<1x16xf32>,
      %parallel_loop3A_266 = arith.constant 0 : i32
      %parallel_loop3A_267 = arith.addi %parallel_loop3A_266, %parallel_loop3A_122 : i32
      %parallel_loop3A_268 = arith.index_cast %parallel_loop3A_267 : i32 to index
      %parallel_loop3A_269 = arith.constant 208 : index
      %parallel_loop3A_270 = tpu.vector_load %arg7[%parallel_loop3A_268, %parallel_loop3A_269] {strides = array<i32>} : memref<128x512xf32, #tpu.memory_space<vmem>>, vector<1x16xf32>,
      %parallel_loop3A_271 = vector.shape_cast %parallel_loop3A_270 : vector<1x16xf32> to vector<16xf32>
      %parallel_loop3A_272 = arith.index_cast %parallel_loop3A_122 : i32 to index
      %parallel_loop3A_273 = arith.constant 208 : index
      %parallel_loop3A_274 = tpu.vector_load %arg8[%parallel_loop3A_272, %parallel_loop3A_273] {strides = array<i32>} : memref<32x512xf32, #tpu.memory_space<vmem>>, vector<1x16xf32>,
      %parallel_loop3A_275 = vector.shape_cast %parallel_loop3A_274 : vector<1x16xf32> to vector<16xf32>
      %parallel_loop3A_276 = vector.shape_cast %parallel_loop3A_271 : vector<16xf32> to vector<1x16xf32>
      tpu.vector_store %arg8[%parallel_loop3A_272, %parallel_loop3A_273], %parallel_loop3A_276 {add = true, strides = array<i32>} : memref<32x512xf32, #tpu.memory_space<vmem>>, vector<1x16xf32>,
      %parallel_loop3A_277 = arith.constant 0 : i32
      %parallel_loop3A_278 = arith.addi %parallel_loop3A_277, %parallel_loop3A_122 : i32
      %parallel_loop3A_279 = arith.index_cast %parallel_loop3A_278 : i32 to index
      %parallel_loop3A_280 = arith.constant 224 : index
      %parallel_loop3A_281 = tpu.vector_load %arg7[%parallel_loop3A_279, %parallel_loop3A_280] {strides = array<i32>} : memref<128x512xf32, #tpu.memory_space<vmem>>, vector<1x16xf32>,
      %parallel_loop3A_282 = vector.shape_cast %parallel_loop3A_281 : vector<1x16xf32> to vector<16xf32>
      %parallel_loop3A_283 = arith.index_cast %parallel_loop3A_122 : i32 to index
      %parallel_loop3A_284 = arith.constant 224 : index
      %parallel_loop3A_285 = tpu.vector_load %arg8[%parallel_loop3A_283, %parallel_loop3A_284] {strides = array<i32>} : memref<32x512xf32, #tpu.memory_space<vmem>>, vector<1x16xf32>,
      %parallel_loop3A_286 = vector.shape_cast %parallel_loop3A_285 : vector<1x16xf32> to vector<16xf32>
      %parallel_loop3A_287 = vector.shape_cast %parallel_loop3A_282 : vector<16xf32> to vector<1x16xf32>
      tpu.vector_store %arg8[%parallel_loop3A_283, %parallel_loop3A_284], %parallel_loop3A_287 {add = true, strides = array<i32>} : memref<32x512xf32, #tpu.memory_space<vmem>>, vector<1x16xf32>,
      %parallel_loop3A_288 = arith.constant 0 : i32
      %parallel_loop3A_289 = arith.addi %parallel_loop3A_288, %parallel_loop3A_122 : i32
      %parallel_loop3A_290 = arith.index_cast %parallel_loop3A_289 : i32 to index
      %parallel_loop3A_291 = arith.constant 240 : index
      %parallel_loop3A_292 = tpu.vector_load %arg7[%parallel_loop3A_290, %parallel_loop3A_291] {strides = array<i32>} : memref<128x512xf32, #tpu.memory_space<vmem>>, vector<1x16xf32>,
      %parallel_loop3A_293 = vector.shape_cast %parallel_loop3A_292 : vector<1x16xf32> to vector<16xf32>
      %parallel_loop3A_294 = arith.index_cast %parallel_loop3A_122 : i32 to index
      %parallel_loop3A_295 = arith.constant 240 : index
      %parallel_loop3A_296 = tpu.vector_load %arg8[%parallel_loop3A_294, %parallel_loop3A_295] {strides = array<i32>} : memref<32x512xf32, #tpu.memory_space<vmem>>, vector<1x16xf32>,
      %parallel_loop3A_297 = vector.shape_cast %parallel_loop3A_296 : vector<1x16xf32> to vector<16xf32>
      %parallel_loop3A_298 = vector.shape_cast %parallel_loop3A_293 : vector<16xf32> to vector<1x16xf32>
      tpu.vector_store %arg8[%parallel_loop3A_294, %parallel_loop3A_295], %parallel_loop3A_298 {add = true, strides = array<i32>} : memref<32x512xf32, #tpu.memory_space<vmem>>, vector<1x16xf32>,
      %parallel_loop3A_299 = arith.constant 0 : i32
      %parallel_loop3A_300 = arith.addi %parallel_loop3A_299, %parallel_loop3A_122 : i32
      %parallel_loop3A_301 = arith.index_cast %parallel_loop3A_300 : i32 to index
      %parallel_loop3A_302 = arith.constant 256 : index
      %parallel_loop3A_303 = tpu.vector_load %arg7[%parallel_loop3A_301, %parallel_loop3A_302] {strides = array<i32>} : memref<128x512xf32, #tpu.memory_space<vmem>>, vector<1x16xf32>,
      %parallel_loop3A_304 = vector.shape_cast %parallel_loop3A_303 : vector<1x16xf32> to vector<16xf32>
      %parallel_loop3A_305 = arith.index_cast %parallel_loop3A_122 : i32 to index
      %parallel_loop3A_306 = arith.constant 256 : index
      %parallel_loop3A_307 = tpu.vector_load %arg8[%parallel_loop3A_305, %parallel_loop3A_306] {strides = array<i32>} : memref<32x512xf32, #tpu.memory_space<vmem>>, vector<1x16xf32>,
      %parallel_loop3A_308 = vector.shape_cast %parallel_loop3A_307 : vector<1x16xf32> to vector<16xf32>
      %parallel_loop3A_309 = vector.shape_cast %parallel_loop3A_304 : vector<16xf32> to vector<1x16xf32>
      tpu.vector_store %arg8[%parallel_loop3A_305, %parallel_loop3A_306], %parallel_loop3A_309 {add = true, strides = array<i32>} : memref<32x512xf32, #tpu.memory_space<vmem>>, vector<1x16xf32>,
      %parallel_loop3A_310 = arith.constant 0 : i32
      %parallel_loop3A_311 = arith.addi %parallel_loop3A_310, %parallel_loop3A_122 : i32
      %parallel_loop3A_312 = arith.index_cast %parallel_loop3A_311 : i32 to index
      %parallel_loop3A_313 = arith.constant 272 : index
      %parallel_loop3A_314 = tpu.vector_load %arg7[%parallel_loop3A_312, %parallel_loop3A_313] {strides = array<i32>} : memref<128x512xf32, #tpu.memory_space<vmem>>, vector<1x16xf32>,
      %parallel_loop3A_315 = vector.shape_cast %parallel_loop3A_314 : vector<1x16xf32> to vector<16xf32>
      %parallel_loop3A_316 = arith.index_cast %parallel_loop3A_122 : i32 to index
      %parallel_loop3A_317 = arith.constant 272 : index
      %parallel_loop3A_318 = tpu.vector_load %arg8[%parallel_loop3A_316, %parallel_loop3A_317] {strides = array<i32>} : memref<32x512xf32, #tpu.memory_space<vmem>>, vector<1x16xf32>,
      %parallel_loop3A_319 = vector.shape_cast %parallel_loop3A_318 : vector<1x16xf32> to vector<16xf32>
      %parallel_loop3A_320 = vector.shape_cast %parallel_loop3A_315 : vector<16xf32> to vector<1x16xf32>
      tpu.vector_store %arg8[%parallel_loop3A_316, %parallel_loop3A_317], %parallel_loop3A_320 {add = true, strides = array<i32>} : memref<32x512xf32, #tpu.memory_space<vmem>>, vector<1x16xf32>,
      %parallel_loop3A_321 = arith.constant 0 : i32
      %parallel_loop3A_322 = arith.addi %parallel_loop3A_321, %parallel_loop3A_122 : i32
      %parallel_loop3A_323 = arith.index_cast %parallel_loop3A_322 : i32 to index
      %parallel_loop3A_324 = arith.constant 288 : index
      %parallel_loop3A_325 = tpu.vector_load %arg7[%parallel_loop3A_323, %parallel_loop3A_324] {strides = array<i32>} : memref<128x512xf32, #tpu.memory_space<vmem>>, vector<1x16xf32>,
      %parallel_loop3A_326 = vector.shape_cast %parallel_loop3A_325 : vector<1x16xf32> to vector<16xf32>
      %parallel_loop3A_327 = arith.index_cast %parallel_loop3A_122 : i32 to index
      %parallel_loop3A_328 = arith.constant 288 : index
      %parallel_loop3A_329 = tpu.vector_load %arg8[%parallel_loop3A_327, %parallel_loop3A_328] {strides = array<i32>} : memref<32x512xf32, #tpu.memory_space<vmem>>, vector<1x16xf32>,
      %parallel_loop3A_330 = vector.shape_cast %parallel_loop3A_329 : vector<1x16xf32> to vector<16xf32>
      %parallel_loop3A_331 = vector.shape_cast %parallel_loop3A_326 : vector<16xf32> to vector<1x16xf32>
      tpu.vector_store %arg8[%parallel_loop3A_327, %parallel_loop3A_328], %parallel_loop3A_331 {add = true, strides = array<i32>} : memref<32x512xf32, #tpu.memory_space<vmem>>, vector<1x16xf32>,
      %parallel_loop3A_332 = arith.constant 0 : i32
      %parallel_loop3A_333 = arith.addi %parallel_loop3A_332, %parallel_loop3A_122 : i32
      %parallel_loop3A_334 = arith.index_cast %parallel_loop3A_333 : i32 to index
      %parallel_loop3A_335 = arith.constant 304 : index
      %parallel_loop3A_336 = tpu.vector_load %arg7[%parallel_loop3A_334, %parallel_loop3A_335] {strides = array<i32>} : memref<128x512xf32, #tpu.memory_space<vmem>>, vector<1x16xf32>,
      %parallel_loop3A_337 = vector.shape_cast %parallel_loop3A_336 : vector<1x16xf32> to vector<16xf32>
      %parallel_loop3A_338 = arith.index_cast %parallel_loop3A_122 : i32 to index
      %parallel_loop3A_339 = arith.constant 304 : index
      %parallel_loop3A_340 = tpu.vector_load %arg8[%parallel_loop3A_338, %parallel_loop3A_339] {strides = array<i32>} : memref<32x512xf32, #tpu.memory_space<vmem>>, vector<1x16xf32>,
      %parallel_loop3A_341 = vector.shape_cast %parallel_loop3A_340 : vector<1x16xf32> to vector<16xf32>
      %parallel_loop3A_342 = vector.shape_cast %parallel_loop3A_337 : vector<16xf32> to vector<1x16xf32>
      tpu.vector_store %arg8[%parallel_loop3A_338, %parallel_loop3A_339], %parallel_loop3A_342 {add = true, strides = array<i32>} : memref<32x512xf32, #tpu.memory_space<vmem>>, vector<1x16xf32>,
      %parallel_loop3A_343 = arith.constant 0 : i32
      %parallel_loop3A_344 = arith.addi %parallel_loop3A_343, %parallel_loop3A_122 : i32
      %parallel_loop3A_345 = arith.index_cast %parallel_loop3A_344 : i32 to index
      %parallel_loop3A_346 = arith.constant 320 : index
      %parallel_loop3A_347 = tpu.vector_load %arg7[%parallel_loop3A_345, %parallel_loop3A_346] {strides = array<i32>} : memref<128x512xf32, #tpu.memory_space<vmem>>, vector<1x16xf32>,
      %parallel_loop3A_348 = vector.shape_cast %parallel_loop3A_347 : vector<1x16xf32> to vector<16xf32>
      %parallel_loop3A_349 = arith.index_cast %parallel_loop3A_122 : i32 to index
      %parallel_loop3A_350 = arith.constant 320 : index
      %parallel_loop3A_351 = tpu.vector_load %arg8[%parallel_loop3A_349, %parallel_loop3A_350] {strides = array<i32>} : memref<32x512xf32, #tpu.memory_space<vmem>>, vector<1x16xf32>,
      %parallel_loop3A_352 = vector.shape_cast %parallel_loop3A_351 : vector<1x16xf32> to vector<16xf32>
      %parallel_loop3A_353 = vector.shape_cast %parallel_loop3A_348 : vector<16xf32> to vector<1x16xf32>
      tpu.vector_store %arg8[%parallel_loop3A_349, %parallel_loop3A_350], %parallel_loop3A_353 {add = true, strides = array<i32>} : memref<32x512xf32, #tpu.memory_space<vmem>>, vector<1x16xf32>,
      %parallel_loop3A_354 = arith.constant 0 : i32
      %parallel_loop3A_355 = arith.addi %parallel_loop3A_354, %parallel_loop3A_122 : i32
      %parallel_loop3A_356 = arith.index_cast %parallel_loop3A_355 : i32 to index
      %parallel_loop3A_357 = arith.constant 336 : index
      %parallel_loop3A_358 = tpu.vector_load %arg7[%parallel_loop3A_356, %parallel_loop3A_357] {strides = array<i32>} : memref<128x512xf32, #tpu.memory_space<vmem>>, vector<1x16xf32>,
      %parallel_loop3A_359 = vector.shape_cast %parallel_loop3A_358 : vector<1x16xf32> to vector<16xf32>
      %parallel_loop3A_360 = arith.index_cast %parallel_loop3A_122 : i32 to index
      %parallel_loop3A_361 = arith.constant 336 : index
      %parallel_loop3A_362 = tpu.vector_load %arg8[%parallel_loop3A_360, %parallel_loop3A_361] {strides = array<i32>} : memref<32x512xf32, #tpu.memory_space<vmem>>, vector<1x16xf32>,
      %parallel_loop3A_363 = vector.shape_cast %parallel_loop3A_362 : vector<1x16xf32> to vector<16xf32>
      %parallel_loop3A_364 = vector.shape_cast %parallel_loop3A_359 : vector<16xf32> to vector<1x16xf32>
      tpu.vector_store %arg8[%parallel_loop3A_360, %parallel_loop3A_361], %parallel_loop3A_364 {add = true, strides = array<i32>} : memref<32x512xf32, #tpu.memory_space<vmem>>, vector<1x16xf32>,
      %parallel_loop3A_365 = arith.constant 0 : i32
      %parallel_loop3A_366 = arith.addi %parallel_loop3A_365, %parallel_loop3A_122 : i32
      %parallel_loop3A_367 = arith.index_cast %parallel_loop3A_366 : i32 to index
      %parallel_loop3A_368 = arith.constant 352 : index
      %parallel_loop3A_369 = tpu.vector_load %arg7[%parallel_loop3A_367, %parallel_loop3A_368] {strides = array<i32>} : memref<128x512xf32, #tpu.memory_space<vmem>>, vector<1x16xf32>,
      %parallel_loop3A_370 = vector.shape_cast %parallel_loop3A_369 : vector<1x16xf32> to vector<16xf32>
      %parallel_loop3A_371 = arith.index_cast %parallel_loop3A_122 : i32 to index
      %parallel_loop3A_372 = arith.constant 352 : index
      %parallel_loop3A_373 = tpu.vector_load %arg8[%parallel_loop3A_371, %parallel_loop3A_372] {strides = array<i32>} : memref<32x512xf32, #tpu.memory_space<vmem>>, vector<1x16xf32>,
      %parallel_loop3A_374 = vector.shape_cast %parallel_loop3A_373 : vector<1x16xf32> to vector<16xf32>
      %parallel_loop3A_375 = vector.shape_cast %parallel_loop3A_370 : vector<16xf32> to vector<1x16xf32>
      tpu.vector_store %arg8[%parallel_loop3A_371, %parallel_loop3A_372], %parallel_loop3A_375 {add = true, strides = array<i32>} : memref<32x512xf32, #tpu.memory_space<vmem>>, vector<1x16xf32>,
      %parallel_loop3A_376 = arith.constant 0 : i32
      %parallel_loop3A_377 = arith.addi %parallel_loop3A_376, %parallel_loop3A_122 : i32
      %parallel_loop3A_378 = arith.index_cast %parallel_loop3A_377 : i32 to index
      %parallel_loop3A_379 = arith.constant 368 : index
      %parallel_loop3A_380 = tpu.vector_load %arg7[%parallel_loop3A_378, %parallel_loop3A_379] {strides = array<i32>} : memref<128x512xf32, #tpu.memory_space<vmem>>, vector<1x16xf32>,
      %parallel_loop3A_381 = vector.shape_cast %parallel_loop3A_380 : vector<1x16xf32> to vector<16xf32>
      %parallel_loop3A_382 = arith.index_cast %parallel_loop3A_122 : i32 to index
      %parallel_loop3A_383 = arith.constant 368 : index
      %parallel_loop3A_384 = tpu.vector_load %arg8[%parallel_loop3A_382, %parallel_loop3A_383] {strides = array<i32>} : memref<32x512xf32, #tpu.memory_space<vmem>>, vector<1x16xf32>,
      %parallel_loop3A_385 = vector.shape_cast %parallel_loop3A_384 : vector<1x16xf32> to vector<16xf32>
      %parallel_loop3A_386 = vector.shape_cast %parallel_loop3A_381 : vector<16xf32> to vector<1x16xf32>
      tpu.vector_store %arg8[%parallel_loop3A_382, %parallel_loop3A_383], %parallel_loop3A_386 {add = true, strides = array<i32>} : memref<32x512xf32, #tpu.memory_space<vmem>>, vector<1x16xf32>,
      %parallel_loop3A_387 = arith.constant 0 : i32
      %parallel_loop3A_388 = arith.addi %parallel_loop3A_387, %parallel_loop3A_122 : i32
      %parallel_loop3A_389 = arith.index_cast %parallel_loop3A_388 : i32 to index
      %parallel_loop3A_390 = arith.constant 384 : index
      %parallel_loop3A_391 = tpu.vector_load %arg7[%parallel_loop3A_389, %parallel_loop3A_390] {strides = array<i32>} : memref<128x512xf32, #tpu.memory_space<vmem>>, vector<1x16xf32>,
      %parallel_loop3A_392 = vector.shape_cast %parallel_loop3A_391 : vector<1x16xf32> to vector<16xf32>
      %parallel_loop3A_393 = arith.index_cast %parallel_loop3A_122 : i32 to index
      %parallel_loop3A_394 = arith.constant 384 : index
      %parallel_loop3A_395 = tpu.vector_load %arg8[%parallel_loop3A_393, %parallel_loop3A_394] {strides = array<i32>} : memref<32x512xf32, #tpu.memory_space<vmem>>, vector<1x16xf32>,
      %parallel_loop3A_396 = vector.shape_cast %parallel_loop3A_395 : vector<1x16xf32> to vector<16xf32>
      %parallel_loop3A_397 = vector.shape_cast %parallel_loop3A_392 : vector<16xf32> to vector<1x16xf32>
      tpu.vector_store %arg8[%parallel_loop3A_393, %parallel_loop3A_394], %parallel_loop3A_397 {add = true, strides = array<i32>} : memref<32x512xf32, #tpu.memory_space<vmem>>, vector<1x16xf32>,
      %parallel_loop3A_398 = arith.constant 0 : i32
      %parallel_loop3A_399 = arith.addi %parallel_loop3A_398, %parallel_loop3A_122 : i32
      %parallel_loop3A_400 = arith.index_cast %parallel_loop3A_399 : i32 to index
      %parallel_loop3A_401 = arith.constant 400 : index
      %parallel_loop3A_402 = tpu.vector_load %arg7[%parallel_loop3A_400, %parallel_loop3A_401] {strides = array<i32>} : memref<128x512xf32, #tpu.memory_space<vmem>>, vector<1x16xf32>,
      %parallel_loop3A_403 = vector.shape_cast %parallel_loop3A_402 : vector<1x16xf32> to vector<16xf32>
      %parallel_loop3A_404 = arith.index_cast %parallel_loop3A_122 : i32 to index
      %parallel_loop3A_405 = arith.constant 400 : index
      %parallel_loop3A_406 = tpu.vector_load %arg8[%parallel_loop3A_404, %parallel_loop3A_405] {strides = array<i32>} : memref<32x512xf32, #tpu.memory_space<vmem>>, vector<1x16xf32>,
      %parallel_loop3A_407 = vector.shape_cast %parallel_loop3A_406 : vector<1x16xf32> to vector<16xf32>
      %parallel_loop3A_408 = vector.shape_cast %parallel_loop3A_403 : vector<16xf32> to vector<1x16xf32>
      tpu.vector_store %arg8[%parallel_loop3A_404, %parallel_loop3A_405], %parallel_loop3A_408 {add = true, strides = array<i32>} : memref<32x512xf32, #tpu.memory_space<vmem>>, vector<1x16xf32>,
      %parallel_loop3A_409 = arith.constant 0 : i32
      %parallel_loop3A_410 = arith.addi %parallel_loop3A_409, %parallel_loop3A_122 : i32
      %parallel_loop3A_411 = arith.index_cast %parallel_loop3A_410 : i32 to index
      %parallel_loop3A_412 = arith.constant 416 : index
      %parallel_loop3A_413 = tpu.vector_load %arg7[%parallel_loop3A_411, %parallel_loop3A_412] {strides = array<i32>} : memref<128x512xf32, #tpu.memory_space<vmem>>, vector<1x16xf32>,
      %parallel_loop3A_414 = vector.shape_cast %parallel_loop3A_413 : vector<1x16xf32> to vector<16xf32>
      %parallel_loop3A_415 = arith.index_cast %parallel_loop3A_122 : i32 to index
      %parallel_loop3A_416 = arith.constant 416 : index
      %parallel_loop3A_417 = tpu.vector_load %arg8[%parallel_loop3A_415, %parallel_loop3A_416] {strides = array<i32>} : memref<32x512xf32, #tpu.memory_space<vmem>>, vector<1x16xf32>,
      %parallel_loop3A_418 = vector.shape_cast %parallel_loop3A_417 : vector<1x16xf32> to vector<16xf32>
      %parallel_loop3A_419 = vector.shape_cast %parallel_loop3A_414 : vector<16xf32> to vector<1x16xf32>
      tpu.vector_store %arg8[%parallel_loop3A_415, %parallel_loop3A_416], %parallel_loop3A_419 {add = true, strides = array<i32>} : memref<32x512xf32, #tpu.memory_space<vmem>>, vector<1x16xf32>,
      %parallel_loop3A_420 = arith.constant 0 : i32
      %parallel_loop3A_421 = arith.addi %parallel_loop3A_420, %parallel_loop3A_122 : i32
      %parallel_loop3A_422 = arith.index_cast %parallel_loop3A_421 : i32 to index
      %parallel_loop3A_423 = arith.constant 432 : index
      %parallel_loop3A_424 = tpu.vector_load %arg7[%parallel_loop3A_422, %parallel_loop3A_423] {strides = array<i32>} : memref<128x512xf32, #tpu.memory_space<vmem>>, vector<1x16xf32>,
      %parallel_loop3A_425 = vector.shape_cast %parallel_loop3A_424 : vector<1x16xf32> to vector<16xf32>
      %parallel_loop3A_426 = arith.index_cast %parallel_loop3A_122 : i32 to index
      %parallel_loop3A_427 = arith.constant 432 : index
      %parallel_loop3A_428 = tpu.vector_load %arg8[%parallel_loop3A_426, %parallel_loop3A_427] {strides = array<i32>} : memref<32x512xf32, #tpu.memory_space<vmem>>, vector<1x16xf32>,
      %parallel_loop3A_429 = vector.shape_cast %parallel_loop3A_428 : vector<1x16xf32> to vector<16xf32>
      %parallel_loop3A_430 = vector.shape_cast %parallel_loop3A_425 : vector<16xf32> to vector<1x16xf32>
      tpu.vector_store %arg8[%parallel_loop3A_426, %parallel_loop3A_427], %parallel_loop3A_430 {add = true, strides = array<i32>} : memref<32x512xf32, #tpu.memory_space<vmem>>, vector<1x16xf32>,
      %parallel_loop3A_431 = arith.constant 0 : i32
      %parallel_loop3A_432 = arith.addi %parallel_loop3A_431, %parallel_loop3A_122 : i32
      %parallel_loop3A_433 = arith.index_cast %parallel_loop3A_432 : i32 to index
      %parallel_loop3A_434 = arith.constant 448 : index
      %parallel_loop3A_435 = tpu.vector_load %arg7[%parallel_loop3A_433, %parallel_loop3A_434] {strides = array<i32>} : memref<128x512xf32, #tpu.memory_space<vmem>>, vector<1x16xf32>,
      %parallel_loop3A_436 = vector.shape_cast %parallel_loop3A_435 : vector<1x16xf32> to vector<16xf32>
      %parallel_loop3A_437 = arith.index_cast %parallel_loop3A_122 : i32 to index
      %parallel_loop3A_438 = arith.constant 448 : index
      %parallel_loop3A_439 = tpu.vector_load %arg8[%parallel_loop3A_437, %parallel_loop3A_438] {strides = array<i32>} : memref<32x512xf32, #tpu.memory_space<vmem>>, vector<1x16xf32>,
      %parallel_loop3A_440 = vector.shape_cast %parallel_loop3A_439 : vector<1x16xf32> to vector<16xf32>
      %parallel_loop3A_441 = vector.shape_cast %parallel_loop3A_436 : vector<16xf32> to vector<1x16xf32>
      tpu.vector_store %arg8[%parallel_loop3A_437, %parallel_loop3A_438], %parallel_loop3A_441 {add = true, strides = array<i32>} : memref<32x512xf32, #tpu.memory_space<vmem>>, vector<1x16xf32>,
      %parallel_loop3A_442 = arith.constant 0 : i32
      %parallel_loop3A_443 = arith.addi %parallel_loop3A_442, %parallel_loop3A_122 : i32
      %parallel_loop3A_444 = arith.index_cast %parallel_loop3A_443 : i32 to index
      %parallel_loop3A_445 = arith.constant 464 : index
      %parallel_loop3A_446 = tpu.vector_load %arg7[%parallel_loop3A_444, %parallel_loop3A_445] {strides = array<i32>} : memref<128x512xf32, #tpu.memory_space<vmem>>, vector<1x16xf32>,
      %parallel_loop3A_447 = vector.shape_cast %parallel_loop3A_446 : vector<1x16xf32> to vector<16xf32>
      %parallel_loop3A_448 = arith.index_cast %parallel_loop3A_122 : i32 to index
      %parallel_loop3A_449 = arith.constant 464 : index
      %parallel_loop3A_450 = tpu.vector_load %arg8[%parallel_loop3A_448, %parallel_loop3A_449] {strides = array<i32>} : memref<32x512xf32, #tpu.memory_space<vmem>>, vector<1x16xf32>,
      %parallel_loop3A_451 = vector.shape_cast %parallel_loop3A_450 : vector<1x16xf32> to vector<16xf32>
      %parallel_loop3A_452 = vector.shape_cast %parallel_loop3A_447 : vector<16xf32> to vector<1x16xf32>
      tpu.vector_store %arg8[%parallel_loop3A_448, %parallel_loop3A_449], %parallel_loop3A_452 {add = true, strides = array<i32>} : memref<32x512xf32, #tpu.memory_space<vmem>>, vector<1x16xf32>,
      %parallel_loop3A_453 = arith.constant 0 : i32
      %parallel_loop3A_454 = arith.addi %parallel_loop3A_453, %parallel_loop3A_122 : i32
      %parallel_loop3A_455 = arith.index_cast %parallel_loop3A_454 : i32 to index
      %parallel_loop3A_456 = arith.constant 480 : index
      %parallel_loop3A_457 = tpu.vector_load %arg7[%parallel_loop3A_455, %parallel_loop3A_456] {strides = array<i32>} : memref<128x512xf32, #tpu.memory_space<vmem>>, vector<1x16xf32>,
      %parallel_loop3A_458 = vector.shape_cast %parallel_loop3A_457 : vector<1x16xf32> to vector<16xf32>
      %parallel_loop3A_459 = arith.index_cast %parallel_loop3A_122 : i32 to index
      %parallel_loop3A_460 = arith.constant 480 : index
      %parallel_loop3A_461 = tpu.vector_load %arg8[%parallel_loop3A_459, %parallel_loop3A_460] {strides = array<i32>} : memref<32x512xf32, #tpu.memory_space<vmem>>, vector<1x16xf32>,
      %parallel_loop3A_462 = vector.shape_cast %parallel_loop3A_461 : vector<1x16xf32> to vector<16xf32>
      %parallel_loop3A_463 = vector.shape_cast %parallel_loop3A_458 : vector<16xf32> to vector<1x16xf32>
      tpu.vector_store %arg8[%parallel_loop3A_459, %parallel_loop3A_460], %parallel_loop3A_463 {add = true, strides = array<i32>} : memref<32x512xf32, #tpu.memory_space<vmem>>, vector<1x16xf32>,
      %parallel_loop3A_464 = arith.constant 0 : i32
      %parallel_loop3A_465 = arith.addi %parallel_loop3A_464, %parallel_loop3A_122 : i32
      %parallel_loop3A_466 = arith.index_cast %parallel_loop3A_465 : i32 to index
      %parallel_loop3A_467 = arith.constant 496 : index
      %parallel_loop3A_468 = tpu.vector_load %arg7[%parallel_loop3A_466, %parallel_loop3A_467] {strides = array<i32>} : memref<128x512xf32, #tpu.memory_space<vmem>>, vector<1x16xf32>,
      %parallel_loop3A_469 = vector.shape_cast %parallel_loop3A_468 : vector<1x16xf32> to vector<16xf32>
      %parallel_loop3A_470 = arith.index_cast %parallel_loop3A_122 : i32 to index
      %parallel_loop3A_471 = arith.constant 496 : index
      %parallel_loop3A_472 = tpu.vector_load %arg8[%parallel_loop3A_470, %parallel_loop3A_471] {strides = array<i32>} : memref<32x512xf32, #tpu.memory_space<vmem>>, vector<1x16xf32>,
      %parallel_loop3A_473 = vector.shape_cast %parallel_loop3A_472 : vector<1x16xf32> to vector<16xf32>
      %parallel_loop3A_474 = vector.shape_cast %parallel_loop3A_469 : vector<16xf32> to vector<1x16xf32>
      tpu.vector_store %arg8[%parallel_loop3A_470, %parallel_loop3A_471], %parallel_loop3A_474 {add = true, strides = array<i32>} : memref<32x512xf32, #tpu.memory_space<vmem>>, vector<1x16xf32>,
    } {sc.loop_unroll_factor = 1 : i64, sc.parallel_access}
    %add3A = arith.constant 0 : i32
    %add3A_31 = arith.addi %add3A, %mul3A_0 : i32
    %add3A_32 = arith.constant 0 : i32
    %add3A_33 = arith.addi %add3A_31, %add3A_32 : i32
    %dma_start3A_34 = arith.constant 0 : i32
    %dma_start3A_35 = tpu.memref_slice %arg5[%add3A_33, %dma_start3A_34] : memref<2048x512xf32, #tpu.memory_space<hbm>> -> memref<32x512xf32, #tpu.memory_space<hbm>>
    %dma_start3A_36 = arith.constant 0 : i32
    %dma_start3A_37 = tpu.memref_slice %arg5[%add3A_33, %dma_start3A_36] : memref<2048x512xf32, #tpu.memory_space<hbm>> -> memref<32x512xf32, #tpu.memory_space<hbm>>
    tpu.enqueue_dma source(%arg8 : memref<32x512xf32, #tpu.memory_space<vmem>>) target(%dma_start3A_37 : memref<32x512xf32, #tpu.memory_space<hbm>>) target_semaphore(%arg15 : memref<!tpu.dma_semaphore, #tpu.memory_space<semaphore_mem>>)
    %dma_start3A_38 = arith.constant 0 : i32
    %dma_start3A_39 = arith.constant 64 : i32
    %dma_start3A_40 = tpu.memref_slice %arg6[%dma_start3A_38, %dma_start3A_39] : memref<1x128xi32, #tpu.memory_space<vmem>> -> memref<1x32xi32, #tpu.memory_space<vmem>>
    %dma_start3A_41 = tpu.memref_squeeze %dma_start3A_40 : memref<1x32xi32, #tpu.memory_space<vmem>> -> memref<32xi32, #tpu.memory_space<vmem>>
    %dma_start3A_42 = arith.constant 0 : i32
    %dma_start3A_43 = arith.constant 0 : i32
    %dma_start3A_44 = tpu.memref_slice %arg3[%dma_start3A_42, %dma_start3A_43] : memref<256x512xf32, #tpu.memory_space<hbm>> -> memref<256x512xf32, #tpu.memory_space<hbm>>
    tpu.enqueue_indirect_dma source(%dma_start3A_44 : memref<256x512xf32, #tpu.memory_space<hbm>>) target(%arg10 : memref<32x512xf32, #tpu.memory_space<vmem>>) offsets(%dma_start3A_41 : memref<32xi32, #tpu.memory_space<vmem>>) semaphore(%arg14 : memref<!tpu.dma_semaphore, #tpu.memory_space<semaphore_mem>>)
    %dma_wait3A_45 = arith.constant 0 : i32
    %dma_wait3A_46 = arith.constant 32 : i32
    %dma_wait3A_47 = tpu.memref_slice %arg6[%dma_wait3A_45, %dma_wait3A_46] : memref<1x128xi32, #tpu.memory_space<vmem>> -> memref<1x32xi32, #tpu.memory_space<vmem>>
    %dma_wait3A_48 = tpu.memref_squeeze %dma_wait3A_47 : memref<1x32xi32, #tpu.memory_space<vmem>> -> memref<32xi32, #tpu.memory_space<vmem>>
    %dma_wait3A_49 = arith.constant 0 : i32
    %dma_wait3A_50 = arith.constant 0 : i32
    %dma_wait3A_51 = tpu.memref_slice %arg3[%dma_wait3A_49, %dma_wait3A_50] : memref<256x512xf32, #tpu.memory_space<hbm>> -> memref<256x512xf32, #tpu.memory_space<hbm>>
    tpu.wait_indirect_dma semaphore(%arg13 : memref<!tpu.dma_semaphore, #tpu.memory_space<semaphore_mem>>) src(%dma_wait3A_51 : memref<256x512xf32, #tpu.memory_space<hbm>>) dst(%arg9 : memref<32x512xf32, #tpu.memory_space<vmem>>)
    %parallel_loop3A_52 = arith.constant 0 : i32
    %parallel_loop3A_53 = arith.constant 32 : i32
    %parallel_loop3A_54 = arith.constant 1 : i32
    scf.for %parallel_loop3A_122 = %parallel_loop3A_52 to %parallel_loop3A_53 step %parallel_loop3A_54  : i32 {
      %parallel_loop3A_123 = arith.constant 32 : i32
      %parallel_loop3A_124 = arith.addi %parallel_loop3A_123, %parallel_loop3A_122 : i32
      %parallel_loop3A_125 = arith.index_cast %parallel_loop3A_124 : i32 to index
      %parallel_loop3A_126 = arith.constant 0 : index
      %parallel_loop3A_127 = tpu.vector_load %arg7[%parallel_loop3A_125, %parallel_loop3A_126] {strides = array<i32>} : memref<128x512xf32, #tpu.memory_space<vmem>>, vector<1x16xf32>,
      %parallel_loop3A_128 = vector.shape_cast %parallel_loop3A_127 : vector<1x16xf32> to vector<16xf32>
      %parallel_loop3A_129 = arith.index_cast %parallel_loop3A_122 : i32 to index
      %parallel_loop3A_130 = arith.constant 0 : index
      %parallel_loop3A_131 = tpu.vector_load %arg9[%parallel_loop3A_129, %parallel_loop3A_130] {strides = array<i32>} : memref<32x512xf32, #tpu.memory_space<vmem>>, vector<1x16xf32>,
      %parallel_loop3A_132 = vector.shape_cast %parallel_loop3A_131 : vector<1x16xf32> to vector<16xf32>
      %parallel_loop3A_133 = vector.shape_cast %parallel_loop3A_128 : vector<16xf32> to vector<1x16xf32>
      tpu.vector_store %arg9[%parallel_loop3A_129, %parallel_loop3A_130], %parallel_loop3A_133 {add = true, strides = array<i32>} : memref<32x512xf32, #tpu.memory_space<vmem>>, vector<1x16xf32>,
      %parallel_loop3A_134 = arith.constant 32 : i32
      %parallel_loop3A_135 = arith.addi %parallel_loop3A_134, %parallel_loop3A_122 : i32
      %parallel_loop3A_136 = arith.index_cast %parallel_loop3A_135 : i32 to index
      %parallel_loop3A_137 = arith.constant 16 : index
      %parallel_loop3A_138 = tpu.vector_load %arg7[%parallel_loop3A_136, %parallel_loop3A_137] {strides = array<i32>} : memref<128x512xf32, #tpu.memory_space<vmem>>, vector<1x16xf32>,
      %parallel_loop3A_139 = vector.shape_cast %parallel_loop3A_138 : vector<1x16xf32> to vector<16xf32>
      %parallel_loop3A_140 = arith.index_cast %parallel_loop3A_122 : i32 to index
      %parallel_loop3A_141 = arith.constant 16 : index
      %parallel_loop3A_142 = tpu.vector_load %arg9[%parallel_loop3A_140, %parallel_loop3A_141] {strides = array<i32>} : memref<32x512xf32, #tpu.memory_space<vmem>>, vector<1x16xf32>,
      %parallel_loop3A_143 = vector.shape_cast %parallel_loop3A_142 : vector<1x16xf32> to vector<16xf32>
      %parallel_loop3A_144 = vector.shape_cast %parallel_loop3A_139 : vector<16xf32> to vector<1x16xf32>
      tpu.vector_store %arg9[%parallel_loop3A_140, %parallel_loop3A_141], %parallel_loop3A_144 {add = true, strides = array<i32>} : memref<32x512xf32, #tpu.memory_space<vmem>>, vector<1x16xf32>,
      %parallel_loop3A_145 = arith.constant 32 : i32
      %parallel_loop3A_146 = arith.addi %parallel_loop3A_145, %parallel_loop3A_122 : i32
      %parallel_loop3A_147 = arith.index_cast %parallel_loop3A_146 : i32 to index
      %parallel_loop3A_148 = arith.constant 32 : index
      %parallel_loop3A_149 = tpu.vector_load %arg7[%parallel_loop3A_147, %parallel_loop3A_148] {strides = array<i32>} : memref<128x512xf32, #tpu.memory_space<vmem>>, vector<1x16xf32>,
      %parallel_loop3A_150 = vector.shape_cast %parallel_loop3A_149 : vector<1x16xf32> to vector<16xf32>
      %parallel_loop3A_151 = arith.index_cast %parallel_loop3A_122 : i32 to index
      %parallel_loop3A_152 = arith.constant 32 : index
      %parallel_loop3A_153 = tpu.vector_load %arg9[%parallel_loop3A_151, %parallel_loop3A_152] {strides = array<i32>} : memref<32x512xf32, #tpu.memory_space<vmem>>, vector<1x16xf32>,
      %parallel_loop3A_154 = vector.shape_cast %parallel_loop3A_153 : vector<1x16xf32> to vector<16xf32>
      %parallel_loop3A_155 = vector.shape_cast %parallel_loop3A_150 : vector<16xf32> to vector<1x16xf32>
      tpu.vector_store %arg9[%parallel_loop3A_151, %parallel_loop3A_152], %parallel_loop3A_155 {add = true, strides = array<i32>} : memref<32x512xf32, #tpu.memory_space<vmem>>, vector<1x16xf32>,
      %parallel_loop3A_156 = arith.constant 32 : i32
      %parallel_loop3A_157 = arith.addi %parallel_loop3A_156, %parallel_loop3A_122 : i32
      %parallel_loop3A_158 = arith.index_cast %parallel_loop3A_157 : i32 to index
      %parallel_loop3A_159 = arith.constant 48 : index
      %parallel_loop3A_160 = tpu.vector_load %arg7[%parallel_loop3A_158, %parallel_loop3A_159] {strides = array<i32>} : memref<128x512xf32, #tpu.memory_space<vmem>>, vector<1x16xf32>,
      %parallel_loop3A_161 = vector.shape_cast %parallel_loop3A_160 : vector<1x16xf32> to vector<16xf32>
      %parallel_loop3A_162 = arith.index_cast %parallel_loop3A_122 : i32 to index
      %parallel_loop3A_163 = arith.constant 48 : index
      %parallel_loop3A_164 = tpu.vector_load %arg9[%parallel_loop3A_162, %parallel_loop3A_163] {strides = array<i32>} : memref<32x512xf32, #tpu.memory_space<vmem>>, vector<1x16xf32>,
      %parallel_loop3A_165 = vector.shape_cast %parallel_loop3A_164 : vector<1x16xf32> to vector<16xf32>
      %parallel_loop3A_166 = vector.shape_cast %parallel_loop3A_161 : vector<16xf32> to vector<1x16xf32>
      tpu.vector_store %arg9[%parallel_loop3A_162, %parallel_loop3A_163], %parallel_loop3A_166 {add = true, strides = array<i32>} : memref<32x512xf32, #tpu.memory_space<vmem>>, vector<1x16xf32>,
      %parallel_loop3A_167 = arith.constant 32 : i32
      %parallel_loop3A_168 = arith.addi %parallel_loop3A_167, %parallel_loop3A_122 : i32
      %parallel_loop3A_169 = arith.index_cast %parallel_loop3A_168 : i32 to index
      %parallel_loop3A_170 = arith.constant 64 : index
      %parallel_loop3A_171 = tpu.vector_load %arg7[%parallel_loop3A_169, %parallel_loop3A_170] {strides = array<i32>} : memref<128x512xf32, #tpu.memory_space<vmem>>, vector<1x16xf32>,
      %parallel_loop3A_172 = vector.shape_cast %parallel_loop3A_171 : vector<1x16xf32> to vector<16xf32>
      %parallel_loop3A_173 = arith.index_cast %parallel_loop3A_122 : i32 to index
      %parallel_loop3A_174 = arith.constant 64 : index
      %parallel_loop3A_175 = tpu.vector_load %arg9[%parallel_loop3A_173, %parallel_loop3A_174] {strides = array<i32>} : memref<32x512xf32, #tpu.memory_space<vmem>>, vector<1x16xf32>,
      %parallel_loop3A_176 = vector.shape_cast %parallel_loop3A_175 : vector<1x16xf32> to vector<16xf32>
      %parallel_loop3A_177 = vector.shape_cast %parallel_loop3A_172 : vector<16xf32> to vector<1x16xf32>
      tpu.vector_store %arg9[%parallel_loop3A_173, %parallel_loop3A_174], %parallel_loop3A_177 {add = true, strides = array<i32>} : memref<32x512xf32, #tpu.memory_space<vmem>>, vector<1x16xf32>,
      %parallel_loop3A_178 = arith.constant 32 : i32
      %parallel_loop3A_179 = arith.addi %parallel_loop3A_178, %parallel_loop3A_122 : i32
      %parallel_loop3A_180 = arith.index_cast %parallel_loop3A_179 : i32 to index
      %parallel_loop3A_181 = arith.constant 80 : index
      %parallel_loop3A_182 = tpu.vector_load %arg7[%parallel_loop3A_180, %parallel_loop3A_181] {strides = array<i32>} : memref<128x512xf32, #tpu.memory_space<vmem>>, vector<1x16xf32>,
      %parallel_loop3A_183 = vector.shape_cast %parallel_loop3A_182 : vector<1x16xf32> to vector<16xf32>
      %parallel_loop3A_184 = arith.index_cast %parallel_loop3A_122 : i32 to index
      %parallel_loop3A_185 = arith.constant 80 : index
      %parallel_loop3A_186 = tpu.vector_load %arg9[%parallel_loop3A_184, %parallel_loop3A_185] {strides = array<i32>} : memref<32x512xf32, #tpu.memory_space<vmem>>, vector<1x16xf32>,
      %parallel_loop3A_187 = vector.shape_cast %parallel_loop3A_186 : vector<1x16xf32> to vector<16xf32>
      %parallel_loop3A_188 = vector.shape_cast %parallel_loop3A_183 : vector<16xf32> to vector<1x16xf32>
      tpu.vector_store %arg9[%parallel_loop3A_184, %parallel_loop3A_185], %parallel_loop3A_188 {add = true, strides = array<i32>} : memref<32x512xf32, #tpu.memory_space<vmem>>, vector<1x16xf32>,
      %parallel_loop3A_189 = arith.constant 32 : i32
      %parallel_loop3A_190 = arith.addi %parallel_loop3A_189, %parallel_loop3A_122 : i32
      %parallel_loop3A_191 = arith.index_cast %parallel_loop3A_190 : i32 to index
      %parallel_loop3A_192 = arith.constant 96 : index
      %parallel_loop3A_193 = tpu.vector_load %arg7[%parallel_loop3A_191, %parallel_loop3A_192] {strides = array<i32>} : memref<128x512xf32, #tpu.memory_space<vmem>>, vector<1x16xf32>,
      %parallel_loop3A_194 = vector.shape_cast %parallel_loop3A_193 : vector<1x16xf32> to vector<16xf32>
      %parallel_loop3A_195 = arith.index_cast %parallel_loop3A_122 : i32 to index
      %parallel_loop3A_196 = arith.constant 96 : index
      %parallel_loop3A_197 = tpu.vector_load %arg9[%parallel_loop3A_195, %parallel_loop3A_196] {strides = array<i32>} : memref<32x512xf32, #tpu.memory_space<vmem>>, vector<1x16xf32>,
      %parallel_loop3A_198 = vector.shape_cast %parallel_loop3A_197 : vector<1x16xf32> to vector<16xf32>
      %parallel_loop3A_199 = vector.shape_cast %parallel_loop3A_194 : vector<16xf32> to vector<1x16xf32>
      tpu.vector_store %arg9[%parallel_loop3A_195, %parallel_loop3A_196], %parallel_loop3A_199 {add = true, strides = array<i32>} : memref<32x512xf32, #tpu.memory_space<vmem>>, vector<1x16xf32>,
      %parallel_loop3A_200 = arith.constant 32 : i32
      %parallel_loop3A_201 = arith.addi %parallel_loop3A_200, %parallel_loop3A_122 : i32
      %parallel_loop3A_202 = arith.index_cast %parallel_loop3A_201 : i32 to index
      %parallel_loop3A_203 = arith.constant 112 : index
      %parallel_loop3A_204 = tpu.vector_load %arg7[%parallel_loop3A_202, %parallel_loop3A_203] {strides = array<i32>} : memref<128x512xf32, #tpu.memory_space<vmem>>, vector<1x16xf32>,
      %parallel_loop3A_205 = vector.shape_cast %parallel_loop3A_204 : vector<1x16xf32> to vector<16xf32>
      %parallel_loop3A_206 = arith.index_cast %parallel_loop3A_122 : i32 to index
      %parallel_loop3A_207 = arith.constant 112 : index
      %parallel_loop3A_208 = tpu.vector_load %arg9[%parallel_loop3A_206, %parallel_loop3A_207] {strides = array<i32>} : memref<32x512xf32, #tpu.memory_space<vmem>>, vector<1x16xf32>,
      %parallel_loop3A_209 = vector.shape_cast %parallel_loop3A_208 : vector<1x16xf32> to vector<16xf32>
      %parallel_loop3A_210 = vector.shape_cast %parallel_loop3A_205 : vector<16xf32> to vector<1x16xf32>
      tpu.vector_store %arg9[%parallel_loop3A_206, %parallel_loop3A_207], %parallel_loop3A_210 {add = true, strides = array<i32>} : memref<32x512xf32, #tpu.memory_space<vmem>>, vector<1x16xf32>,
      %parallel_loop3A_211 = arith.constant 32 : i32
      %parallel_loop3A_212 = arith.addi %parallel_loop3A_211, %parallel_loop3A_122 : i32
      %parallel_loop3A_213 = arith.index_cast %parallel_loop3A_212 : i32 to index
      %parallel_loop3A_214 = arith.constant 128 : index
      %parallel_loop3A_215 = tpu.vector_load %arg7[%parallel_loop3A_213, %parallel_loop3A_214] {strides = array<i32>} : memref<128x512xf32, #tpu.memory_space<vmem>>, vector<1x16xf32>,
      %parallel_loop3A_216 = vector.shape_cast %parallel_loop3A_215 : vector<1x16xf32> to vector<16xf32>
      %parallel_loop3A_217 = arith.index_cast %parallel_loop3A_122 : i32 to index
      %parallel_loop3A_218 = arith.constant 128 : index
      %parallel_loop3A_219 = tpu.vector_load %arg9[%parallel_loop3A_217, %parallel_loop3A_218] {strides = array<i32>} : memref<32x512xf32, #tpu.memory_space<vmem>>, vector<1x16xf32>,
      %parallel_loop3A_220 = vector.shape_cast %parallel_loop3A_219 : vector<1x16xf32> to vector<16xf32>
      %parallel_loop3A_221 = vector.shape_cast %parallel_loop3A_216 : vector<16xf32> to vector<1x16xf32>
      tpu.vector_store %arg9[%parallel_loop3A_217, %parallel_loop3A_218], %parallel_loop3A_221 {add = true, strides = array<i32>} : memref<32x512xf32, #tpu.memory_space<vmem>>, vector<1x16xf32>,
      %parallel_loop3A_222 = arith.constant 32 : i32
      %parallel_loop3A_223 = arith.addi %parallel_loop3A_222, %parallel_loop3A_122 : i32
      %parallel_loop3A_224 = arith.index_cast %parallel_loop3A_223 : i32 to index
      %parallel_loop3A_225 = arith.constant 144 : index
      %parallel_loop3A_226 = tpu.vector_load %arg7[%parallel_loop3A_224, %parallel_loop3A_225] {strides = array<i32>} : memref<128x512xf32, #tpu.memory_space<vmem>>, vector<1x16xf32>,
      %parallel_loop3A_227 = vector.shape_cast %parallel_loop3A_226 : vector<1x16xf32> to vector<16xf32>
      %parallel_loop3A_228 = arith.index_cast %parallel_loop3A_122 : i32 to index
      %parallel_loop3A_229 = arith.constant 144 : index
      %parallel_loop3A_230 = tpu.vector_load %arg9[%parallel_loop3A_228, %parallel_loop3A_229] {strides = array<i32>} : memref<32x512xf32, #tpu.memory_space<vmem>>, vector<1x16xf32>,
      %parallel_loop3A_231 = vector.shape_cast %parallel_loop3A_230 : vector<1x16xf32> to vector<16xf32>
      %parallel_loop3A_232 = vector.shape_cast %parallel_loop3A_227 : vector<16xf32> to vector<1x16xf32>
      tpu.vector_store %arg9[%parallel_loop3A_228, %parallel_loop3A_229], %parallel_loop3A_232 {add = true, strides = array<i32>} : memref<32x512xf32, #tpu.memory_space<vmem>>, vector<1x16xf32>,
      %parallel_loop3A_233 = arith.constant 32 : i32
      %parallel_loop3A_234 = arith.addi %parallel_loop3A_233, %parallel_loop3A_122 : i32
      %parallel_loop3A_235 = arith.index_cast %parallel_loop3A_234 : i32 to index
      %parallel_loop3A_236 = arith.constant 160 : index
      %parallel_loop3A_237 = tpu.vector_load %arg7[%parallel_loop3A_235, %parallel_loop3A_236] {strides = array<i32>} : memref<128x512xf32, #tpu.memory_space<vmem>>, vector<1x16xf32>,
      %parallel_loop3A_238 = vector.shape_cast %parallel_loop3A_237 : vector<1x16xf32> to vector<16xf32>
      %parallel_loop3A_239 = arith.index_cast %parallel_loop3A_122 : i32 to index
      %parallel_loop3A_240 = arith.constant 160 : index
      %parallel_loop3A_241 = tpu.vector_load %arg9[%parallel_loop3A_239, %parallel_loop3A_240] {strides = array<i32>} : memref<32x512xf32, #tpu.memory_space<vmem>>, vector<1x16xf32>,
      %parallel_loop3A_242 = vector.shape_cast %parallel_loop3A_241 : vector<1x16xf32> to vector<16xf32>
      %parallel_loop3A_243 = vector.shape_cast %parallel_loop3A_238 : vector<16xf32> to vector<1x16xf32>
      tpu.vector_store %arg9[%parallel_loop3A_239, %parallel_loop3A_240], %parallel_loop3A_243 {add = true, strides = array<i32>} : memref<32x512xf32, #tpu.memory_space<vmem>>, vector<1x16xf32>,
      %parallel_loop3A_244 = arith.constant 32 : i32
      %parallel_loop3A_245 = arith.addi %parallel_loop3A_244, %parallel_loop3A_122 : i32
      %parallel_loop3A_246 = arith.index_cast %parallel_loop3A_245 : i32 to index
      %parallel_loop3A_247 = arith.constant 176 : index
      %parallel_loop3A_248 = tpu.vector_load %arg7[%parallel_loop3A_246, %parallel_loop3A_247] {strides = array<i32>} : memref<128x512xf32, #tpu.memory_space<vmem>>, vector<1x16xf32>,
      %parallel_loop3A_249 = vector.shape_cast %parallel_loop3A_248 : vector<1x16xf32> to vector<16xf32>
      %parallel_loop3A_250 = arith.index_cast %parallel_loop3A_122 : i32 to index
      %parallel_loop3A_251 = arith.constant 176 : index
      %parallel_loop3A_252 = tpu.vector_load %arg9[%parallel_loop3A_250, %parallel_loop3A_251] {strides = array<i32>} : memref<32x512xf32, #tpu.memory_space<vmem>>, vector<1x16xf32>,
      %parallel_loop3A_253 = vector.shape_cast %parallel_loop3A_252 : vector<1x16xf32> to vector<16xf32>
      %parallel_loop3A_254 = vector.shape_cast %parallel_loop3A_249 : vector<16xf32> to vector<1x16xf32>
      tpu.vector_store %arg9[%parallel_loop3A_250, %parallel_loop3A_251], %parallel_loop3A_254 {add = true, strides = array<i32>} : memref<32x512xf32, #tpu.memory_space<vmem>>, vector<1x16xf32>,
      %parallel_loop3A_255 = arith.constant 32 : i32
      %parallel_loop3A_256 = arith.addi %parallel_loop3A_255, %parallel_loop3A_122 : i32
      %parallel_loop3A_257 = arith.index_cast %parallel_loop3A_256 : i32 to index
      %parallel_loop3A_258 = arith.constant 192 : index
      %parallel_loop3A_259 = tpu.vector_load %arg7[%parallel_loop3A_257, %parallel_loop3A_258] {strides = array<i32>} : memref<128x512xf32, #tpu.memory_space<vmem>>, vector<1x16xf32>,
      %parallel_loop3A_260 = vector.shape_cast %parallel_loop3A_259 : vector<1x16xf32> to vector<16xf32>
      %parallel_loop3A_261 = arith.index_cast %parallel_loop3A_122 : i32 to index
      %parallel_loop3A_262 = arith.constant 192 : index
      %parallel_loop3A_263 = tpu.vector_load %arg9[%parallel_loop3A_261, %parallel_loop3A_262] {strides = array<i32>} : memref<32x512xf32, #tpu.memory_space<vmem>>, vector<1x16xf32>,
      %parallel_loop3A_264 = vector.shape_cast %parallel_loop3A_263 : vector<1x16xf32> to vector<16xf32>
      %parallel_loop3A_265 = vector.shape_cast %parallel_loop3A_260 : vector<16xf32> to vector<1x16xf32>
      tpu.vector_store %arg9[%parallel_loop3A_261, %parallel_loop3A_262], %parallel_loop3A_265 {add = true, strides = array<i32>} : memref<32x512xf32, #tpu.memory_space<vmem>>, vector<1x16xf32>,
      %parallel_loop3A_266 = arith.constant 32 : i32
      %parallel_loop3A_267 = arith.addi %parallel_loop3A_266, %parallel_loop3A_122 : i32
      %parallel_loop3A_268 = arith.index_cast %parallel_loop3A_267 : i32 to index
      %parallel_loop3A_269 = arith.constant 208 : index
      %parallel_loop3A_270 = tpu.vector_load %arg7[%parallel_loop3A_268, %parallel_loop3A_269] {strides = array<i32>} : memref<128x512xf32, #tpu.memory_space<vmem>>, vector<1x16xf32>,
      %parallel_loop3A_271 = vector.shape_cast %parallel_loop3A_270 : vector<1x16xf32> to vector<16xf32>
      %parallel_loop3A_272 = arith.index_cast %parallel_loop3A_122 : i32 to index
      %parallel_loop3A_273 = arith.constant 208 : index
      %parallel_loop3A_274 = tpu.vector_load %arg9[%parallel_loop3A_272, %parallel_loop3A_273] {strides = array<i32>} : memref<32x512xf32, #tpu.memory_space<vmem>>, vector<1x16xf32>,
      %parallel_loop3A_275 = vector.shape_cast %parallel_loop3A_274 : vector<1x16xf32> to vector<16xf32>
      %parallel_loop3A_276 = vector.shape_cast %parallel_loop3A_271 : vector<16xf32> to vector<1x16xf32>
      tpu.vector_store %arg9[%parallel_loop3A_272, %parallel_loop3A_273], %parallel_loop3A_276 {add = true, strides = array<i32>} : memref<32x512xf32, #tpu.memory_space<vmem>>, vector<1x16xf32>,
      %parallel_loop3A_277 = arith.constant 32 : i32
      %parallel_loop3A_278 = arith.addi %parallel_loop3A_277, %parallel_loop3A_122 : i32
      %parallel_loop3A_279 = arith.index_cast %parallel_loop3A_278 : i32 to index
      %parallel_loop3A_280 = arith.constant 224 : index
      %parallel_loop3A_281 = tpu.vector_load %arg7[%parallel_loop3A_279, %parallel_loop3A_280] {strides = array<i32>} : memref<128x512xf32, #tpu.memory_space<vmem>>, vector<1x16xf32>,
      %parallel_loop3A_282 = vector.shape_cast %parallel_loop3A_281 : vector<1x16xf32> to vector<16xf32>
      %parallel_loop3A_283 = arith.index_cast %parallel_loop3A_122 : i32 to index
      %parallel_loop3A_284 = arith.constant 224 : index
      %parallel_loop3A_285 = tpu.vector_load %arg9[%parallel_loop3A_283, %parallel_loop3A_284] {strides = array<i32>} : memref<32x512xf32, #tpu.memory_space<vmem>>, vector<1x16xf32>,
      %parallel_loop3A_286 = vector.shape_cast %parallel_loop3A_285 : vector<1x16xf32> to vector<16xf32>
      %parallel_loop3A_287 = vector.shape_cast %parallel_loop3A_282 : vector<16xf32> to vector<1x16xf32>
      tpu.vector_store %arg9[%parallel_loop3A_283, %parallel_loop3A_284], %parallel_loop3A_287 {add = true, strides = array<i32>} : memref<32x512xf32, #tpu.memory_space<vmem>>, vector<1x16xf32>,
      %parallel_loop3A_288 = arith.constant 32 : i32
      %parallel_loop3A_289 = arith.addi %parallel_loop3A_288, %parallel_loop3A_122 : i32
      %parallel_loop3A_290 = arith.index_cast %parallel_loop3A_289 : i32 to index
      %parallel_loop3A_291 = arith.constant 240 : index
      %parallel_loop3A_292 = tpu.vector_load %arg7[%parallel_loop3A_290, %parallel_loop3A_291] {strides = array<i32>} : memref<128x512xf32, #tpu.memory_space<vmem>>, vector<1x16xf32>,
      %parallel_loop3A_293 = vector.shape_cast %parallel_loop3A_292 : vector<1x16xf32> to vector<16xf32>
      %parallel_loop3A_294 = arith.index_cast %parallel_loop3A_122 : i32 to index
      %parallel_loop3A_295 = arith.constant 240 : index
      %parallel_loop3A_296 = tpu.vector_load %arg9[%parallel_loop3A_294, %parallel_loop3A_295] {strides = array<i32>} : memref<32x512xf32, #tpu.memory_space<vmem>>, vector<1x16xf32>,
      %parallel_loop3A_297 = vector.shape_cast %parallel_loop3A_296 : vector<1x16xf32> to vector<16xf32>
      %parallel_loop3A_298 = vector.shape_cast %parallel_loop3A_293 : vector<16xf32> to vector<1x16xf32>
      tpu.vector_store %arg9[%parallel_loop3A_294, %parallel_loop3A_295], %parallel_loop3A_298 {add = true, strides = array<i32>} : memref<32x512xf32, #tpu.memory_space<vmem>>, vector<1x16xf32>,
      %parallel_loop3A_299 = arith.constant 32 : i32
      %parallel_loop3A_300 = arith.addi %parallel_loop3A_299, %parallel_loop3A_122 : i32
      %parallel_loop3A_301 = arith.index_cast %parallel_loop3A_300 : i32 to index
      %parallel_loop3A_302 = arith.constant 256 : index
      %parallel_loop3A_303 = tpu.vector_load %arg7[%parallel_loop3A_301, %parallel_loop3A_302] {strides = array<i32>} : memref<128x512xf32, #tpu.memory_space<vmem>>, vector<1x16xf32>,
      %parallel_loop3A_304 = vector.shape_cast %parallel_loop3A_303 : vector<1x16xf32> to vector<16xf32>
      %parallel_loop3A_305 = arith.index_cast %parallel_loop3A_122 : i32 to index
      %parallel_loop3A_306 = arith.constant 256 : index
      %parallel_loop3A_307 = tpu.vector_load %arg9[%parallel_loop3A_305, %parallel_loop3A_306] {strides = array<i32>} : memref<32x512xf32, #tpu.memory_space<vmem>>, vector<1x16xf32>,
      %parallel_loop3A_308 = vector.shape_cast %parallel_loop3A_307 : vector<1x16xf32> to vector<16xf32>
      %parallel_loop3A_309 = vector.shape_cast %parallel_loop3A_304 : vector<16xf32> to vector<1x16xf32>
      tpu.vector_store %arg9[%parallel_loop3A_305, %parallel_loop3A_306], %parallel_loop3A_309 {add = true, strides = array<i32>} : memref<32x512xf32, #tpu.memory_space<vmem>>, vector<1x16xf32>,
      %parallel_loop3A_310 = arith.constant 32 : i32
      %parallel_loop3A_311 = arith.addi %parallel_loop3A_310, %parallel_loop3A_122 : i32
      %parallel_loop3A_312 = arith.index_cast %parallel_loop3A_311 : i32 to index
      %parallel_loop3A_313 = arith.constant 272 : index
      %parallel_loop3A_314 = tpu.vector_load %arg7[%parallel_loop3A_312, %parallel_loop3A_313] {strides = array<i32>} : memref<128x512xf32, #tpu.memory_space<vmem>>, vector<1x16xf32>,
      %parallel_loop3A_315 = vector.shape_cast %parallel_loop3A_314 : vector<1x16xf32> to vector<16xf32>
      %parallel_loop3A_316 = arith.index_cast %parallel_loop3A_122 : i32 to index
      %parallel_loop3A_317 = arith.constant 272 : index
      %parallel_loop3A_318 = tpu.vector_load %arg9[%parallel_loop3A_316, %parallel_loop3A_317] {strides = array<i32>} : memref<32x512xf32, #tpu.memory_space<vmem>>, vector<1x16xf32>,
      %parallel_loop3A_319 = vector.shape_cast %parallel_loop3A_318 : vector<1x16xf32> to vector<16xf32>
      %parallel_loop3A_320 = vector.shape_cast %parallel_loop3A_315 : vector<16xf32> to vector<1x16xf32>
      tpu.vector_store %arg9[%parallel_loop3A_316, %parallel_loop3A_317], %parallel_loop3A_320 {add = true, strides = array<i32>} : memref<32x512xf32, #tpu.memory_space<vmem>>, vector<1x16xf32>,
      %parallel_loop3A_321 = arith.constant 32 : i32
      %parallel_loop3A_322 = arith.addi %parallel_loop3A_321, %parallel_loop3A_122 : i32
      %parallel_loop3A_323 = arith.index_cast %parallel_loop3A_322 : i32 to index
      %parallel_loop3A_324 = arith.constant 288 : index
      %parallel_loop3A_325 = tpu.vector_load %arg7[%parallel_loop3A_323, %parallel_loop3A_324] {strides = array<i32>} : memref<128x512xf32, #tpu.memory_space<vmem>>, vector<1x16xf32>,
      %parallel_loop3A_326 = vector.shape_cast %parallel_loop3A_325 : vector<1x16xf32> to vector<16xf32>
      %parallel_loop3A_327 = arith.index_cast %parallel_loop3A_122 : i32 to index
      %parallel_loop3A_328 = arith.constant 288 : index
      %parallel_loop3A_329 = tpu.vector_load %arg9[%parallel_loop3A_327, %parallel_loop3A_328] {strides = array<i32>} : memref<32x512xf32, #tpu.memory_space<vmem>>, vector<1x16xf32>,
      %parallel_loop3A_330 = vector.shape_cast %parallel_loop3A_329 : vector<1x16xf32> to vector<16xf32>
      %parallel_loop3A_331 = vector.shape_cast %parallel_loop3A_326 : vector<16xf32> to vector<1x16xf32>
      tpu.vector_store %arg9[%parallel_loop3A_327, %parallel_loop3A_328], %parallel_loop3A_331 {add = true, strides = array<i32>} : memref<32x512xf32, #tpu.memory_space<vmem>>, vector<1x16xf32>,
      %parallel_loop3A_332 = arith.constant 32 : i32
      %parallel_loop3A_333 = arith.addi %parallel_loop3A_332, %parallel_loop3A_122 : i32
      %parallel_loop3A_334 = arith.index_cast %parallel_loop3A_333 : i32 to index
      %parallel_loop3A_335 = arith.constant 304 : index
      %parallel_loop3A_336 = tpu.vector_load %arg7[%parallel_loop3A_334, %parallel_loop3A_335] {strides = array<i32>} : memref<128x512xf32, #tpu.memory_space<vmem>>, vector<1x16xf32>,
      %parallel_loop3A_337 = vector.shape_cast %parallel_loop3A_336 : vector<1x16xf32> to vector<16xf32>
      %parallel_loop3A_338 = arith.index_cast %parallel_loop3A_122 : i32 to index
      %parallel_loop3A_339 = arith.constant 304 : index
      %parallel_loop3A_340 = tpu.vector_load %arg9[%parallel_loop3A_338, %parallel_loop3A_339] {strides = array<i32>} : memref<32x512xf32, #tpu.memory_space<vmem>>, vector<1x16xf32>,
      %parallel_loop3A_341 = vector.shape_cast %parallel_loop3A_340 : vector<1x16xf32> to vector<16xf32>
      %parallel_loop3A_342 = vector.shape_cast %parallel_loop3A_337 : vector<16xf32> to vector<1x16xf32>
      tpu.vector_store %arg9[%parallel_loop3A_338, %parallel_loop3A_339], %parallel_loop3A_342 {add = true, strides = array<i32>} : memref<32x512xf32, #tpu.memory_space<vmem>>, vector<1x16xf32>,
      %parallel_loop3A_343 = arith.constant 32 : i32
      %parallel_loop3A_344 = arith.addi %parallel_loop3A_343, %parallel_loop3A_122 : i32
      %parallel_loop3A_345 = arith.index_cast %parallel_loop3A_344 : i32 to index
      %parallel_loop3A_346 = arith.constant 320 : index
      %parallel_loop3A_347 = tpu.vector_load %arg7[%parallel_loop3A_345, %parallel_loop3A_346] {strides = array<i32>} : memref<128x512xf32, #tpu.memory_space<vmem>>, vector<1x16xf32>,
      %parallel_loop3A_348 = vector.shape_cast %parallel_loop3A_347 : vector<1x16xf32> to vector<16xf32>
      %parallel_loop3A_349 = arith.index_cast %parallel_loop3A_122 : i32 to index
      %parallel_loop3A_350 = arith.constant 320 : index
      %parallel_loop3A_351 = tpu.vector_load %arg9[%parallel_loop3A_349, %parallel_loop3A_350] {strides = array<i32>} : memref<32x512xf32, #tpu.memory_space<vmem>>, vector<1x16xf32>,
      %parallel_loop3A_352 = vector.shape_cast %parallel_loop3A_351 : vector<1x16xf32> to vector<16xf32>
      %parallel_loop3A_353 = vector.shape_cast %parallel_loop3A_348 : vector<16xf32> to vector<1x16xf32>
      tpu.vector_store %arg9[%parallel_loop3A_349, %parallel_loop3A_350], %parallel_loop3A_353 {add = true, strides = array<i32>} : memref<32x512xf32, #tpu.memory_space<vmem>>, vector<1x16xf32>,
      %parallel_loop3A_354 = arith.constant 32 : i32
      %parallel_loop3A_355 = arith.addi %parallel_loop3A_354, %parallel_loop3A_122 : i32
      %parallel_loop3A_356 = arith.index_cast %parallel_loop3A_355 : i32 to index
      %parallel_loop3A_357 = arith.constant 336 : index
      %parallel_loop3A_358 = tpu.vector_load %arg7[%parallel_loop3A_356, %parallel_loop3A_357] {strides = array<i32>} : memref<128x512xf32, #tpu.memory_space<vmem>>, vector<1x16xf32>,
      %parallel_loop3A_359 = vector.shape_cast %parallel_loop3A_358 : vector<1x16xf32> to vector<16xf32>
      %parallel_loop3A_360 = arith.index_cast %parallel_loop3A_122 : i32 to index
      %parallel_loop3A_361 = arith.constant 336 : index
      %parallel_loop3A_362 = tpu.vector_load %arg9[%parallel_loop3A_360, %parallel_loop3A_361] {strides = array<i32>} : memref<32x512xf32, #tpu.memory_space<vmem>>, vector<1x16xf32>,
      %parallel_loop3A_363 = vector.shape_cast %parallel_loop3A_362 : vector<1x16xf32> to vector<16xf32>
      %parallel_loop3A_364 = vector.shape_cast %parallel_loop3A_359 : vector<16xf32> to vector<1x16xf32>
      tpu.vector_store %arg9[%parallel_loop3A_360, %parallel_loop3A_361], %parallel_loop3A_364 {add = true, strides = array<i32>} : memref<32x512xf32, #tpu.memory_space<vmem>>, vector<1x16xf32>,
      %parallel_loop3A_365 = arith.constant 32 : i32
      %parallel_loop3A_366 = arith.addi %parallel_loop3A_365, %parallel_loop3A_122 : i32
      %parallel_loop3A_367 = arith.index_cast %parallel_loop3A_366 : i32 to index
      %parallel_loop3A_368 = arith.constant 352 : index
      %parallel_loop3A_369 = tpu.vector_load %arg7[%parallel_loop3A_367, %parallel_loop3A_368] {strides = array<i32>} : memref<128x512xf32, #tpu.memory_space<vmem>>, vector<1x16xf32>,
      %parallel_loop3A_370 = vector.shape_cast %parallel_loop3A_369 : vector<1x16xf32> to vector<16xf32>
      %parallel_loop3A_371 = arith.index_cast %parallel_loop3A_122 : i32 to index
      %parallel_loop3A_372 = arith.constant 352 : index
      %parallel_loop3A_373 = tpu.vector_load %arg9[%parallel_loop3A_371, %parallel_loop3A_372] {strides = array<i32>} : memref<32x512xf32, #tpu.memory_space<vmem>>, vector<1x16xf32>,
      %parallel_loop3A_374 = vector.shape_cast %parallel_loop3A_373 : vector<1x16xf32> to vector<16xf32>
      %parallel_loop3A_375 = vector.shape_cast %parallel_loop3A_370 : vector<16xf32> to vector<1x16xf32>
      tpu.vector_store %arg9[%parallel_loop3A_371, %parallel_loop3A_372], %parallel_loop3A_375 {add = true, strides = array<i32>} : memref<32x512xf32, #tpu.memory_space<vmem>>, vector<1x16xf32>,
      %parallel_loop3A_376 = arith.constant 32 : i32
      %parallel_loop3A_377 = arith.addi %parallel_loop3A_376, %parallel_loop3A_122 : i32
      %parallel_loop3A_378 = arith.index_cast %parallel_loop3A_377 : i32 to index
      %parallel_loop3A_379 = arith.constant 368 : index
      %parallel_loop3A_380 = tpu.vector_load %arg7[%parallel_loop3A_378, %parallel_loop3A_379] {strides = array<i32>} : memref<128x512xf32, #tpu.memory_space<vmem>>, vector<1x16xf32>,
      %parallel_loop3A_381 = vector.shape_cast %parallel_loop3A_380 : vector<1x16xf32> to vector<16xf32>
      %parallel_loop3A_382 = arith.index_cast %parallel_loop3A_122 : i32 to index
      %parallel_loop3A_383 = arith.constant 368 : index
      %parallel_loop3A_384 = tpu.vector_load %arg9[%parallel_loop3A_382, %parallel_loop3A_383] {strides = array<i32>} : memref<32x512xf32, #tpu.memory_space<vmem>>, vector<1x16xf32>,
      %parallel_loop3A_385 = vector.shape_cast %parallel_loop3A_384 : vector<1x16xf32> to vector<16xf32>
      %parallel_loop3A_386 = vector.shape_cast %parallel_loop3A_381 : vector<16xf32> to vector<1x16xf32>
      tpu.vector_store %arg9[%parallel_loop3A_382, %parallel_loop3A_383], %parallel_loop3A_386 {add = true, strides = array<i32>} : memref<32x512xf32, #tpu.memory_space<vmem>>, vector<1x16xf32>,
      %parallel_loop3A_387 = arith.constant 32 : i32
      %parallel_loop3A_388 = arith.addi %parallel_loop3A_387, %parallel_loop3A_122 : i32
      %parallel_loop3A_389 = arith.index_cast %parallel_loop3A_388 : i32 to index
      %parallel_loop3A_390 = arith.constant 384 : index
      %parallel_loop3A_391 = tpu.vector_load %arg7[%parallel_loop3A_389, %parallel_loop3A_390] {strides = array<i32>} : memref<128x512xf32, #tpu.memory_space<vmem>>, vector<1x16xf32>,
      %parallel_loop3A_392 = vector.shape_cast %parallel_loop3A_391 : vector<1x16xf32> to vector<16xf32>
      %parallel_loop3A_393 = arith.index_cast %parallel_loop3A_122 : i32 to index
      %parallel_loop3A_394 = arith.constant 384 : index
      %parallel_loop3A_395 = tpu.vector_load %arg9[%parallel_loop3A_393, %parallel_loop3A_394] {strides = array<i32>} : memref<32x512xf32, #tpu.memory_space<vmem>>, vector<1x16xf32>,
      %parallel_loop3A_396 = vector.shape_cast %parallel_loop3A_395 : vector<1x16xf32> to vector<16xf32>
      %parallel_loop3A_397 = vector.shape_cast %parallel_loop3A_392 : vector<16xf32> to vector<1x16xf32>
      tpu.vector_store %arg9[%parallel_loop3A_393, %parallel_loop3A_394], %parallel_loop3A_397 {add = true, strides = array<i32>} : memref<32x512xf32, #tpu.memory_space<vmem>>, vector<1x16xf32>,
      %parallel_loop3A_398 = arith.constant 32 : i32
      %parallel_loop3A_399 = arith.addi %parallel_loop3A_398, %parallel_loop3A_122 : i32
      %parallel_loop3A_400 = arith.index_cast %parallel_loop3A_399 : i32 to index
      %parallel_loop3A_401 = arith.constant 400 : index
      %parallel_loop3A_402 = tpu.vector_load %arg7[%parallel_loop3A_400, %parallel_loop3A_401] {strides = array<i32>} : memref<128x512xf32, #tpu.memory_space<vmem>>, vector<1x16xf32>,
      %parallel_loop3A_403 = vector.shape_cast %parallel_loop3A_402 : vector<1x16xf32> to vector<16xf32>
      %parallel_loop3A_404 = arith.index_cast %parallel_loop3A_122 : i32 to index
      %parallel_loop3A_405 = arith.constant 400 : index
      %parallel_loop3A_406 = tpu.vector_load %arg9[%parallel_loop3A_404, %parallel_loop3A_405] {strides = array<i32>} : memref<32x512xf32, #tpu.memory_space<vmem>>, vector<1x16xf32>,
      %parallel_loop3A_407 = vector.shape_cast %parallel_loop3A_406 : vector<1x16xf32> to vector<16xf32>
      %parallel_loop3A_408 = vector.shape_cast %parallel_loop3A_403 : vector<16xf32> to vector<1x16xf32>
      tpu.vector_store %arg9[%parallel_loop3A_404, %parallel_loop3A_405], %parallel_loop3A_408 {add = true, strides = array<i32>} : memref<32x512xf32, #tpu.memory_space<vmem>>, vector<1x16xf32>,
      %parallel_loop3A_409 = arith.constant 32 : i32
      %parallel_loop3A_410 = arith.addi %parallel_loop3A_409, %parallel_loop3A_122 : i32
      %parallel_loop3A_411 = arith.index_cast %parallel_loop3A_410 : i32 to index
      %parallel_loop3A_412 = arith.constant 416 : index
      %parallel_loop3A_413 = tpu.vector_load %arg7[%parallel_loop3A_411, %parallel_loop3A_412] {strides = array<i32>} : memref<128x512xf32, #tpu.memory_space<vmem>>, vector<1x16xf32>,
      %parallel_loop3A_414 = vector.shape_cast %parallel_loop3A_413 : vector<1x16xf32> to vector<16xf32>
      %parallel_loop3A_415 = arith.index_cast %parallel_loop3A_122 : i32 to index
      %parallel_loop3A_416 = arith.constant 416 : index
      %parallel_loop3A_417 = tpu.vector_load %arg9[%parallel_loop3A_415, %parallel_loop3A_416] {strides = array<i32>} : memref<32x512xf32, #tpu.memory_space<vmem>>, vector<1x16xf32>,
      %parallel_loop3A_418 = vector.shape_cast %parallel_loop3A_417 : vector<1x16xf32> to vector<16xf32>
      %parallel_loop3A_419 = vector.shape_cast %parallel_loop3A_414 : vector<16xf32> to vector<1x16xf32>
      tpu.vector_store %arg9[%parallel_loop3A_415, %parallel_loop3A_416], %parallel_loop3A_419 {add = true, strides = array<i32>} : memref<32x512xf32, #tpu.memory_space<vmem>>, vector<1x16xf32>,
      %parallel_loop3A_420 = arith.constant 32 : i32
      %parallel_loop3A_421 = arith.addi %parallel_loop3A_420, %parallel_loop3A_122 : i32
      %parallel_loop3A_422 = arith.index_cast %parallel_loop3A_421 : i32 to index
      %parallel_loop3A_423 = arith.constant 432 : index
      %parallel_loop3A_424 = tpu.vector_load %arg7[%parallel_loop3A_422, %parallel_loop3A_423] {strides = array<i32>} : memref<128x512xf32, #tpu.memory_space<vmem>>, vector<1x16xf32>,
      %parallel_loop3A_425 = vector.shape_cast %parallel_loop3A_424 : vector<1x16xf32> to vector<16xf32>
      %parallel_loop3A_426 = arith.index_cast %parallel_loop3A_122 : i32 to index
      %parallel_loop3A_427 = arith.constant 432 : index
      %parallel_loop3A_428 = tpu.vector_load %arg9[%parallel_loop3A_426, %parallel_loop3A_427] {strides = array<i32>} : memref<32x512xf32, #tpu.memory_space<vmem>>, vector<1x16xf32>,
      %parallel_loop3A_429 = vector.shape_cast %parallel_loop3A_428 : vector<1x16xf32> to vector<16xf32>
      %parallel_loop3A_430 = vector.shape_cast %parallel_loop3A_425 : vector<16xf32> to vector<1x16xf32>
      tpu.vector_store %arg9[%parallel_loop3A_426, %parallel_loop3A_427], %parallel_loop3A_430 {add = true, strides = array<i32>} : memref<32x512xf32, #tpu.memory_space<vmem>>, vector<1x16xf32>,
      %parallel_loop3A_431 = arith.constant 32 : i32
      %parallel_loop3A_432 = arith.addi %parallel_loop3A_431, %parallel_loop3A_122 : i32
      %parallel_loop3A_433 = arith.index_cast %parallel_loop3A_432 : i32 to index
      %parallel_loop3A_434 = arith.constant 448 : index
      %parallel_loop3A_435 = tpu.vector_load %arg7[%parallel_loop3A_433, %parallel_loop3A_434] {strides = array<i32>} : memref<128x512xf32, #tpu.memory_space<vmem>>, vector<1x16xf32>,
      %parallel_loop3A_436 = vector.shape_cast %parallel_loop3A_435 : vector<1x16xf32> to vector<16xf32>
      %parallel_loop3A_437 = arith.index_cast %parallel_loop3A_122 : i32 to index
      %parallel_loop3A_438 = arith.constant 448 : index
      %parallel_loop3A_439 = tpu.vector_load %arg9[%parallel_loop3A_437, %parallel_loop3A_438] {strides = array<i32>} : memref<32x512xf32, #tpu.memory_space<vmem>>, vector<1x16xf32>,
      %parallel_loop3A_440 = vector.shape_cast %parallel_loop3A_439 : vector<1x16xf32> to vector<16xf32>
      %parallel_loop3A_441 = vector.shape_cast %parallel_loop3A_436 : vector<16xf32> to vector<1x16xf32>
      tpu.vector_store %arg9[%parallel_loop3A_437, %parallel_loop3A_438], %parallel_loop3A_441 {add = true, strides = array<i32>} : memref<32x512xf32, #tpu.memory_space<vmem>>, vector<1x16xf32>,
      %parallel_loop3A_442 = arith.constant 32 : i32
      %parallel_loop3A_443 = arith.addi %parallel_loop3A_442, %parallel_loop3A_122 : i32
      %parallel_loop3A_444 = arith.index_cast %parallel_loop3A_443 : i32 to index
      %parallel_loop3A_445 = arith.constant 464 : index
      %parallel_loop3A_446 = tpu.vector_load %arg7[%parallel_loop3A_444, %parallel_loop3A_445] {strides = array<i32>} : memref<128x512xf32, #tpu.memory_space<vmem>>, vector<1x16xf32>,
      %parallel_loop3A_447 = vector.shape_cast %parallel_loop3A_446 : vector<1x16xf32> to vector<16xf32>
      %parallel_loop3A_448 = arith.index_cast %parallel_loop3A_122 : i32 to index
      %parallel_loop3A_449 = arith.constant 464 : index
      %parallel_loop3A_450 = tpu.vector_load %arg9[%parallel_loop3A_448, %parallel_loop3A_449] {strides = array<i32>} : memref<32x512xf32, #tpu.memory_space<vmem>>, vector<1x16xf32>,
      %parallel_loop3A_451 = vector.shape_cast %parallel_loop3A_450 : vector<1x16xf32> to vector<16xf32>
      %parallel_loop3A_452 = vector.shape_cast %parallel_loop3A_447 : vector<16xf32> to vector<1x16xf32>
      tpu.vector_store %arg9[%parallel_loop3A_448, %parallel_loop3A_449], %parallel_loop3A_452 {add = true, strides = array<i32>} : memref<32x512xf32, #tpu.memory_space<vmem>>, vector<1x16xf32>,
      %parallel_loop3A_453 = arith.constant 32 : i32
      %parallel_loop3A_454 = arith.addi %parallel_loop3A_453, %parallel_loop3A_122 : i32
      %parallel_loop3A_455 = arith.index_cast %parallel_loop3A_454 : i32 to index
      %parallel_loop3A_456 = arith.constant 480 : index
      %parallel_loop3A_457 = tpu.vector_load %arg7[%parallel_loop3A_455, %parallel_loop3A_456] {strides = array<i32>} : memref<128x512xf32, #tpu.memory_space<vmem>>, vector<1x16xf32>,
      %parallel_loop3A_458 = vector.shape_cast %parallel_loop3A_457 : vector<1x16xf32> to vector<16xf32>
      %parallel_loop3A_459 = arith.index_cast %parallel_loop3A_122 : i32 to index
      %parallel_loop3A_460 = arith.constant 480 : index
      %parallel_loop3A_461 = tpu.vector_load %arg9[%parallel_loop3A_459, %parallel_loop3A_460] {strides = array<i32>} : memref<32x512xf32, #tpu.memory_space<vmem>>, vector<1x16xf32>,
      %parallel_loop3A_462 = vector.shape_cast %parallel_loop3A_461 : vector<1x16xf32> to vector<16xf32>
      %parallel_loop3A_463 = vector.shape_cast %parallel_loop3A_458 : vector<16xf32> to vector<1x16xf32>
      tpu.vector_store %arg9[%parallel_loop3A_459, %parallel_loop3A_460], %parallel_loop3A_463 {add = true, strides = array<i32>} : memref<32x512xf32, #tpu.memory_space<vmem>>, vector<1x16xf32>,
      %parallel_loop3A_464 = arith.constant 32 : i32
      %parallel_loop3A_465 = arith.addi %parallel_loop3A_464, %parallel_loop3A_122 : i32
      %parallel_loop3A_466 = arith.index_cast %parallel_loop3A_465 : i32 to index
      %parallel_loop3A_467 = arith.constant 496 : index
      %parallel_loop3A_468 = tpu.vector_load %arg7[%parallel_loop3A_466, %parallel_loop3A_467] {strides = array<i32>} : memref<128x512xf32, #tpu.memory_space<vmem>>, vector<1x16xf32>,
      %parallel_loop3A_469 = vector.shape_cast %parallel_loop3A_468 : vector<1x16xf32> to vector<16xf32>
      %parallel_loop3A_470 = arith.index_cast %parallel_loop3A_122 : i32 to index
      %parallel_loop3A_471 = arith.constant 496 : index
      %parallel_loop3A_472 = tpu.vector_load %arg9[%parallel_loop3A_470, %parallel_loop3A_471] {strides = array<i32>} : memref<32x512xf32, #tpu.memory_space<vmem>>, vector<1x16xf32>,
      %parallel_loop3A_473 = vector.shape_cast %parallel_loop3A_472 : vector<1x16xf32> to vector<16xf32>
      %parallel_loop3A_474 = vector.shape_cast %parallel_loop3A_469 : vector<16xf32> to vector<1x16xf32>
      tpu.vector_store %arg9[%parallel_loop3A_470, %parallel_loop3A_471], %parallel_loop3A_474 {add = true, strides = array<i32>} : memref<32x512xf32, #tpu.memory_space<vmem>>, vector<1x16xf32>,
    } {sc.loop_unroll_factor = 1 : i64, sc.parallel_access}
    %add3A_55 = arith.constant 0 : i32
    %add3A_56 = arith.addi %add3A_55, %mul3A_0 : i32
    %add3A_57 = arith.constant 32 : i32
    %add3A_58 = arith.addi %add3A_56, %add3A_57 : i32
    %dma_start3A_59 = arith.constant 0 : i32
    %dma_start3A_60 = tpu.memref_slice %arg5[%add3A_58, %dma_start3A_59] : memref<2048x512xf32, #tpu.memory_space<hbm>> -> memref<32x512xf32, #tpu.memory_space<hbm>>
    %dma_start3A_61 = arith.constant 0 : i32
    %dma_start3A_62 = tpu.memref_slice %arg5[%add3A_58, %dma_start3A_61] : memref<2048x512xf32, #tpu.memory_space<hbm>> -> memref<32x512xf32, #tpu.memory_space<hbm>>
    tpu.enqueue_dma source(%arg9 : memref<32x512xf32, #tpu.memory_space<vmem>>) target(%dma_start3A_62 : memref<32x512xf32, #tpu.memory_space<hbm>>) target_semaphore(%arg16 : memref<!tpu.dma_semaphore, #tpu.memory_space<semaphore_mem>>)
    %dma_wait3A_63 = arith.constant 0 : i32
    %dma_wait3A_64 = tpu.memref_slice %arg5[%add3A_33, %dma_wait3A_63] : memref<2048x512xf32, #tpu.memory_space<hbm>> -> memref<32x512xf32, #tpu.memory_space<hbm>>
    %dma_wait3A_65 = arith.constant 0 : i32
    %dma_wait3A_66 = tpu.memref_slice %arg5[%add3A_33, %dma_wait3A_65] : memref<2048x512xf32, #tpu.memory_space<hbm>> -> memref<32x512xf32, #tpu.memory_space<hbm>>
    tpu.wait_dma2 semaphore(%arg15 : memref<!tpu.dma_semaphore, #tpu.memory_space<semaphore_mem>>) src(%arg8 : memref<32x512xf32, #tpu.memory_space<vmem>>) dst(%dma_wait3A_66 : memref<32x512xf32, #tpu.memory_space<hbm>>)
    %dma_start3A_67 = arith.constant 0 : i32
    %dma_start3A_68 = arith.constant 96 : i32
    %dma_start3A_69 = tpu.memref_slice %arg6[%dma_start3A_67, %dma_start3A_68] : memref<1x128xi32, #tpu.memory_space<vmem>> -> memref<1x32xi32, #tpu.memory_space<vmem>>
    %dma_start3A_70 = tpu.memref_squeeze %dma_start3A_69 : memref<1x32xi32, #tpu.memory_space<vmem>> -> memref<32xi32, #tpu.memory_space<vmem>>
    %dma_start3A_71 = arith.constant 0 : i32
    %dma_start3A_72 = arith.constant 0 : i32
    %dma_start3A_73 = tpu.memref_slice %arg3[%dma_start3A_71, %dma_start3A_72] : memref<256x512xf32, #tpu.memory_space<hbm>> -> memref<256x512xf32, #tpu.memory_space<hbm>>
    tpu.enqueue_indirect_dma source(%dma_start3A_73 : memref<256x512xf32, #tpu.memory_space<hbm>>) target(%arg8 : memref<32x512xf32, #tpu.memory_space<vmem>>) offsets(%dma_start3A_70 : memref<32xi32, #tpu.memory_space<vmem>>) semaphore(%arg12 : memref<!tpu.dma_semaphore, #tpu.memory_space<semaphore_mem>>)
    %dma_wait3A_74 = arith.constant 0 : i32
    %dma_wait3A_75 = arith.constant 64 : i32
    %dma_wait3A_76 = tpu.memref_slice %arg6[%dma_wait3A_74, %dma_wait3A_75] : memref<1x128xi32, #tpu.memory_space<vmem>> -> memref<1x32xi32, #tpu.memory_space<vmem>>
    %dma_wait3A_77 = tpu.memref_squeeze %dma_wait3A_76 : memref<1x32xi32, #tpu.memory_space<vmem>> -> memref<32xi32, #tpu.memory_space<vmem>>
    %dma_wait3A_78 = arith.constant 0 : i32
    %dma_wait3A_79 = arith.constant 0 : i32
    %dma_wait3A_80 = tpu.memref_slice %arg3[%dma_wait3A_78, %dma_wait3A_79] : memref<256x512xf32, #tpu.memory_space<hbm>> -> memref<256x512xf32, #tpu.memory_space<hbm>>
    tpu.wait_indirect_dma semaphore(%arg14 : memref<!tpu.dma_semaphore, #tpu.memory_space<semaphore_mem>>) src(%dma_wait3A_80 : memref<256x512xf32, #tpu.memory_space<hbm>>) dst(%arg10 : memref<32x512xf32, #tpu.memory_space<vmem>>)
    %parallel_loop3A_81 = arith.constant 0 : i32
    %parallel_loop3A_82 = arith.constant 32 : i32
    %parallel_loop3A_83 = arith.constant 1 : i32
    scf.for %parallel_loop3A_122 = %parallel_loop3A_81 to %parallel_loop3A_82 step %parallel_loop3A_83  : i32 {
      %parallel_loop3A_123 = arith.constant 64 : i32
      %parallel_loop3A_124 = arith.addi %parallel_loop3A_123, %parallel_loop3A_122 : i32
      %parallel_loop3A_125 = arith.index_cast %parallel_loop3A_124 : i32 to index
      %parallel_loop3A_126 = arith.constant 0 : index
      %parallel_loop3A_127 = tpu.vector_load %arg7[%parallel_loop3A_125, %parallel_loop3A_126] {strides = array<i32>} : memref<128x512xf32, #tpu.memory_space<vmem>>, vector<1x16xf32>,
      %parallel_loop3A_128 = vector.shape_cast %parallel_loop3A_127 : vector<1x16xf32> to vector<16xf32>
      %parallel_loop3A_129 = arith.index_cast %parallel_loop3A_122 : i32 to index
      %parallel_loop3A_130 = arith.constant 0 : index
      %parallel_loop3A_131 = tpu.vector_load %arg10[%parallel_loop3A_129, %parallel_loop3A_130] {strides = array<i32>} : memref<32x512xf32, #tpu.memory_space<vmem>>, vector<1x16xf32>,
      %parallel_loop3A_132 = vector.shape_cast %parallel_loop3A_131 : vector<1x16xf32> to vector<16xf32>
      %parallel_loop3A_133 = vector.shape_cast %parallel_loop3A_128 : vector<16xf32> to vector<1x16xf32>
      tpu.vector_store %arg10[%parallel_loop3A_129, %parallel_loop3A_130], %parallel_loop3A_133 {add = true, strides = array<i32>} : memref<32x512xf32, #tpu.memory_space<vmem>>, vector<1x16xf32>,
      %parallel_loop3A_134 = arith.constant 64 : i32
      %parallel_loop3A_135 = arith.addi %parallel_loop3A_134, %parallel_loop3A_122 : i32
      %parallel_loop3A_136 = arith.index_cast %parallel_loop3A_135 : i32 to index
      %parallel_loop3A_137 = arith.constant 16 : index
      %parallel_loop3A_138 = tpu.vector_load %arg7[%parallel_loop3A_136, %parallel_loop3A_137] {strides = array<i32>} : memref<128x512xf32, #tpu.memory_space<vmem>>, vector<1x16xf32>,
      %parallel_loop3A_139 = vector.shape_cast %parallel_loop3A_138 : vector<1x16xf32> to vector<16xf32>
      %parallel_loop3A_140 = arith.index_cast %parallel_loop3A_122 : i32 to index
      %parallel_loop3A_141 = arith.constant 16 : index
      %parallel_loop3A_142 = tpu.vector_load %arg10[%parallel_loop3A_140, %parallel_loop3A_141] {strides = array<i32>} : memref<32x512xf32, #tpu.memory_space<vmem>>, vector<1x16xf32>,
      %parallel_loop3A_143 = vector.shape_cast %parallel_loop3A_142 : vector<1x16xf32> to vector<16xf32>
      %parallel_loop3A_144 = vector.shape_cast %parallel_loop3A_139 : vector<16xf32> to vector<1x16xf32>
      tpu.vector_store %arg10[%parallel_loop3A_140, %parallel_loop3A_141], %parallel_loop3A_144 {add = true, strides = array<i32>} : memref<32x512xf32, #tpu.memory_space<vmem>>, vector<1x16xf32>,
      %parallel_loop3A_145 = arith.constant 64 : i32
      %parallel_loop3A_146 = arith.addi %parallel_loop3A_145, %parallel_loop3A_122 : i32
      %parallel_loop3A_147 = arith.index_cast %parallel_loop3A_146 : i32 to index
      %parallel_loop3A_148 = arith.constant 32 : index
      %parallel_loop3A_149 = tpu.vector_load %arg7[%parallel_loop3A_147, %parallel_loop3A_148] {strides = array<i32>} : memref<128x512xf32, #tpu.memory_space<vmem>>, vector<1x16xf32>,
      %parallel_loop3A_150 = vector.shape_cast %parallel_loop3A_149 : vector<1x16xf32> to vector<16xf32>
      %parallel_loop3A_151 = arith.index_cast %parallel_loop3A_122 : i32 to index
      %parallel_loop3A_152 = arith.constant 32 : index
      %parallel_loop3A_153 = tpu.vector_load %arg10[%parallel_loop3A_151, %parallel_loop3A_152] {strides = array<i32>} : memref<32x512xf32, #tpu.memory_space<vmem>>, vector<1x16xf32>,
      %parallel_loop3A_154 = vector.shape_cast %parallel_loop3A_153 : vector<1x16xf32> to vector<16xf32>
      %parallel_loop3A_155 = vector.shape_cast %parallel_loop3A_150 : vector<16xf32> to vector<1x16xf32>
      tpu.vector_store %arg10[%parallel_loop3A_151, %parallel_loop3A_152], %parallel_loop3A_155 {add = true, strides = array<i32>} : memref<32x512xf32, #tpu.memory_space<vmem>>, vector<1x16xf32>,
      %parallel_loop3A_156 = arith.constant 64 : i32
      %parallel_loop3A_157 = arith.addi %parallel_loop3A_156, %parallel_loop3A_122 : i32
      %parallel_loop3A_158 = arith.index_cast %parallel_loop3A_157 : i32 to index
      %parallel_loop3A_159 = arith.constant 48 : index
      %parallel_loop3A_160 = tpu.vector_load %arg7[%parallel_loop3A_158, %parallel_loop3A_159] {strides = array<i32>} : memref<128x512xf32, #tpu.memory_space<vmem>>, vector<1x16xf32>,
      %parallel_loop3A_161 = vector.shape_cast %parallel_loop3A_160 : vector<1x16xf32> to vector<16xf32>
      %parallel_loop3A_162 = arith.index_cast %parallel_loop3A_122 : i32 to index
      %parallel_loop3A_163 = arith.constant 48 : index
      %parallel_loop3A_164 = tpu.vector_load %arg10[%parallel_loop3A_162, %parallel_loop3A_163] {strides = array<i32>} : memref<32x512xf32, #tpu.memory_space<vmem>>, vector<1x16xf32>,
      %parallel_loop3A_165 = vector.shape_cast %parallel_loop3A_164 : vector<1x16xf32> to vector<16xf32>
      %parallel_loop3A_166 = vector.shape_cast %parallel_loop3A_161 : vector<16xf32> to vector<1x16xf32>
      tpu.vector_store %arg10[%parallel_loop3A_162, %parallel_loop3A_163], %parallel_loop3A_166 {add = true, strides = array<i32>} : memref<32x512xf32, #tpu.memory_space<vmem>>, vector<1x16xf32>,
      %parallel_loop3A_167 = arith.constant 64 : i32
      %parallel_loop3A_168 = arith.addi %parallel_loop3A_167, %parallel_loop3A_122 : i32
      %parallel_loop3A_169 = arith.index_cast %parallel_loop3A_168 : i32 to index
      %parallel_loop3A_170 = arith.constant 64 : index
      %parallel_loop3A_171 = tpu.vector_load %arg7[%parallel_loop3A_169, %parallel_loop3A_170] {strides = array<i32>} : memref<128x512xf32, #tpu.memory_space<vmem>>, vector<1x16xf32>,
      %parallel_loop3A_172 = vector.shape_cast %parallel_loop3A_171 : vector<1x16xf32> to vector<16xf32>
      %parallel_loop3A_173 = arith.index_cast %parallel_loop3A_122 : i32 to index
      %parallel_loop3A_174 = arith.constant 64 : index
      %parallel_loop3A_175 = tpu.vector_load %arg10[%parallel_loop3A_173, %parallel_loop3A_174] {strides = array<i32>} : memref<32x512xf32, #tpu.memory_space<vmem>>, vector<1x16xf32>,
      %parallel_loop3A_176 = vector.shape_cast %parallel_loop3A_175 : vector<1x16xf32> to vector<16xf32>
      %parallel_loop3A_177 = vector.shape_cast %parallel_loop3A_172 : vector<16xf32> to vector<1x16xf32>
      tpu.vector_store %arg10[%parallel_loop3A_173, %parallel_loop3A_174], %parallel_loop3A_177 {add = true, strides = array<i32>} : memref<32x512xf32, #tpu.memory_space<vmem>>, vector<1x16xf32>,
      %parallel_loop3A_178 = arith.constant 64 : i32
      %parallel_loop3A_179 = arith.addi %parallel_loop3A_178, %parallel_loop3A_122 : i32
      %parallel_loop3A_180 = arith.index_cast %parallel_loop3A_179 : i32 to index
      %parallel_loop3A_181 = arith.constant 80 : index
      %parallel_loop3A_182 = tpu.vector_load %arg7[%parallel_loop3A_180, %parallel_loop3A_181] {strides = array<i32>} : memref<128x512xf32, #tpu.memory_space<vmem>>, vector<1x16xf32>,
      %parallel_loop3A_183 = vector.shape_cast %parallel_loop3A_182 : vector<1x16xf32> to vector<16xf32>
      %parallel_loop3A_184 = arith.index_cast %parallel_loop3A_122 : i32 to index
      %parallel_loop3A_185 = arith.constant 80 : index
      %parallel_loop3A_186 = tpu.vector_load %arg10[%parallel_loop3A_184, %parallel_loop3A_185] {strides = array<i32>} : memref<32x512xf32, #tpu.memory_space<vmem>>, vector<1x16xf32>,
      %parallel_loop3A_187 = vector.shape_cast %parallel_loop3A_186 : vector<1x16xf32> to vector<16xf32>
      %parallel_loop3A_188 = vector.shape_cast %parallel_loop3A_183 : vector<16xf32> to vector<1x16xf32>
      tpu.vector_store %arg10[%parallel_loop3A_184, %parallel_loop3A_185], %parallel_loop3A_188 {add = true, strides = array<i32>} : memref<32x512xf32, #tpu.memory_space<vmem>>, vector<1x16xf32>,
      %parallel_loop3A_189 = arith.constant 64 : i32
      %parallel_loop3A_190 = arith.addi %parallel_loop3A_189, %parallel_loop3A_122 : i32
      %parallel_loop3A_191 = arith.index_cast %parallel_loop3A_190 : i32 to index
      %parallel_loop3A_192 = arith.constant 96 : index
      %parallel_loop3A_193 = tpu.vector_load %arg7[%parallel_loop3A_191, %parallel_loop3A_192] {strides = array<i32>} : memref<128x512xf32, #tpu.memory_space<vmem>>, vector<1x16xf32>,
      %parallel_loop3A_194 = vector.shape_cast %parallel_loop3A_193 : vector<1x16xf32> to vector<16xf32>
      %parallel_loop3A_195 = arith.index_cast %parallel_loop3A_122 : i32 to index
      %parallel_loop3A_196 = arith.constant 96 : index
      %parallel_loop3A_197 = tpu.vector_load %arg10[%parallel_loop3A_195, %parallel_loop3A_196] {strides = array<i32>} : memref<32x512xf32, #tpu.memory_space<vmem>>, vector<1x16xf32>,
      %parallel_loop3A_198 = vector.shape_cast %parallel_loop3A_197 : vector<1x16xf32> to vector<16xf32>
      %parallel_loop3A_199 = vector.shape_cast %parallel_loop3A_194 : vector<16xf32> to vector<1x16xf32>
      tpu.vector_store %arg10[%parallel_loop3A_195, %parallel_loop3A_196], %parallel_loop3A_199 {add = true, strides = array<i32>} : memref<32x512xf32, #tpu.memory_space<vmem>>, vector<1x16xf32>,
      %parallel_loop3A_200 = arith.constant 64 : i32
      %parallel_loop3A_201 = arith.addi %parallel_loop3A_200, %parallel_loop3A_122 : i32
      %parallel_loop3A_202 = arith.index_cast %parallel_loop3A_201 : i32 to index
      %parallel_loop3A_203 = arith.constant 112 : index
      %parallel_loop3A_204 = tpu.vector_load %arg7[%parallel_loop3A_202, %parallel_loop3A_203] {strides = array<i32>} : memref<128x512xf32, #tpu.memory_space<vmem>>, vector<1x16xf32>,
      %parallel_loop3A_205 = vector.shape_cast %parallel_loop3A_204 : vector<1x16xf32> to vector<16xf32>
      %parallel_loop3A_206 = arith.index_cast %parallel_loop3A_122 : i32 to index
      %parallel_loop3A_207 = arith.constant 112 : index
      %parallel_loop3A_208 = tpu.vector_load %arg10[%parallel_loop3A_206, %parallel_loop3A_207] {strides = array<i32>} : memref<32x512xf32, #tpu.memory_space<vmem>>, vector<1x16xf32>,
      %parallel_loop3A_209 = vector.shape_cast %parallel_loop3A_208 : vector<1x16xf32> to vector<16xf32>
      %parallel_loop3A_210 = vector.shape_cast %parallel_loop3A_205 : vector<16xf32> to vector<1x16xf32>
      tpu.vector_store %arg10[%parallel_loop3A_206, %parallel_loop3A_207], %parallel_loop3A_210 {add = true, strides = array<i32>} : memref<32x512xf32, #tpu.memory_space<vmem>>, vector<1x16xf32>,
      %parallel_loop3A_211 = arith.constant 64 : i32
      %parallel_loop3A_212 = arith.addi %parallel_loop3A_211, %parallel_loop3A_122 : i32
      %parallel_loop3A_213 = arith.index_cast %parallel_loop3A_212 : i32 to index
      %parallel_loop3A_214 = arith.constant 128 : index
      %parallel_loop3A_215 = tpu.vector_load %arg7[%parallel_loop3A_213, %parallel_loop3A_214] {strides = array<i32>} : memref<128x512xf32, #tpu.memory_space<vmem>>, vector<1x16xf32>,
      %parallel_loop3A_216 = vector.shape_cast %parallel_loop3A_215 : vector<1x16xf32> to vector<16xf32>
      %parallel_loop3A_217 = arith.index_cast %parallel_loop3A_122 : i32 to index
      %parallel_loop3A_218 = arith.constant 128 : index
      %parallel_loop3A_219 = tpu.vector_load %arg10[%parallel_loop3A_217, %parallel_loop3A_218] {strides = array<i32>} : memref<32x512xf32, #tpu.memory_space<vmem>>, vector<1x16xf32>,
      %parallel_loop3A_220 = vector.shape_cast %parallel_loop3A_219 : vector<1x16xf32> to vector<16xf32>
      %parallel_loop3A_221 = vector.shape_cast %parallel_loop3A_216 : vector<16xf32> to vector<1x16xf32>
      tpu.vector_store %arg10[%parallel_loop3A_217, %parallel_loop3A_218], %parallel_loop3A_221 {add = true, strides = array<i32>} : memref<32x512xf32, #tpu.memory_space<vmem>>, vector<1x16xf32>,
      %parallel_loop3A_222 = arith.constant 64 : i32
      %parallel_loop3A_223 = arith.addi %parallel_loop3A_222, %parallel_loop3A_122 : i32
      %parallel_loop3A_224 = arith.index_cast %parallel_loop3A_223 : i32 to index
      %parallel_loop3A_225 = arith.constant 144 : index
      %parallel_loop3A_226 = tpu.vector_load %arg7[%parallel_loop3A_224, %parallel_loop3A_225] {strides = array<i32>} : memref<128x512xf32, #tpu.memory_space<vmem>>, vector<1x16xf32>,
      %parallel_loop3A_227 = vector.shape_cast %parallel_loop3A_226 : vector<1x16xf32> to vector<16xf32>
      %parallel_loop3A_228 = arith.index_cast %parallel_loop3A_122 : i32 to index
      %parallel_loop3A_229 = arith.constant 144 : index
      %parallel_loop3A_230 = tpu.vector_load %arg10[%parallel_loop3A_228, %parallel_loop3A_229] {strides = array<i32>} : memref<32x512xf32, #tpu.memory_space<vmem>>, vector<1x16xf32>,
      %parallel_loop3A_231 = vector.shape_cast %parallel_loop3A_230 : vector<1x16xf32> to vector<16xf32>
      %parallel_loop3A_232 = vector.shape_cast %parallel_loop3A_227 : vector<16xf32> to vector<1x16xf32>
      tpu.vector_store %arg10[%parallel_loop3A_228, %parallel_loop3A_229], %parallel_loop3A_232 {add = true, strides = array<i32>} : memref<32x512xf32, #tpu.memory_space<vmem>>, vector<1x16xf32>,
      %parallel_loop3A_233 = arith.constant 64 : i32
      %parallel_loop3A_234 = arith.addi %parallel_loop3A_233, %parallel_loop3A_122 : i32
      %parallel_loop3A_235 = arith.index_cast %parallel_loop3A_234 : i32 to index
      %parallel_loop3A_236 = arith.constant 160 : index
      %parallel_loop3A_237 = tpu.vector_load %arg7[%parallel_loop3A_235, %parallel_loop3A_236] {strides = array<i32>} : memref<128x512xf32, #tpu.memory_space<vmem>>, vector<1x16xf32>,
      %parallel_loop3A_238 = vector.shape_cast %parallel_loop3A_237 : vector<1x16xf32> to vector<16xf32>
      %parallel_loop3A_239 = arith.index_cast %parallel_loop3A_122 : i32 to index
      %parallel_loop3A_240 = arith.constant 160 : index
      %parallel_loop3A_241 = tpu.vector_load %arg10[%parallel_loop3A_239, %parallel_loop3A_240] {strides = array<i32>} : memref<32x512xf32, #tpu.memory_space<vmem>>, vector<1x16xf32>,
      %parallel_loop3A_242 = vector.shape_cast %parallel_loop3A_241 : vector<1x16xf32> to vector<16xf32>
      %parallel_loop3A_243 = vector.shape_cast %parallel_loop3A_238 : vector<16xf32> to vector<1x16xf32>
      tpu.vector_store %arg10[%parallel_loop3A_239, %parallel_loop3A_240], %parallel_loop3A_243 {add = true, strides = array<i32>} : memref<32x512xf32, #tpu.memory_space<vmem>>, vector<1x16xf32>,
      %parallel_loop3A_244 = arith.constant 64 : i32
      %parallel_loop3A_245 = arith.addi %parallel_loop3A_244, %parallel_loop3A_122 : i32
      %parallel_loop3A_246 = arith.index_cast %parallel_loop3A_245 : i32 to index
      %parallel_loop3A_247 = arith.constant 176 : index
      %parallel_loop3A_248 = tpu.vector_load %arg7[%parallel_loop3A_246, %parallel_loop3A_247] {strides = array<i32>} : memref<128x512xf32, #tpu.memory_space<vmem>>, vector<1x16xf32>,
      %parallel_loop3A_249 = vector.shape_cast %parallel_loop3A_248 : vector<1x16xf32> to vector<16xf32>
      %parallel_loop3A_250 = arith.index_cast %parallel_loop3A_122 : i32 to index
      %parallel_loop3A_251 = arith.constant 176 : index
      %parallel_loop3A_252 = tpu.vector_load %arg10[%parallel_loop3A_250, %parallel_loop3A_251] {strides = array<i32>} : memref<32x512xf32, #tpu.memory_space<vmem>>, vector<1x16xf32>,
      %parallel_loop3A_253 = vector.shape_cast %parallel_loop3A_252 : vector<1x16xf32> to vector<16xf32>
      %parallel_loop3A_254 = vector.shape_cast %parallel_loop3A_249 : vector<16xf32> to vector<1x16xf32>
      tpu.vector_store %arg10[%parallel_loop3A_250, %parallel_loop3A_251], %parallel_loop3A_254 {add = true, strides = array<i32>} : memref<32x512xf32, #tpu.memory_space<vmem>>, vector<1x16xf32>,
      %parallel_loop3A_255 = arith.constant 64 : i32
      %parallel_loop3A_256 = arith.addi %parallel_loop3A_255, %parallel_loop3A_122 : i32
      %parallel_loop3A_257 = arith.index_cast %parallel_loop3A_256 : i32 to index
      %parallel_loop3A_258 = arith.constant 192 : index
      %parallel_loop3A_259 = tpu.vector_load %arg7[%parallel_loop3A_257, %parallel_loop3A_258] {strides = array<i32>} : memref<128x512xf32, #tpu.memory_space<vmem>>, vector<1x16xf32>,
      %parallel_loop3A_260 = vector.shape_cast %parallel_loop3A_259 : vector<1x16xf32> to vector<16xf32>
      %parallel_loop3A_261 = arith.index_cast %parallel_loop3A_122 : i32 to index
      %parallel_loop3A_262 = arith.constant 192 : index
      %parallel_loop3A_263 = tpu.vector_load %arg10[%parallel_loop3A_261, %parallel_loop3A_262] {strides = array<i32>} : memref<32x512xf32, #tpu.memory_space<vmem>>, vector<1x16xf32>,
      %parallel_loop3A_264 = vector.shape_cast %parallel_loop3A_263 : vector<1x16xf32> to vector<16xf32>
      %parallel_loop3A_265 = vector.shape_cast %parallel_loop3A_260 : vector<16xf32> to vector<1x16xf32>
      tpu.vector_store %arg10[%parallel_loop3A_261, %parallel_loop3A_262], %parallel_loop3A_265 {add = true, strides = array<i32>} : memref<32x512xf32, #tpu.memory_space<vmem>>, vector<1x16xf32>,
      %parallel_loop3A_266 = arith.constant 64 : i32
      %parallel_loop3A_267 = arith.addi %parallel_loop3A_266, %parallel_loop3A_122 : i32
      %parallel_loop3A_268 = arith.index_cast %parallel_loop3A_267 : i32 to index
      %parallel_loop3A_269 = arith.constant 208 : index
      %parallel_loop3A_270 = tpu.vector_load %arg7[%parallel_loop3A_268, %parallel_loop3A_269] {strides = array<i32>} : memref<128x512xf32, #tpu.memory_space<vmem>>, vector<1x16xf32>,
      %parallel_loop3A_271 = vector.shape_cast %parallel_loop3A_270 : vector<1x16xf32> to vector<16xf32>
      %parallel_loop3A_272 = arith.index_cast %parallel_loop3A_122 : i32 to index
      %parallel_loop3A_273 = arith.constant 208 : index
      %parallel_loop3A_274 = tpu.vector_load %arg10[%parallel_loop3A_272, %parallel_loop3A_273] {strides = array<i32>} : memref<32x512xf32, #tpu.memory_space<vmem>>, vector<1x16xf32>,
      %parallel_loop3A_275 = vector.shape_cast %parallel_loop3A_274 : vector<1x16xf32> to vector<16xf32>
      %parallel_loop3A_276 = vector.shape_cast %parallel_loop3A_271 : vector<16xf32> to vector<1x16xf32>
      tpu.vector_store %arg10[%parallel_loop3A_272, %parallel_loop3A_273], %parallel_loop3A_276 {add = true, strides = array<i32>} : memref<32x512xf32, #tpu.memory_space<vmem>>, vector<1x16xf32>,
      %parallel_loop3A_277 = arith.constant 64 : i32
      %parallel_loop3A_278 = arith.addi %parallel_loop3A_277, %parallel_loop3A_122 : i32
      %parallel_loop3A_279 = arith.index_cast %parallel_loop3A_278 : i32 to index
      %parallel_loop3A_280 = arith.constant 224 : index
      %parallel_loop3A_281 = tpu.vector_load %arg7[%parallel_loop3A_279, %parallel_loop3A_280] {strides = array<i32>} : memref<128x512xf32, #tpu.memory_space<vmem>>, vector<1x16xf32>,
      %parallel_loop3A_282 = vector.shape_cast %parallel_loop3A_281 : vector<1x16xf32> to vector<16xf32>
      %parallel_loop3A_283 = arith.index_cast %parallel_loop3A_122 : i32 to index
      %parallel_loop3A_284 = arith.constant 224 : index
      %parallel_loop3A_285 = tpu.vector_load %arg10[%parallel_loop3A_283, %parallel_loop3A_284] {strides = array<i32>} : memref<32x512xf32, #tpu.memory_space<vmem>>, vector<1x16xf32>,
      %parallel_loop3A_286 = vector.shape_cast %parallel_loop3A_285 : vector<1x16xf32> to vector<16xf32>
      %parallel_loop3A_287 = vector.shape_cast %parallel_loop3A_282 : vector<16xf32> to vector<1x16xf32>
      tpu.vector_store %arg10[%parallel_loop3A_283, %parallel_loop3A_284], %parallel_loop3A_287 {add = true, strides = array<i32>} : memref<32x512xf32, #tpu.memory_space<vmem>>, vector<1x16xf32>,
      %parallel_loop3A_288 = arith.constant 64 : i32
      %parallel_loop3A_289 = arith.addi %parallel_loop3A_288, %parallel_loop3A_122 : i32
      %parallel_loop3A_290 = arith.index_cast %parallel_loop3A_289 : i32 to index
      %parallel_loop3A_291 = arith.constant 240 : index
      %parallel_loop3A_292 = tpu.vector_load %arg7[%parallel_loop3A_290, %parallel_loop3A_291] {strides = array<i32>} : memref<128x512xf32, #tpu.memory_space<vmem>>, vector<1x16xf32>,
      %parallel_loop3A_293 = vector.shape_cast %parallel_loop3A_292 : vector<1x16xf32> to vector<16xf32>
      %parallel_loop3A_294 = arith.index_cast %parallel_loop3A_122 : i32 to index
      %parallel_loop3A_295 = arith.constant 240 : index
      %parallel_loop3A_296 = tpu.vector_load %arg10[%parallel_loop3A_294, %parallel_loop3A_295] {strides = array<i32>} : memref<32x512xf32, #tpu.memory_space<vmem>>, vector<1x16xf32>,
      %parallel_loop3A_297 = vector.shape_cast %parallel_loop3A_296 : vector<1x16xf32> to vector<16xf32>
      %parallel_loop3A_298 = vector.shape_cast %parallel_loop3A_293 : vector<16xf32> to vector<1x16xf32>
      tpu.vector_store %arg10[%parallel_loop3A_294, %parallel_loop3A_295], %parallel_loop3A_298 {add = true, strides = array<i32>} : memref<32x512xf32, #tpu.memory_space<vmem>>, vector<1x16xf32>,
      %parallel_loop3A_299 = arith.constant 64 : i32
      %parallel_loop3A_300 = arith.addi %parallel_loop3A_299, %parallel_loop3A_122 : i32
      %parallel_loop3A_301 = arith.index_cast %parallel_loop3A_300 : i32 to index
      %parallel_loop3A_302 = arith.constant 256 : index
      %parallel_loop3A_303 = tpu.vector_load %arg7[%parallel_loop3A_301, %parallel_loop3A_302] {strides = array<i32>} : memref<128x512xf32, #tpu.memory_space<vmem>>, vector<1x16xf32>,
      %parallel_loop3A_304 = vector.shape_cast %parallel_loop3A_303 : vector<1x16xf32> to vector<16xf32>
      %parallel_loop3A_305 = arith.index_cast %parallel_loop3A_122 : i32 to index
      %parallel_loop3A_306 = arith.constant 256 : index
      %parallel_loop3A_307 = tpu.vector_load %arg10[%parallel_loop3A_305, %parallel_loop3A_306] {strides = array<i32>} : memref<32x512xf32, #tpu.memory_space<vmem>>, vector<1x16xf32>,
      %parallel_loop3A_308 = vector.shape_cast %parallel_loop3A_307 : vector<1x16xf32> to vector<16xf32>
      %parallel_loop3A_309 = vector.shape_cast %parallel_loop3A_304 : vector<16xf32> to vector<1x16xf32>
      tpu.vector_store %arg10[%parallel_loop3A_305, %parallel_loop3A_306], %parallel_loop3A_309 {add = true, strides = array<i32>} : memref<32x512xf32, #tpu.memory_space<vmem>>, vector<1x16xf32>,
      %parallel_loop3A_310 = arith.constant 64 : i32
      %parallel_loop3A_311 = arith.addi %parallel_loop3A_310, %parallel_loop3A_122 : i32
      %parallel_loop3A_312 = arith.index_cast %parallel_loop3A_311 : i32 to index
      %parallel_loop3A_313 = arith.constant 272 : index
      %parallel_loop3A_314 = tpu.vector_load %arg7[%parallel_loop3A_312, %parallel_loop3A_313] {strides = array<i32>} : memref<128x512xf32, #tpu.memory_space<vmem>>, vector<1x16xf32>,
      %parallel_loop3A_315 = vector.shape_cast %parallel_loop3A_314 : vector<1x16xf32> to vector<16xf32>
      %parallel_loop3A_316 = arith.index_cast %parallel_loop3A_122 : i32 to index
      %parallel_loop3A_317 = arith.constant 272 : index
      %parallel_loop3A_318 = tpu.vector_load %arg10[%parallel_loop3A_316, %parallel_loop3A_317] {strides = array<i32>} : memref<32x512xf32, #tpu.memory_space<vmem>>, vector<1x16xf32>,
      %parallel_loop3A_319 = vector.shape_cast %parallel_loop3A_318 : vector<1x16xf32> to vector<16xf32>
      %parallel_loop3A_320 = vector.shape_cast %parallel_loop3A_315 : vector<16xf32> to vector<1x16xf32>
      tpu.vector_store %arg10[%parallel_loop3A_316, %parallel_loop3A_317], %parallel_loop3A_320 {add = true, strides = array<i32>} : memref<32x512xf32, #tpu.memory_space<vmem>>, vector<1x16xf32>,
      %parallel_loop3A_321 = arith.constant 64 : i32
      %parallel_loop3A_322 = arith.addi %parallel_loop3A_321, %parallel_loop3A_122 : i32
      %parallel_loop3A_323 = arith.index_cast %parallel_loop3A_322 : i32 to index
      %parallel_loop3A_324 = arith.constant 288 : index
      %parallel_loop3A_325 = tpu.vector_load %arg7[%parallel_loop3A_323, %parallel_loop3A_324] {strides = array<i32>} : memref<128x512xf32, #tpu.memory_space<vmem>>, vector<1x16xf32>,
      %parallel_loop3A_326 = vector.shape_cast %parallel_loop3A_325 : vector<1x16xf32> to vector<16xf32>
      %parallel_loop3A_327 = arith.index_cast %parallel_loop3A_122 : i32 to index
      %parallel_loop3A_328 = arith.constant 288 : index
      %parallel_loop3A_329 = tpu.vector_load %arg10[%parallel_loop3A_327, %parallel_loop3A_328] {strides = array<i32>} : memref<32x512xf32, #tpu.memory_space<vmem>>, vector<1x16xf32>,
      %parallel_loop3A_330 = vector.shape_cast %parallel_loop3A_329 : vector<1x16xf32> to vector<16xf32>
      %parallel_loop3A_331 = vector.shape_cast %parallel_loop3A_326 : vector<16xf32> to vector<1x16xf32>
      tpu.vector_store %arg10[%parallel_loop3A_327, %parallel_loop3A_328], %parallel_loop3A_331 {add = true, strides = array<i32>} : memref<32x512xf32, #tpu.memory_space<vmem>>, vector<1x16xf32>,
      %parallel_loop3A_332 = arith.constant 64 : i32
      %parallel_loop3A_333 = arith.addi %parallel_loop3A_332, %parallel_loop3A_122 : i32
      %parallel_loop3A_334 = arith.index_cast %parallel_loop3A_333 : i32 to index
      %parallel_loop3A_335 = arith.constant 304 : index
      %parallel_loop3A_336 = tpu.vector_load %arg7[%parallel_loop3A_334, %parallel_loop3A_335] {strides = array<i32>} : memref<128x512xf32, #tpu.memory_space<vmem>>, vector<1x16xf32>,
      %parallel_loop3A_337 = vector.shape_cast %parallel_loop3A_336 : vector<1x16xf32> to vector<16xf32>
      %parallel_loop3A_338 = arith.index_cast %parallel_loop3A_122 : i32 to index
      %parallel_loop3A_339 = arith.constant 304 : index
      %parallel_loop3A_340 = tpu.vector_load %arg10[%parallel_loop3A_338, %parallel_loop3A_339] {strides = array<i32>} : memref<32x512xf32, #tpu.memory_space<vmem>>, vector<1x16xf32>,
      %parallel_loop3A_341 = vector.shape_cast %parallel_loop3A_340 : vector<1x16xf32> to vector<16xf32>
      %parallel_loop3A_342 = vector.shape_cast %parallel_loop3A_337 : vector<16xf32> to vector<1x16xf32>
      tpu.vector_store %arg10[%parallel_loop3A_338, %parallel_loop3A_339], %parallel_loop3A_342 {add = true, strides = array<i32>} : memref<32x512xf32, #tpu.memory_space<vmem>>, vector<1x16xf32>,
      %parallel_loop3A_343 = arith.constant 64 : i32
      %parallel_loop3A_344 = arith.addi %parallel_loop3A_343, %parallel_loop3A_122 : i32
      %parallel_loop3A_345 = arith.index_cast %parallel_loop3A_344 : i32 to index
      %parallel_loop3A_346 = arith.constant 320 : index
      %parallel_loop3A_347 = tpu.vector_load %arg7[%parallel_loop3A_345, %parallel_loop3A_346] {strides = array<i32>} : memref<128x512xf32, #tpu.memory_space<vmem>>, vector<1x16xf32>,
      %parallel_loop3A_348 = vector.shape_cast %parallel_loop3A_347 : vector<1x16xf32> to vector<16xf32>
      %parallel_loop3A_349 = arith.index_cast %parallel_loop3A_122 : i32 to index
      %parallel_loop3A_350 = arith.constant 320 : index
      %parallel_loop3A_351 = tpu.vector_load %arg10[%parallel_loop3A_349, %parallel_loop3A_350] {strides = array<i32>} : memref<32x512xf32, #tpu.memory_space<vmem>>, vector<1x16xf32>,
      %parallel_loop3A_352 = vector.shape_cast %parallel_loop3A_351 : vector<1x16xf32> to vector<16xf32>
      %parallel_loop3A_353 = vector.shape_cast %parallel_loop3A_348 : vector<16xf32> to vector<1x16xf32>
      tpu.vector_store %arg10[%parallel_loop3A_349, %parallel_loop3A_350], %parallel_loop3A_353 {add = true, strides = array<i32>} : memref<32x512xf32, #tpu.memory_space<vmem>>, vector<1x16xf32>,
      %parallel_loop3A_354 = arith.constant 64 : i32
      %parallel_loop3A_355 = arith.addi %parallel_loop3A_354, %parallel_loop3A_122 : i32
      %parallel_loop3A_356 = arith.index_cast %parallel_loop3A_355 : i32 to index
      %parallel_loop3A_357 = arith.constant 336 : index
      %parallel_loop3A_358 = tpu.vector_load %arg7[%parallel_loop3A_356, %parallel_loop3A_357] {strides = array<i32>} : memref<128x512xf32, #tpu.memory_space<vmem>>, vector<1x16xf32>,
      %parallel_loop3A_359 = vector.shape_cast %parallel_loop3A_358 : vector<1x16xf32> to vector<16xf32>
      %parallel_loop3A_360 = arith.index_cast %parallel_loop3A_122 : i32 to index
      %parallel_loop3A_361 = arith.constant 336 : index
      %parallel_loop3A_362 = tpu.vector_load %arg10[%parallel_loop3A_360, %parallel_loop3A_361] {strides = array<i32>} : memref<32x512xf32, #tpu.memory_space<vmem>>, vector<1x16xf32>,
      %parallel_loop3A_363 = vector.shape_cast %parallel_loop3A_362 : vector<1x16xf32> to vector<16xf32>
      %parallel_loop3A_364 = vector.shape_cast %parallel_loop3A_359 : vector<16xf32> to vector<1x16xf32>
      tpu.vector_store %arg10[%parallel_loop3A_360, %parallel_loop3A_361], %parallel_loop3A_364 {add = true, strides = array<i32>} : memref<32x512xf32, #tpu.memory_space<vmem>>, vector<1x16xf32>,
      %parallel_loop3A_365 = arith.constant 64 : i32
      %parallel_loop3A_366 = arith.addi %parallel_loop3A_365, %parallel_loop3A_122 : i32
      %parallel_loop3A_367 = arith.index_cast %parallel_loop3A_366 : i32 to index
      %parallel_loop3A_368 = arith.constant 352 : index
      %parallel_loop3A_369 = tpu.vector_load %arg7[%parallel_loop3A_367, %parallel_loop3A_368] {strides = array<i32>} : memref<128x512xf32, #tpu.memory_space<vmem>>, vector<1x16xf32>,
      %parallel_loop3A_370 = vector.shape_cast %parallel_loop3A_369 : vector<1x16xf32> to vector<16xf32>
      %parallel_loop3A_371 = arith.index_cast %parallel_loop3A_122 : i32 to index
      %parallel_loop3A_372 = arith.constant 352 : index
      %parallel_loop3A_373 = tpu.vector_load %arg10[%parallel_loop3A_371, %parallel_loop3A_372] {strides = array<i32>} : memref<32x512xf32, #tpu.memory_space<vmem>>, vector<1x16xf32>,
      %parallel_loop3A_374 = vector.shape_cast %parallel_loop3A_373 : vector<1x16xf32> to vector<16xf32>
      %parallel_loop3A_375 = vector.shape_cast %parallel_loop3A_370 : vector<16xf32> to vector<1x16xf32>
      tpu.vector_store %arg10[%parallel_loop3A_371, %parallel_loop3A_372], %parallel_loop3A_375 {add = true, strides = array<i32>} : memref<32x512xf32, #tpu.memory_space<vmem>>, vector<1x16xf32>,
      %parallel_loop3A_376 = arith.constant 64 : i32
      %parallel_loop3A_377 = arith.addi %parallel_loop3A_376, %parallel_loop3A_122 : i32
      %parallel_loop3A_378 = arith.index_cast %parallel_loop3A_377 : i32 to index
      %parallel_loop3A_379 = arith.constant 368 : index
      %parallel_loop3A_380 = tpu.vector_load %arg7[%parallel_loop3A_378, %parallel_loop3A_379] {strides = array<i32>} : memref<128x512xf32, #tpu.memory_space<vmem>>, vector<1x16xf32>,
      %parallel_loop3A_381 = vector.shape_cast %parallel_loop3A_380 : vector<1x16xf32> to vector<16xf32>
      %parallel_loop3A_382 = arith.index_cast %parallel_loop3A_122 : i32 to index
      %parallel_loop3A_383 = arith.constant 368 : index
      %parallel_loop3A_384 = tpu.vector_load %arg10[%parallel_loop3A_382, %parallel_loop3A_383] {strides = array<i32>} : memref<32x512xf32, #tpu.memory_space<vmem>>, vector<1x16xf32>,
      %parallel_loop3A_385 = vector.shape_cast %parallel_loop3A_384 : vector<1x16xf32> to vector<16xf32>
      %parallel_loop3A_386 = vector.shape_cast %parallel_loop3A_381 : vector<16xf32> to vector<1x16xf32>
      tpu.vector_store %arg10[%parallel_loop3A_382, %parallel_loop3A_383], %parallel_loop3A_386 {add = true, strides = array<i32>} : memref<32x512xf32, #tpu.memory_space<vmem>>, vector<1x16xf32>,
      %parallel_loop3A_387 = arith.constant 64 : i32
      %parallel_loop3A_388 = arith.addi %parallel_loop3A_387, %parallel_loop3A_122 : i32
      %parallel_loop3A_389 = arith.index_cast %parallel_loop3A_388 : i32 to index
      %parallel_loop3A_390 = arith.constant 384 : index
      %parallel_loop3A_391 = tpu.vector_load %arg7[%parallel_loop3A_389, %parallel_loop3A_390] {strides = array<i32>} : memref<128x512xf32, #tpu.memory_space<vmem>>, vector<1x16xf32>,
      %parallel_loop3A_392 = vector.shape_cast %parallel_loop3A_391 : vector<1x16xf32> to vector<16xf32>
      %parallel_loop3A_393 = arith.index_cast %parallel_loop3A_122 : i32 to index
      %parallel_loop3A_394 = arith.constant 384 : index
      %parallel_loop3A_395 = tpu.vector_load %arg10[%parallel_loop3A_393, %parallel_loop3A_394] {strides = array<i32>} : memref<32x512xf32, #tpu.memory_space<vmem>>, vector<1x16xf32>,
      %parallel_loop3A_396 = vector.shape_cast %parallel_loop3A_395 : vector<1x16xf32> to vector<16xf32>
      %parallel_loop3A_397 = vector.shape_cast %parallel_loop3A_392 : vector<16xf32> to vector<1x16xf32>
      tpu.vector_store %arg10[%parallel_loop3A_393, %parallel_loop3A_394], %parallel_loop3A_397 {add = true, strides = array<i32>} : memref<32x512xf32, #tpu.memory_space<vmem>>, vector<1x16xf32>,
      %parallel_loop3A_398 = arith.constant 64 : i32
      %parallel_loop3A_399 = arith.addi %parallel_loop3A_398, %parallel_loop3A_122 : i32
      %parallel_loop3A_400 = arith.index_cast %parallel_loop3A_399 : i32 to index
      %parallel_loop3A_401 = arith.constant 400 : index
      %parallel_loop3A_402 = tpu.vector_load %arg7[%parallel_loop3A_400, %parallel_loop3A_401] {strides = array<i32>} : memref<128x512xf32, #tpu.memory_space<vmem>>, vector<1x16xf32>,
      %parallel_loop3A_403 = vector.shape_cast %parallel_loop3A_402 : vector<1x16xf32> to vector<16xf32>
      %parallel_loop3A_404 = arith.index_cast %parallel_loop3A_122 : i32 to index
      %parallel_loop3A_405 = arith.constant 400 : index
      %parallel_loop3A_406 = tpu.vector_load %arg10[%parallel_loop3A_404, %parallel_loop3A_405] {strides = array<i32>} : memref<32x512xf32, #tpu.memory_space<vmem>>, vector<1x16xf32>,
      %parallel_loop3A_407 = vector.shape_cast %parallel_loop3A_406 : vector<1x16xf32> to vector<16xf32>
      %parallel_loop3A_408 = vector.shape_cast %parallel_loop3A_403 : vector<16xf32> to vector<1x16xf32>
      tpu.vector_store %arg10[%parallel_loop3A_404, %parallel_loop3A_405], %parallel_loop3A_408 {add = true, strides = array<i32>} : memref<32x512xf32, #tpu.memory_space<vmem>>, vector<1x16xf32>,
      %parallel_loop3A_409 = arith.constant 64 : i32
      %parallel_loop3A_410 = arith.addi %parallel_loop3A_409, %parallel_loop3A_122 : i32
      %parallel_loop3A_411 = arith.index_cast %parallel_loop3A_410 : i32 to index
      %parallel_loop3A_412 = arith.constant 416 : index
      %parallel_loop3A_413 = tpu.vector_load %arg7[%parallel_loop3A_411, %parallel_loop3A_412] {strides = array<i32>} : memref<128x512xf32, #tpu.memory_space<vmem>>, vector<1x16xf32>,
      %parallel_loop3A_414 = vector.shape_cast %parallel_loop3A_413 : vector<1x16xf32> to vector<16xf32>
      %parallel_loop3A_415 = arith.index_cast %parallel_loop3A_122 : i32 to index
      %parallel_loop3A_416 = arith.constant 416 : index
      %parallel_loop3A_417 = tpu.vector_load %arg10[%parallel_loop3A_415, %parallel_loop3A_416] {strides = array<i32>} : memref<32x512xf32, #tpu.memory_space<vmem>>, vector<1x16xf32>,
      %parallel_loop3A_418 = vector.shape_cast %parallel_loop3A_417 : vector<1x16xf32> to vector<16xf32>
      %parallel_loop3A_419 = vector.shape_cast %parallel_loop3A_414 : vector<16xf32> to vector<1x16xf32>
      tpu.vector_store %arg10[%parallel_loop3A_415, %parallel_loop3A_416], %parallel_loop3A_419 {add = true, strides = array<i32>} : memref<32x512xf32, #tpu.memory_space<vmem>>, vector<1x16xf32>,
      %parallel_loop3A_420 = arith.constant 64 : i32
      %parallel_loop3A_421 = arith.addi %parallel_loop3A_420, %parallel_loop3A_122 : i32
      %parallel_loop3A_422 = arith.index_cast %parallel_loop3A_421 : i32 to index
      %parallel_loop3A_423 = arith.constant 432 : index
      %parallel_loop3A_424 = tpu.vector_load %arg7[%parallel_loop3A_422, %parallel_loop3A_423] {strides = array<i32>} : memref<128x512xf32, #tpu.memory_space<vmem>>, vector<1x16xf32>,
      %parallel_loop3A_425 = vector.shape_cast %parallel_loop3A_424 : vector<1x16xf32> to vector<16xf32>
      %parallel_loop3A_426 = arith.index_cast %parallel_loop3A_122 : i32 to index
      %parallel_loop3A_427 = arith.constant 432 : index
      %parallel_loop3A_428 = tpu.vector_load %arg10[%parallel_loop3A_426, %parallel_loop3A_427] {strides = array<i32>} : memref<32x512xf32, #tpu.memory_space<vmem>>, vector<1x16xf32>,
      %parallel_loop3A_429 = vector.shape_cast %parallel_loop3A_428 : vector<1x16xf32> to vector<16xf32>
      %parallel_loop3A_430 = vector.shape_cast %parallel_loop3A_425 : vector<16xf32> to vector<1x16xf32>
      tpu.vector_store %arg10[%parallel_loop3A_426, %parallel_loop3A_427], %parallel_loop3A_430 {add = true, strides = array<i32>} : memref<32x512xf32, #tpu.memory_space<vmem>>, vector<1x16xf32>,
      %parallel_loop3A_431 = arith.constant 64 : i32
      %parallel_loop3A_432 = arith.addi %parallel_loop3A_431, %parallel_loop3A_122 : i32
      %parallel_loop3A_433 = arith.index_cast %parallel_loop3A_432 : i32 to index
      %parallel_loop3A_434 = arith.constant 448 : index
      %parallel_loop3A_435 = tpu.vector_load %arg7[%parallel_loop3A_433, %parallel_loop3A_434] {strides = array<i32>} : memref<128x512xf32, #tpu.memory_space<vmem>>, vector<1x16xf32>,
      %parallel_loop3A_436 = vector.shape_cast %parallel_loop3A_435 : vector<1x16xf32> to vector<16xf32>
      %parallel_loop3A_437 = arith.index_cast %parallel_loop3A_122 : i32 to index
      %parallel_loop3A_438 = arith.constant 448 : index
      %parallel_loop3A_439 = tpu.vector_load %arg10[%parallel_loop3A_437, %parallel_loop3A_438] {strides = array<i32>} : memref<32x512xf32, #tpu.memory_space<vmem>>, vector<1x16xf32>,
      %parallel_loop3A_440 = vector.shape_cast %parallel_loop3A_439 : vector<1x16xf32> to vector<16xf32>
      %parallel_loop3A_441 = vector.shape_cast %parallel_loop3A_436 : vector<16xf32> to vector<1x16xf32>
      tpu.vector_store %arg10[%parallel_loop3A_437, %parallel_loop3A_438], %parallel_loop3A_441 {add = true, strides = array<i32>} : memref<32x512xf32, #tpu.memory_space<vmem>>, vector<1x16xf32>,
      %parallel_loop3A_442 = arith.constant 64 : i32
      %parallel_loop3A_443 = arith.addi %parallel_loop3A_442, %parallel_loop3A_122 : i32
      %parallel_loop3A_444 = arith.index_cast %parallel_loop3A_443 : i32 to index
      %parallel_loop3A_445 = arith.constant 464 : index
      %parallel_loop3A_446 = tpu.vector_load %arg7[%parallel_loop3A_444, %parallel_loop3A_445] {strides = array<i32>} : memref<128x512xf32, #tpu.memory_space<vmem>>, vector<1x16xf32>,
      %parallel_loop3A_447 = vector.shape_cast %parallel_loop3A_446 : vector<1x16xf32> to vector<16xf32>
      %parallel_loop3A_448 = arith.index_cast %parallel_loop3A_122 : i32 to index
      %parallel_loop3A_449 = arith.constant 464 : index
      %parallel_loop3A_450 = tpu.vector_load %arg10[%parallel_loop3A_448, %parallel_loop3A_449] {strides = array<i32>} : memref<32x512xf32, #tpu.memory_space<vmem>>, vector<1x16xf32>,
      %parallel_loop3A_451 = vector.shape_cast %parallel_loop3A_450 : vector<1x16xf32> to vector<16xf32>
      %parallel_loop3A_452 = vector.shape_cast %parallel_loop3A_447 : vector<16xf32> to vector<1x16xf32>
      tpu.vector_store %arg10[%parallel_loop3A_448, %parallel_loop3A_449], %parallel_loop3A_452 {add = true, strides = array<i32>} : memref<32x512xf32, #tpu.memory_space<vmem>>, vector<1x16xf32>,
      %parallel_loop3A_453 = arith.constant 64 : i32
      %parallel_loop3A_454 = arith.addi %parallel_loop3A_453, %parallel_loop3A_122 : i32
      %parallel_loop3A_455 = arith.index_cast %parallel_loop3A_454 : i32 to index
      %parallel_loop3A_456 = arith.constant 480 : index
      %parallel_loop3A_457 = tpu.vector_load %arg7[%parallel_loop3A_455, %parallel_loop3A_456] {strides = array<i32>} : memref<128x512xf32, #tpu.memory_space<vmem>>, vector<1x16xf32>,
      %parallel_loop3A_458 = vector.shape_cast %parallel_loop3A_457 : vector<1x16xf32> to vector<16xf32>
      %parallel_loop3A_459 = arith.index_cast %parallel_loop3A_122 : i32 to index
      %parallel_loop3A_460 = arith.constant 480 : index
      %parallel_loop3A_461 = tpu.vector_load %arg10[%parallel_loop3A_459, %parallel_loop3A_460] {strides = array<i32>} : memref<32x512xf32, #tpu.memory_space<vmem>>, vector<1x16xf32>,
      %parallel_loop3A_462 = vector.shape_cast %parallel_loop3A_461 : vector<1x16xf32> to vector<16xf32>
      %parallel_loop3A_463 = vector.shape_cast %parallel_loop3A_458 : vector<16xf32> to vector<1x16xf32>
      tpu.vector_store %arg10[%parallel_loop3A_459, %parallel_loop3A_460], %parallel_loop3A_463 {add = true, strides = array<i32>} : memref<32x512xf32, #tpu.memory_space<vmem>>, vector<1x16xf32>,
      %parallel_loop3A_464 = arith.constant 64 : i32
      %parallel_loop3A_465 = arith.addi %parallel_loop3A_464, %parallel_loop3A_122 : i32
      %parallel_loop3A_466 = arith.index_cast %parallel_loop3A_465 : i32 to index
      %parallel_loop3A_467 = arith.constant 496 : index
      %parallel_loop3A_468 = tpu.vector_load %arg7[%parallel_loop3A_466, %parallel_loop3A_467] {strides = array<i32>} : memref<128x512xf32, #tpu.memory_space<vmem>>, vector<1x16xf32>,
      %parallel_loop3A_469 = vector.shape_cast %parallel_loop3A_468 : vector<1x16xf32> to vector<16xf32>
      %parallel_loop3A_470 = arith.index_cast %parallel_loop3A_122 : i32 to index
      %parallel_loop3A_471 = arith.constant 496 : index
      %parallel_loop3A_472 = tpu.vector_load %arg10[%parallel_loop3A_470, %parallel_loop3A_471] {strides = array<i32>} : memref<32x512xf32, #tpu.memory_space<vmem>>, vector<1x16xf32>,
      %parallel_loop3A_473 = vector.shape_cast %parallel_loop3A_472 : vector<1x16xf32> to vector<16xf32>
      %parallel_loop3A_474 = vector.shape_cast %parallel_loop3A_469 : vector<16xf32> to vector<1x16xf32>
      tpu.vector_store %arg10[%parallel_loop3A_470, %parallel_loop3A_471], %parallel_loop3A_474 {add = true, strides = array<i32>} : memref<32x512xf32, #tpu.memory_space<vmem>>, vector<1x16xf32>,
    } {sc.loop_unroll_factor = 1 : i64, sc.parallel_access}
    %add3A_84 = arith.constant 0 : i32
    %add3A_85 = arith.addi %add3A_84, %mul3A_0 : i32
    %add3A_86 = arith.constant 64 : i32
    %add3A_87 = arith.addi %add3A_85, %add3A_86 : i32
    %dma_start3A_88 = arith.constant 0 : i32
    %dma_start3A_89 = tpu.memref_slice %arg5[%add3A_87, %dma_start3A_88] : memref<2048x512xf32, #tpu.memory_space<hbm>> -> memref<32x512xf32, #tpu.memory_space<hbm>>
    %dma_start3A_90 = arith.constant 0 : i32
    %dma_start3A_91 = tpu.memref_slice %arg5[%add3A_87, %dma_start3A_90] : memref<2048x512xf32, #tpu.memory_space<hbm>> -> memref<32x512xf32, #tpu.memory_space<hbm>>
    tpu.enqueue_dma source(%arg10 : memref<32x512xf32, #tpu.memory_space<vmem>>) target(%dma_start3A_91 : memref<32x512xf32, #tpu.memory_space<hbm>>) target_semaphore(%arg17 : memref<!tpu.dma_semaphore, #tpu.memory_space<semaphore_mem>>)
    %dma_wait3A_92 = arith.constant 0 : i32
    %dma_wait3A_93 = arith.constant 96 : i32
    %dma_wait3A_94 = tpu.memref_slice %arg6[%dma_wait3A_92, %dma_wait3A_93] : memref<1x128xi32, #tpu.memory_space<vmem>> -> memref<1x32xi32, #tpu.memory_space<vmem>>
    %dma_wait3A_95 = tpu.memref_squeeze %dma_wait3A_94 : memref<1x32xi32, #tpu.memory_space<vmem>> -> memref<32xi32, #tpu.memory_space<vmem>>
    %dma_wait3A_96 = arith.constant 0 : i32
    %dma_wait3A_97 = arith.constant 0 : i32
    %dma_wait3A_98 = tpu.memref_slice %arg3[%dma_wait3A_96, %dma_wait3A_97] : memref<256x512xf32, #tpu.memory_space<hbm>> -> memref<256x512xf32, #tpu.memory_space<hbm>>
    tpu.wait_indirect_dma semaphore(%arg12 : memref<!tpu.dma_semaphore, #tpu.memory_space<semaphore_mem>>) src(%dma_wait3A_98 : memref<256x512xf32, #tpu.memory_space<hbm>>) dst(%arg8 : memref<32x512xf32, #tpu.memory_space<vmem>>)
    %parallel_loop3A_99 = arith.constant 0 : i32
    %parallel_loop3A_100 = arith.constant 32 : i32
    %parallel_loop3A_101 = arith.constant 1 : i32
    scf.for %parallel_loop3A_122 = %parallel_loop3A_99 to %parallel_loop3A_100 step %parallel_loop3A_101  : i32 {
      %parallel_loop3A_123 = arith.constant 96 : i32
      %parallel_loop3A_124 = arith.addi %parallel_loop3A_123, %parallel_loop3A_122 : i32
      %parallel_loop3A_125 = arith.index_cast %parallel_loop3A_124 : i32 to index
      %parallel_loop3A_126 = arith.constant 0 : index
      %parallel_loop3A_127 = tpu.vector_load %arg7[%parallel_loop3A_125, %parallel_loop3A_126] {strides = array<i32>} : memref<128x512xf32, #tpu.memory_space<vmem>>, vector<1x16xf32>,
      %parallel_loop3A_128 = vector.shape_cast %parallel_loop3A_127 : vector<1x16xf32> to vector<16xf32>
      %parallel_loop3A_129 = arith.index_cast %parallel_loop3A_122 : i32 to index
      %parallel_loop3A_130 = arith.constant 0 : index
      %parallel_loop3A_131 = tpu.vector_load %arg8[%parallel_loop3A_129, %parallel_loop3A_130] {strides = array<i32>} : memref<32x512xf32, #tpu.memory_space<vmem>>, vector<1x16xf32>,
      %parallel_loop3A_132 = vector.shape_cast %parallel_loop3A_131 : vector<1x16xf32> to vector<16xf32>
      %parallel_loop3A_133 = vector.shape_cast %parallel_loop3A_128 : vector<16xf32> to vector<1x16xf32>
      tpu.vector_store %arg8[%parallel_loop3A_129, %parallel_loop3A_130], %parallel_loop3A_133 {add = true, strides = array<i32>} : memref<32x512xf32, #tpu.memory_space<vmem>>, vector<1x16xf32>,
      %parallel_loop3A_134 = arith.constant 96 : i32
      %parallel_loop3A_135 = arith.addi %parallel_loop3A_134, %parallel_loop3A_122 : i32
      %parallel_loop3A_136 = arith.index_cast %parallel_loop3A_135 : i32 to index
      %parallel_loop3A_137 = arith.constant 16 : index
      %parallel_loop3A_138 = tpu.vector_load %arg7[%parallel_loop3A_136, %parallel_loop3A_137] {strides = array<i32>} : memref<128x512xf32, #tpu.memory_space<vmem>>, vector<1x16xf32>,
      %parallel_loop3A_139 = vector.shape_cast %parallel_loop3A_138 : vector<1x16xf32> to vector<16xf32>
      %parallel_loop3A_140 = arith.index_cast %parallel_loop3A_122 : i32 to index
      %parallel_loop3A_141 = arith.constant 16 : index
      %parallel_loop3A_142 = tpu.vector_load %arg8[%parallel_loop3A_140, %parallel_loop3A_141] {strides = array<i32>} : memref<32x512xf32, #tpu.memory_space<vmem>>, vector<1x16xf32>,
      %parallel_loop3A_143 = vector.shape_cast %parallel_loop3A_142 : vector<1x16xf32> to vector<16xf32>
      %parallel_loop3A_144 = vector.shape_cast %parallel_loop3A_139 : vector<16xf32> to vector<1x16xf32>
      tpu.vector_store %arg8[%parallel_loop3A_140, %parallel_loop3A_141], %parallel_loop3A_144 {add = true, strides = array<i32>} : memref<32x512xf32, #tpu.memory_space<vmem>>, vector<1x16xf32>,
      %parallel_loop3A_145 = arith.constant 96 : i32
      %parallel_loop3A_146 = arith.addi %parallel_loop3A_145, %parallel_loop3A_122 : i32
      %parallel_loop3A_147 = arith.index_cast %parallel_loop3A_146 : i32 to index
      %parallel_loop3A_148 = arith.constant 32 : index
      %parallel_loop3A_149 = tpu.vector_load %arg7[%parallel_loop3A_147, %parallel_loop3A_148] {strides = array<i32>} : memref<128x512xf32, #tpu.memory_space<vmem>>, vector<1x16xf32>,
      %parallel_loop3A_150 = vector.shape_cast %parallel_loop3A_149 : vector<1x16xf32> to vector<16xf32>
      %parallel_loop3A_151 = arith.index_cast %parallel_loop3A_122 : i32 to index
      %parallel_loop3A_152 = arith.constant 32 : index
      %parallel_loop3A_153 = tpu.vector_load %arg8[%parallel_loop3A_151, %parallel_loop3A_152] {strides = array<i32>} : memref<32x512xf32, #tpu.memory_space<vmem>>, vector<1x16xf32>,
      %parallel_loop3A_154 = vector.shape_cast %parallel_loop3A_153 : vector<1x16xf32> to vector<16xf32>
      %parallel_loop3A_155 = vector.shape_cast %parallel_loop3A_150 : vector<16xf32> to vector<1x16xf32>
      tpu.vector_store %arg8[%parallel_loop3A_151, %parallel_loop3A_152], %parallel_loop3A_155 {add = true, strides = array<i32>} : memref<32x512xf32, #tpu.memory_space<vmem>>, vector<1x16xf32>,
      %parallel_loop3A_156 = arith.constant 96 : i32
      %parallel_loop3A_157 = arith.addi %parallel_loop3A_156, %parallel_loop3A_122 : i32
      %parallel_loop3A_158 = arith.index_cast %parallel_loop3A_157 : i32 to index
      %parallel_loop3A_159 = arith.constant 48 : index
      %parallel_loop3A_160 = tpu.vector_load %arg7[%parallel_loop3A_158, %parallel_loop3A_159] {strides = array<i32>} : memref<128x512xf32, #tpu.memory_space<vmem>>, vector<1x16xf32>,
      %parallel_loop3A_161 = vector.shape_cast %parallel_loop3A_160 : vector<1x16xf32> to vector<16xf32>
      %parallel_loop3A_162 = arith.index_cast %parallel_loop3A_122 : i32 to index
      %parallel_loop3A_163 = arith.constant 48 : index
      %parallel_loop3A_164 = tpu.vector_load %arg8[%parallel_loop3A_162, %parallel_loop3A_163] {strides = array<i32>} : memref<32x512xf32, #tpu.memory_space<vmem>>, vector<1x16xf32>,
      %parallel_loop3A_165 = vector.shape_cast %parallel_loop3A_164 : vector<1x16xf32> to vector<16xf32>
      %parallel_loop3A_166 = vector.shape_cast %parallel_loop3A_161 : vector<16xf32> to vector<1x16xf32>
      tpu.vector_store %arg8[%parallel_loop3A_162, %parallel_loop3A_163], %parallel_loop3A_166 {add = true, strides = array<i32>} : memref<32x512xf32, #tpu.memory_space<vmem>>, vector<1x16xf32>,
      %parallel_loop3A_167 = arith.constant 96 : i32
      %parallel_loop3A_168 = arith.addi %parallel_loop3A_167, %parallel_loop3A_122 : i32
      %parallel_loop3A_169 = arith.index_cast %parallel_loop3A_168 : i32 to index
      %parallel_loop3A_170 = arith.constant 64 : index
      %parallel_loop3A_171 = tpu.vector_load %arg7[%parallel_loop3A_169, %parallel_loop3A_170] {strides = array<i32>} : memref<128x512xf32, #tpu.memory_space<vmem>>, vector<1x16xf32>,
      %parallel_loop3A_172 = vector.shape_cast %parallel_loop3A_171 : vector<1x16xf32> to vector<16xf32>
      %parallel_loop3A_173 = arith.index_cast %parallel_loop3A_122 : i32 to index
      %parallel_loop3A_174 = arith.constant 64 : index
      %parallel_loop3A_175 = tpu.vector_load %arg8[%parallel_loop3A_173, %parallel_loop3A_174] {strides = array<i32>} : memref<32x512xf32, #tpu.memory_space<vmem>>, vector<1x16xf32>,
      %parallel_loop3A_176 = vector.shape_cast %parallel_loop3A_175 : vector<1x16xf32> to vector<16xf32>
      %parallel_loop3A_177 = vector.shape_cast %parallel_loop3A_172 : vector<16xf32> to vector<1x16xf32>
      tpu.vector_store %arg8[%parallel_loop3A_173, %parallel_loop3A_174], %parallel_loop3A_177 {add = true, strides = array<i32>} : memref<32x512xf32, #tpu.memory_space<vmem>>, vector<1x16xf32>,
      %parallel_loop3A_178 = arith.constant 96 : i32
      %parallel_loop3A_179 = arith.addi %parallel_loop3A_178, %parallel_loop3A_122 : i32
      %parallel_loop3A_180 = arith.index_cast %parallel_loop3A_179 : i32 to index
      %parallel_loop3A_181 = arith.constant 80 : index
      %parallel_loop3A_182 = tpu.vector_load %arg7[%parallel_loop3A_180, %parallel_loop3A_181] {strides = array<i32>} : memref<128x512xf32, #tpu.memory_space<vmem>>, vector<1x16xf32>,
      %parallel_loop3A_183 = vector.shape_cast %parallel_loop3A_182 : vector<1x16xf32> to vector<16xf32>
      %parallel_loop3A_184 = arith.index_cast %parallel_loop3A_122 : i32 to index
      %parallel_loop3A_185 = arith.constant 80 : index
      %parallel_loop3A_186 = tpu.vector_load %arg8[%parallel_loop3A_184, %parallel_loop3A_185] {strides = array<i32>} : memref<32x512xf32, #tpu.memory_space<vmem>>, vector<1x16xf32>,
      %parallel_loop3A_187 = vector.shape_cast %parallel_loop3A_186 : vector<1x16xf32> to vector<16xf32>
      %parallel_loop3A_188 = vector.shape_cast %parallel_loop3A_183 : vector<16xf32> to vector<1x16xf32>
      tpu.vector_store %arg8[%parallel_loop3A_184, %parallel_loop3A_185], %parallel_loop3A_188 {add = true, strides = array<i32>} : memref<32x512xf32, #tpu.memory_space<vmem>>, vector<1x16xf32>,
      %parallel_loop3A_189 = arith.constant 96 : i32
      %parallel_loop3A_190 = arith.addi %parallel_loop3A_189, %parallel_loop3A_122 : i32
      %parallel_loop3A_191 = arith.index_cast %parallel_loop3A_190 : i32 to index
      %parallel_loop3A_192 = arith.constant 96 : index
      %parallel_loop3A_193 = tpu.vector_load %arg7[%parallel_loop3A_191, %parallel_loop3A_192] {strides = array<i32>} : memref<128x512xf32, #tpu.memory_space<vmem>>, vector<1x16xf32>,
      %parallel_loop3A_194 = vector.shape_cast %parallel_loop3A_193 : vector<1x16xf32> to vector<16xf32>
      %parallel_loop3A_195 = arith.index_cast %parallel_loop3A_122 : i32 to index
      %parallel_loop3A_196 = arith.constant 96 : index
      %parallel_loop3A_197 = tpu.vector_load %arg8[%parallel_loop3A_195, %parallel_loop3A_196] {strides = array<i32>} : memref<32x512xf32, #tpu.memory_space<vmem>>, vector<1x16xf32>,
      %parallel_loop3A_198 = vector.shape_cast %parallel_loop3A_197 : vector<1x16xf32> to vector<16xf32>
      %parallel_loop3A_199 = vector.shape_cast %parallel_loop3A_194 : vector<16xf32> to vector<1x16xf32>
      tpu.vector_store %arg8[%parallel_loop3A_195, %parallel_loop3A_196], %parallel_loop3A_199 {add = true, strides = array<i32>} : memref<32x512xf32, #tpu.memory_space<vmem>>, vector<1x16xf32>,
      %parallel_loop3A_200 = arith.constant 96 : i32
      %parallel_loop3A_201 = arith.addi %parallel_loop3A_200, %parallel_loop3A_122 : i32
      %parallel_loop3A_202 = arith.index_cast %parallel_loop3A_201 : i32 to index
      %parallel_loop3A_203 = arith.constant 112 : index
      %parallel_loop3A_204 = tpu.vector_load %arg7[%parallel_loop3A_202, %parallel_loop3A_203] {strides = array<i32>} : memref<128x512xf32, #tpu.memory_space<vmem>>, vector<1x16xf32>,
      %parallel_loop3A_205 = vector.shape_cast %parallel_loop3A_204 : vector<1x16xf32> to vector<16xf32>
      %parallel_loop3A_206 = arith.index_cast %parallel_loop3A_122 : i32 to index
      %parallel_loop3A_207 = arith.constant 112 : index
      %parallel_loop3A_208 = tpu.vector_load %arg8[%parallel_loop3A_206, %parallel_loop3A_207] {strides = array<i32>} : memref<32x512xf32, #tpu.memory_space<vmem>>, vector<1x16xf32>,
      %parallel_loop3A_209 = vector.shape_cast %parallel_loop3A_208 : vector<1x16xf32> to vector<16xf32>
      %parallel_loop3A_210 = vector.shape_cast %parallel_loop3A_205 : vector<16xf32> to vector<1x16xf32>
      tpu.vector_store %arg8[%parallel_loop3A_206, %parallel_loop3A_207], %parallel_loop3A_210 {add = true, strides = array<i32>} : memref<32x512xf32, #tpu.memory_space<vmem>>, vector<1x16xf32>,
      %parallel_loop3A_211 = arith.constant 96 : i32
      %parallel_loop3A_212 = arith.addi %parallel_loop3A_211, %parallel_loop3A_122 : i32
      %parallel_loop3A_213 = arith.index_cast %parallel_loop3A_212 : i32 to index
      %parallel_loop3A_214 = arith.constant 128 : index
      %parallel_loop3A_215 = tpu.vector_load %arg7[%parallel_loop3A_213, %parallel_loop3A_214] {strides = array<i32>} : memref<128x512xf32, #tpu.memory_space<vmem>>, vector<1x16xf32>,
      %parallel_loop3A_216 = vector.shape_cast %parallel_loop3A_215 : vector<1x16xf32> to vector<16xf32>
      %parallel_loop3A_217 = arith.index_cast %parallel_loop3A_122 : i32 to index
      %parallel_loop3A_218 = arith.constant 128 : index
      %parallel_loop3A_219 = tpu.vector_load %arg8[%parallel_loop3A_217, %parallel_loop3A_218] {strides = array<i32>} : memref<32x512xf32, #tpu.memory_space<vmem>>, vector<1x16xf32>,
      %parallel_loop3A_220 = vector.shape_cast %parallel_loop3A_219 : vector<1x16xf32> to vector<16xf32>
      %parallel_loop3A_221 = vector.shape_cast %parallel_loop3A_216 : vector<16xf32> to vector<1x16xf32>
      tpu.vector_store %arg8[%parallel_loop3A_217, %parallel_loop3A_218], %parallel_loop3A_221 {add = true, strides = array<i32>} : memref<32x512xf32, #tpu.memory_space<vmem>>, vector<1x16xf32>,
      %parallel_loop3A_222 = arith.constant 96 : i32
      %parallel_loop3A_223 = arith.addi %parallel_loop3A_222, %parallel_loop3A_122 : i32
      %parallel_loop3A_224 = arith.index_cast %parallel_loop3A_223 : i32 to index
      %parallel_loop3A_225 = arith.constant 144 : index
      %parallel_loop3A_226 = tpu.vector_load %arg7[%parallel_loop3A_224, %parallel_loop3A_225] {strides = array<i32>} : memref<128x512xf32, #tpu.memory_space<vmem>>, vector<1x16xf32>,
      %parallel_loop3A_227 = vector.shape_cast %parallel_loop3A_226 : vector<1x16xf32> to vector<16xf32>
      %parallel_loop3A_228 = arith.index_cast %parallel_loop3A_122 : i32 to index
      %parallel_loop3A_229 = arith.constant 144 : index
      %parallel_loop3A_230 = tpu.vector_load %arg8[%parallel_loop3A_228, %parallel_loop3A_229] {strides = array<i32>} : memref<32x512xf32, #tpu.memory_space<vmem>>, vector<1x16xf32>,
      %parallel_loop3A_231 = vector.shape_cast %parallel_loop3A_230 : vector<1x16xf32> to vector<16xf32>
      %parallel_loop3A_232 = vector.shape_cast %parallel_loop3A_227 : vector<16xf32> to vector<1x16xf32>
      tpu.vector_store %arg8[%parallel_loop3A_228, %parallel_loop3A_229], %parallel_loop3A_232 {add = true, strides = array<i32>} : memref<32x512xf32, #tpu.memory_space<vmem>>, vector<1x16xf32>,
      %parallel_loop3A_233 = arith.constant 96 : i32
      %parallel_loop3A_234 = arith.addi %parallel_loop3A_233, %parallel_loop3A_122 : i32
      %parallel_loop3A_235 = arith.index_cast %parallel_loop3A_234 : i32 to index
      %parallel_loop3A_236 = arith.constant 160 : index
      %parallel_loop3A_237 = tpu.vector_load %arg7[%parallel_loop3A_235, %parallel_loop3A_236] {strides = array<i32>} : memref<128x512xf32, #tpu.memory_space<vmem>>, vector<1x16xf32>,
      %parallel_loop3A_238 = vector.shape_cast %parallel_loop3A_237 : vector<1x16xf32> to vector<16xf32>
      %parallel_loop3A_239 = arith.index_cast %parallel_loop3A_122 : i32 to index
      %parallel_loop3A_240 = arith.constant 160 : index
      %parallel_loop3A_241 = tpu.vector_load %arg8[%parallel_loop3A_239, %parallel_loop3A_240] {strides = array<i32>} : memref<32x512xf32, #tpu.memory_space<vmem>>, vector<1x16xf32>,
      %parallel_loop3A_242 = vector.shape_cast %parallel_loop3A_241 : vector<1x16xf32> to vector<16xf32>
      %parallel_loop3A_243 = vector.shape_cast %parallel_loop3A_238 : vector<16xf32> to vector<1x16xf32>
      tpu.vector_store %arg8[%parallel_loop3A_239, %parallel_loop3A_240], %parallel_loop3A_243 {add = true, strides = array<i32>} : memref<32x512xf32, #tpu.memory_space<vmem>>, vector<1x16xf32>,
      %parallel_loop3A_244 = arith.constant 96 : i32
      %parallel_loop3A_245 = arith.addi %parallel_loop3A_244, %parallel_loop3A_122 : i32
      %parallel_loop3A_246 = arith.index_cast %parallel_loop3A_245 : i32 to index
      %parallel_loop3A_247 = arith.constant 176 : index
      %parallel_loop3A_248 = tpu.vector_load %arg7[%parallel_loop3A_246, %parallel_loop3A_247] {strides = array<i32>} : memref<128x512xf32, #tpu.memory_space<vmem>>, vector<1x16xf32>,
      %parallel_loop3A_249 = vector.shape_cast %parallel_loop3A_248 : vector<1x16xf32> to vector<16xf32>
      %parallel_loop3A_250 = arith.index_cast %parallel_loop3A_122 : i32 to index
      %parallel_loop3A_251 = arith.constant 176 : index
      %parallel_loop3A_252 = tpu.vector_load %arg8[%parallel_loop3A_250, %parallel_loop3A_251] {strides = array<i32>} : memref<32x512xf32, #tpu.memory_space<vmem>>, vector<1x16xf32>,
      %parallel_loop3A_253 = vector.shape_cast %parallel_loop3A_252 : vector<1x16xf32> to vector<16xf32>
      %parallel_loop3A_254 = vector.shape_cast %parallel_loop3A_249 : vector<16xf32> to vector<1x16xf32>
      tpu.vector_store %arg8[%parallel_loop3A_250, %parallel_loop3A_251], %parallel_loop3A_254 {add = true, strides = array<i32>} : memref<32x512xf32, #tpu.memory_space<vmem>>, vector<1x16xf32>,
      %parallel_loop3A_255 = arith.constant 96 : i32
      %parallel_loop3A_256 = arith.addi %parallel_loop3A_255, %parallel_loop3A_122 : i32
      %parallel_loop3A_257 = arith.index_cast %parallel_loop3A_256 : i32 to index
      %parallel_loop3A_258 = arith.constant 192 : index
      %parallel_loop3A_259 = tpu.vector_load %arg7[%parallel_loop3A_257, %parallel_loop3A_258] {strides = array<i32>} : memref<128x512xf32, #tpu.memory_space<vmem>>, vector<1x16xf32>,
      %parallel_loop3A_260 = vector.shape_cast %parallel_loop3A_259 : vector<1x16xf32> to vector<16xf32>
      %parallel_loop3A_261 = arith.index_cast %parallel_loop3A_122 : i32 to index
      %parallel_loop3A_262 = arith.constant 192 : index
      %parallel_loop3A_263 = tpu.vector_load %arg8[%parallel_loop3A_261, %parallel_loop3A_262] {strides = array<i32>} : memref<32x512xf32, #tpu.memory_space<vmem>>, vector<1x16xf32>,
      %parallel_loop3A_264 = vector.shape_cast %parallel_loop3A_263 : vector<1x16xf32> to vector<16xf32>
      %parallel_loop3A_265 = vector.shape_cast %parallel_loop3A_260 : vector<16xf32> to vector<1x16xf32>
      tpu.vector_store %arg8[%parallel_loop3A_261, %parallel_loop3A_262], %parallel_loop3A_265 {add = true, strides = array<i32>} : memref<32x512xf32, #tpu.memory_space<vmem>>, vector<1x16xf32>,
      %parallel_loop3A_266 = arith.constant 96 : i32
      %parallel_loop3A_267 = arith.addi %parallel_loop3A_266, %parallel_loop3A_122 : i32
      %parallel_loop3A_268 = arith.index_cast %parallel_loop3A_267 : i32 to index
      %parallel_loop3A_269 = arith.constant 208 : index
      %parallel_loop3A_270 = tpu.vector_load %arg7[%parallel_loop3A_268, %parallel_loop3A_269] {strides = array<i32>} : memref<128x512xf32, #tpu.memory_space<vmem>>, vector<1x16xf32>,
      %parallel_loop3A_271 = vector.shape_cast %parallel_loop3A_270 : vector<1x16xf32> to vector<16xf32>
      %parallel_loop3A_272 = arith.index_cast %parallel_loop3A_122 : i32 to index
      %parallel_loop3A_273 = arith.constant 208 : index
      %parallel_loop3A_274 = tpu.vector_load %arg8[%parallel_loop3A_272, %parallel_loop3A_273] {strides = array<i32>} : memref<32x512xf32, #tpu.memory_space<vmem>>, vector<1x16xf32>,
      %parallel_loop3A_275 = vector.shape_cast %parallel_loop3A_274 : vector<1x16xf32> to vector<16xf32>
      %parallel_loop3A_276 = vector.shape_cast %parallel_loop3A_271 : vector<16xf32> to vector<1x16xf32>
      tpu.vector_store %arg8[%parallel_loop3A_272, %parallel_loop3A_273], %parallel_loop3A_276 {add = true, strides = array<i32>} : memref<32x512xf32, #tpu.memory_space<vmem>>, vector<1x16xf32>,
      %parallel_loop3A_277 = arith.constant 96 : i32
      %parallel_loop3A_278 = arith.addi %parallel_loop3A_277, %parallel_loop3A_122 : i32
      %parallel_loop3A_279 = arith.index_cast %parallel_loop3A_278 : i32 to index
      %parallel_loop3A_280 = arith.constant 224 : index
      %parallel_loop3A_281 = tpu.vector_load %arg7[%parallel_loop3A_279, %parallel_loop3A_280] {strides = array<i32>} : memref<128x512xf32, #tpu.memory_space<vmem>>, vector<1x16xf32>,
      %parallel_loop3A_282 = vector.shape_cast %parallel_loop3A_281 : vector<1x16xf32> to vector<16xf32>
      %parallel_loop3A_283 = arith.index_cast %parallel_loop3A_122 : i32 to index
      %parallel_loop3A_284 = arith.constant 224 : index
      %parallel_loop3A_285 = tpu.vector_load %arg8[%parallel_loop3A_283, %parallel_loop3A_284] {strides = array<i32>} : memref<32x512xf32, #tpu.memory_space<vmem>>, vector<1x16xf32>,
      %parallel_loop3A_286 = vector.shape_cast %parallel_loop3A_285 : vector<1x16xf32> to vector<16xf32>
      %parallel_loop3A_287 = vector.shape_cast %parallel_loop3A_282 : vector<16xf32> to vector<1x16xf32>
      tpu.vector_store %arg8[%parallel_loop3A_283, %parallel_loop3A_284], %parallel_loop3A_287 {add = true, strides = array<i32>} : memref<32x512xf32, #tpu.memory_space<vmem>>, vector<1x16xf32>,
      %parallel_loop3A_288 = arith.constant 96 : i32
      %parallel_loop3A_289 = arith.addi %parallel_loop3A_288, %parallel_loop3A_122 : i32
      %parallel_loop3A_290 = arith.index_cast %parallel_loop3A_289 : i32 to index
      %parallel_loop3A_291 = arith.constant 240 : index
      %parallel_loop3A_292 = tpu.vector_load %arg7[%parallel_loop3A_290, %parallel_loop3A_291] {strides = array<i32>} : memref<128x512xf32, #tpu.memory_space<vmem>>, vector<1x16xf32>,
      %parallel_loop3A_293 = vector.shape_cast %parallel_loop3A_292 : vector<1x16xf32> to vector<16xf32>
      %parallel_loop3A_294 = arith.index_cast %parallel_loop3A_122 : i32 to index
      %parallel_loop3A_295 = arith.constant 240 : index
      %parallel_loop3A_296 = tpu.vector_load %arg8[%parallel_loop3A_294, %parallel_loop3A_295] {strides = array<i32>} : memref<32x512xf32, #tpu.memory_space<vmem>>, vector<1x16xf32>,
      %parallel_loop3A_297 = vector.shape_cast %parallel_loop3A_296 : vector<1x16xf32> to vector<16xf32>
      %parallel_loop3A_298 = vector.shape_cast %parallel_loop3A_293 : vector<16xf32> to vector<1x16xf32>
      tpu.vector_store %arg8[%parallel_loop3A_294, %parallel_loop3A_295], %parallel_loop3A_298 {add = true, strides = array<i32>} : memref<32x512xf32, #tpu.memory_space<vmem>>, vector<1x16xf32>,
      %parallel_loop3A_299 = arith.constant 96 : i32
      %parallel_loop3A_300 = arith.addi %parallel_loop3A_299, %parallel_loop3A_122 : i32
      %parallel_loop3A_301 = arith.index_cast %parallel_loop3A_300 : i32 to index
      %parallel_loop3A_302 = arith.constant 256 : index
      %parallel_loop3A_303 = tpu.vector_load %arg7[%parallel_loop3A_301, %parallel_loop3A_302] {strides = array<i32>} : memref<128x512xf32, #tpu.memory_space<vmem>>, vector<1x16xf32>,
      %parallel_loop3A_304 = vector.shape_cast %parallel_loop3A_303 : vector<1x16xf32> to vector<16xf32>
      %parallel_loop3A_305 = arith.index_cast %parallel_loop3A_122 : i32 to index
      %parallel_loop3A_306 = arith.constant 256 : index
      %parallel_loop3A_307 = tpu.vector_load %arg8[%parallel_loop3A_305, %parallel_loop3A_306] {strides = array<i32>} : memref<32x512xf32, #tpu.memory_space<vmem>>, vector<1x16xf32>,
      %parallel_loop3A_308 = vector.shape_cast %parallel_loop3A_307 : vector<1x16xf32> to vector<16xf32>
      %parallel_loop3A_309 = vector.shape_cast %parallel_loop3A_304 : vector<16xf32> to vector<1x16xf32>
      tpu.vector_store %arg8[%parallel_loop3A_305, %parallel_loop3A_306], %parallel_loop3A_309 {add = true, strides = array<i32>} : memref<32x512xf32, #tpu.memory_space<vmem>>, vector<1x16xf32>,
      %parallel_loop3A_310 = arith.constant 96 : i32
      %parallel_loop3A_311 = arith.addi %parallel_loop3A_310, %parallel_loop3A_122 : i32
      %parallel_loop3A_312 = arith.index_cast %parallel_loop3A_311 : i32 to index
      %parallel_loop3A_313 = arith.constant 272 : index
      %parallel_loop3A_314 = tpu.vector_load %arg7[%parallel_loop3A_312, %parallel_loop3A_313] {strides = array<i32>} : memref<128x512xf32, #tpu.memory_space<vmem>>, vector<1x16xf32>,
      %parallel_loop3A_315 = vector.shape_cast %parallel_loop3A_314 : vector<1x16xf32> to vector<16xf32>
      %parallel_loop3A_316 = arith.index_cast %parallel_loop3A_122 : i32 to index
      %parallel_loop3A_317 = arith.constant 272 : index
      %parallel_loop3A_318 = tpu.vector_load %arg8[%parallel_loop3A_316, %parallel_loop3A_317] {strides = array<i32>} : memref<32x512xf32, #tpu.memory_space<vmem>>, vector<1x16xf32>,
      %parallel_loop3A_319 = vector.shape_cast %parallel_loop3A_318 : vector<1x16xf32> to vector<16xf32>
      %parallel_loop3A_320 = vector.shape_cast %parallel_loop3A_315 : vector<16xf32> to vector<1x16xf32>
      tpu.vector_store %arg8[%parallel_loop3A_316, %parallel_loop3A_317], %parallel_loop3A_320 {add = true, strides = array<i32>} : memref<32x512xf32, #tpu.memory_space<vmem>>, vector<1x16xf32>,
      %parallel_loop3A_321 = arith.constant 96 : i32
      %parallel_loop3A_322 = arith.addi %parallel_loop3A_321, %parallel_loop3A_122 : i32
      %parallel_loop3A_323 = arith.index_cast %parallel_loop3A_322 : i32 to index
      %parallel_loop3A_324 = arith.constant 288 : index
      %parallel_loop3A_325 = tpu.vector_load %arg7[%parallel_loop3A_323, %parallel_loop3A_324] {strides = array<i32>} : memref<128x512xf32, #tpu.memory_space<vmem>>, vector<1x16xf32>,
      %parallel_loop3A_326 = vector.shape_cast %parallel_loop3A_325 : vector<1x16xf32> to vector<16xf32>
      %parallel_loop3A_327 = arith.index_cast %parallel_loop3A_122 : i32 to index
      %parallel_loop3A_328 = arith.constant 288 : index
      %parallel_loop3A_329 = tpu.vector_load %arg8[%parallel_loop3A_327, %parallel_loop3A_328] {strides = array<i32>} : memref<32x512xf32, #tpu.memory_space<vmem>>, vector<1x16xf32>,
      %parallel_loop3A_330 = vector.shape_cast %parallel_loop3A_329 : vector<1x16xf32> to vector<16xf32>
      %parallel_loop3A_331 = vector.shape_cast %parallel_loop3A_326 : vector<16xf32> to vector<1x16xf32>
      tpu.vector_store %arg8[%parallel_loop3A_327, %parallel_loop3A_328], %parallel_loop3A_331 {add = true, strides = array<i32>} : memref<32x512xf32, #tpu.memory_space<vmem>>, vector<1x16xf32>,
      %parallel_loop3A_332 = arith.constant 96 : i32
      %parallel_loop3A_333 = arith.addi %parallel_loop3A_332, %parallel_loop3A_122 : i32
      %parallel_loop3A_334 = arith.index_cast %parallel_loop3A_333 : i32 to index
      %parallel_loop3A_335 = arith.constant 304 : index
      %parallel_loop3A_336 = tpu.vector_load %arg7[%parallel_loop3A_334, %parallel_loop3A_335] {strides = array<i32>} : memref<128x512xf32, #tpu.memory_space<vmem>>, vector<1x16xf32>,
      %parallel_loop3A_337 = vector.shape_cast %parallel_loop3A_336 : vector<1x16xf32> to vector<16xf32>
      %parallel_loop3A_338 = arith.index_cast %parallel_loop3A_122 : i32 to index
      %parallel_loop3A_339 = arith.constant 304 : index
      %parallel_loop3A_340 = tpu.vector_load %arg8[%parallel_loop3A_338, %parallel_loop3A_339] {strides = array<i32>} : memref<32x512xf32, #tpu.memory_space<vmem>>, vector<1x16xf32>,
      %parallel_loop3A_341 = vector.shape_cast %parallel_loop3A_340 : vector<1x16xf32> to vector<16xf32>
      %parallel_loop3A_342 = vector.shape_cast %parallel_loop3A_337 : vector<16xf32> to vector<1x16xf32>
      tpu.vector_store %arg8[%parallel_loop3A_338, %parallel_loop3A_339], %parallel_loop3A_342 {add = true, strides = array<i32>} : memref<32x512xf32, #tpu.memory_space<vmem>>, vector<1x16xf32>,
      %parallel_loop3A_343 = arith.constant 96 : i32
      %parallel_loop3A_344 = arith.addi %parallel_loop3A_343, %parallel_loop3A_122 : i32
      %parallel_loop3A_345 = arith.index_cast %parallel_loop3A_344 : i32 to index
      %parallel_loop3A_346 = arith.constant 320 : index
      %parallel_loop3A_347 = tpu.vector_load %arg7[%parallel_loop3A_345, %parallel_loop3A_346] {strides = array<i32>} : memref<128x512xf32, #tpu.memory_space<vmem>>, vector<1x16xf32>,
      %parallel_loop3A_348 = vector.shape_cast %parallel_loop3A_347 : vector<1x16xf32> to vector<16xf32>
      %parallel_loop3A_349 = arith.index_cast %parallel_loop3A_122 : i32 to index
      %parallel_loop3A_350 = arith.constant 320 : index
      %parallel_loop3A_351 = tpu.vector_load %arg8[%parallel_loop3A_349, %parallel_loop3A_350] {strides = array<i32>} : memref<32x512xf32, #tpu.memory_space<vmem>>, vector<1x16xf32>,
      %parallel_loop3A_352 = vector.shape_cast %parallel_loop3A_351 : vector<1x16xf32> to vector<16xf32>
      %parallel_loop3A_353 = vector.shape_cast %parallel_loop3A_348 : vector<16xf32> to vector<1x16xf32>
      tpu.vector_store %arg8[%parallel_loop3A_349, %parallel_loop3A_350], %parallel_loop3A_353 {add = true, strides = array<i32>} : memref<32x512xf32, #tpu.memory_space<vmem>>, vector<1x16xf32>,
      %parallel_loop3A_354 = arith.constant 96 : i32
      %parallel_loop3A_355 = arith.addi %parallel_loop3A_354, %parallel_loop3A_122 : i32
      %parallel_loop3A_356 = arith.index_cast %parallel_loop3A_355 : i32 to index
      %parallel_loop3A_357 = arith.constant 336 : index
      %parallel_loop3A_358 = tpu.vector_load %arg7[%parallel_loop3A_356, %parallel_loop3A_357] {strides = array<i32>} : memref<128x512xf32, #tpu.memory_space<vmem>>, vector<1x16xf32>,
      %parallel_loop3A_359 = vector.shape_cast %parallel_loop3A_358 : vector<1x16xf32> to vector<16xf32>
      %parallel_loop3A_360 = arith.index_cast %parallel_loop3A_122 : i32 to index
      %parallel_loop3A_361 = arith.constant 336 : index
      %parallel_loop3A_362 = tpu.vector_load %arg8[%parallel_loop3A_360, %parallel_loop3A_361] {strides = array<i32>} : memref<32x512xf32, #tpu.memory_space<vmem>>, vector<1x16xf32>,
      %parallel_loop3A_363 = vector.shape_cast %parallel_loop3A_362 : vector<1x16xf32> to vector<16xf32>
      %parallel_loop3A_364 = vector.shape_cast %parallel_loop3A_359 : vector<16xf32> to vector<1x16xf32>
      tpu.vector_store %arg8[%parallel_loop3A_360, %parallel_loop3A_361], %parallel_loop3A_364 {add = true, strides = array<i32>} : memref<32x512xf32, #tpu.memory_space<vmem>>, vector<1x16xf32>,
      %parallel_loop3A_365 = arith.constant 96 : i32
      %parallel_loop3A_366 = arith.addi %parallel_loop3A_365, %parallel_loop3A_122 : i32
      %parallel_loop3A_367 = arith.index_cast %parallel_loop3A_366 : i32 to index
      %parallel_loop3A_368 = arith.constant 352 : index
      %parallel_loop3A_369 = tpu.vector_load %arg7[%parallel_loop3A_367, %parallel_loop3A_368] {strides = array<i32>} : memref<128x512xf32, #tpu.memory_space<vmem>>, vector<1x16xf32>,
      %parallel_loop3A_370 = vector.shape_cast %parallel_loop3A_369 : vector<1x16xf32> to vector<16xf32>
      %parallel_loop3A_371 = arith.index_cast %parallel_loop3A_122 : i32 to index
      %parallel_loop3A_372 = arith.constant 352 : index
      %parallel_loop3A_373 = tpu.vector_load %arg8[%parallel_loop3A_371, %parallel_loop3A_372] {strides = array<i32>} : memref<32x512xf32, #tpu.memory_space<vmem>>, vector<1x16xf32>,
      %parallel_loop3A_374 = vector.shape_cast %parallel_loop3A_373 : vector<1x16xf32> to vector<16xf32>
      %parallel_loop3A_375 = vector.shape_cast %parallel_loop3A_370 : vector<16xf32> to vector<1x16xf32>
      tpu.vector_store %arg8[%parallel_loop3A_371, %parallel_loop3A_372], %parallel_loop3A_375 {add = true, strides = array<i32>} : memref<32x512xf32, #tpu.memory_space<vmem>>, vector<1x16xf32>,
      %parallel_loop3A_376 = arith.constant 96 : i32
      %parallel_loop3A_377 = arith.addi %parallel_loop3A_376, %parallel_loop3A_122 : i32
      %parallel_loop3A_378 = arith.index_cast %parallel_loop3A_377 : i32 to index
      %parallel_loop3A_379 = arith.constant 368 : index
      %parallel_loop3A_380 = tpu.vector_load %arg7[%parallel_loop3A_378, %parallel_loop3A_379] {strides = array<i32>} : memref<128x512xf32, #tpu.memory_space<vmem>>, vector<1x16xf32>,
      %parallel_loop3A_381 = vector.shape_cast %parallel_loop3A_380 : vector<1x16xf32> to vector<16xf32>
      %parallel_loop3A_382 = arith.index_cast %parallel_loop3A_122 : i32 to index
      %parallel_loop3A_383 = arith.constant 368 : index
      %parallel_loop3A_384 = tpu.vector_load %arg8[%parallel_loop3A_382, %parallel_loop3A_383] {strides = array<i32>} : memref<32x512xf32, #tpu.memory_space<vmem>>, vector<1x16xf32>,
      %parallel_loop3A_385 = vector.shape_cast %parallel_loop3A_384 : vector<1x16xf32> to vector<16xf32>
      %parallel_loop3A_386 = vector.shape_cast %parallel_loop3A_381 : vector<16xf32> to vector<1x16xf32>
      tpu.vector_store %arg8[%parallel_loop3A_382, %parallel_loop3A_383], %parallel_loop3A_386 {add = true, strides = array<i32>} : memref<32x512xf32, #tpu.memory_space<vmem>>, vector<1x16xf32>,
      %parallel_loop3A_387 = arith.constant 96 : i32
      %parallel_loop3A_388 = arith.addi %parallel_loop3A_387, %parallel_loop3A_122 : i32
      %parallel_loop3A_389 = arith.index_cast %parallel_loop3A_388 : i32 to index
      %parallel_loop3A_390 = arith.constant 384 : index
      %parallel_loop3A_391 = tpu.vector_load %arg7[%parallel_loop3A_389, %parallel_loop3A_390] {strides = array<i32>} : memref<128x512xf32, #tpu.memory_space<vmem>>, vector<1x16xf32>,
      %parallel_loop3A_392 = vector.shape_cast %parallel_loop3A_391 : vector<1x16xf32> to vector<16xf32>
      %parallel_loop3A_393 = arith.index_cast %parallel_loop3A_122 : i32 to index
      %parallel_loop3A_394 = arith.constant 384 : index
      %parallel_loop3A_395 = tpu.vector_load %arg8[%parallel_loop3A_393, %parallel_loop3A_394] {strides = array<i32>} : memref<32x512xf32, #tpu.memory_space<vmem>>, vector<1x16xf32>,
      %parallel_loop3A_396 = vector.shape_cast %parallel_loop3A_395 : vector<1x16xf32> to vector<16xf32>
      %parallel_loop3A_397 = vector.shape_cast %parallel_loop3A_392 : vector<16xf32> to vector<1x16xf32>
      tpu.vector_store %arg8[%parallel_loop3A_393, %parallel_loop3A_394], %parallel_loop3A_397 {add = true, strides = array<i32>} : memref<32x512xf32, #tpu.memory_space<vmem>>, vector<1x16xf32>,
      %parallel_loop3A_398 = arith.constant 96 : i32
      %parallel_loop3A_399 = arith.addi %parallel_loop3A_398, %parallel_loop3A_122 : i32
      %parallel_loop3A_400 = arith.index_cast %parallel_loop3A_399 : i32 to index
      %parallel_loop3A_401 = arith.constant 400 : index
      %parallel_loop3A_402 = tpu.vector_load %arg7[%parallel_loop3A_400, %parallel_loop3A_401] {strides = array<i32>} : memref<128x512xf32, #tpu.memory_space<vmem>>, vector<1x16xf32>,
      %parallel_loop3A_403 = vector.shape_cast %parallel_loop3A_402 : vector<1x16xf32> to vector<16xf32>
      %parallel_loop3A_404 = arith.index_cast %parallel_loop3A_122 : i32 to index
      %parallel_loop3A_405 = arith.constant 400 : index
      %parallel_loop3A_406 = tpu.vector_load %arg8[%parallel_loop3A_404, %parallel_loop3A_405] {strides = array<i32>} : memref<32x512xf32, #tpu.memory_space<vmem>>, vector<1x16xf32>,
      %parallel_loop3A_407 = vector.shape_cast %parallel_loop3A_406 : vector<1x16xf32> to vector<16xf32>
      %parallel_loop3A_408 = vector.shape_cast %parallel_loop3A_403 : vector<16xf32> to vector<1x16xf32>
      tpu.vector_store %arg8[%parallel_loop3A_404, %parallel_loop3A_405], %parallel_loop3A_408 {add = true, strides = array<i32>} : memref<32x512xf32, #tpu.memory_space<vmem>>, vector<1x16xf32>,
      %parallel_loop3A_409 = arith.constant 96 : i32
      %parallel_loop3A_410 = arith.addi %parallel_loop3A_409, %parallel_loop3A_122 : i32
      %parallel_loop3A_411 = arith.index_cast %parallel_loop3A_410 : i32 to index
      %parallel_loop3A_412 = arith.constant 416 : index
      %parallel_loop3A_413 = tpu.vector_load %arg7[%parallel_loop3A_411, %parallel_loop3A_412] {strides = array<i32>} : memref<128x512xf32, #tpu.memory_space<vmem>>, vector<1x16xf32>,
      %parallel_loop3A_414 = vector.shape_cast %parallel_loop3A_413 : vector<1x16xf32> to vector<16xf32>
      %parallel_loop3A_415 = arith.index_cast %parallel_loop3A_122 : i32 to index
      %parallel_loop3A_416 = arith.constant 416 : index
      %parallel_loop3A_417 = tpu.vector_load %arg8[%parallel_loop3A_415, %parallel_loop3A_416] {strides = array<i32>} : memref<32x512xf32, #tpu.memory_space<vmem>>, vector<1x16xf32>,
      %parallel_loop3A_418 = vector.shape_cast %parallel_loop3A_417 : vector<1x16xf32> to vector<16xf32>
      %parallel_loop3A_419 = vector.shape_cast %parallel_loop3A_414 : vector<16xf32> to vector<1x16xf32>
      tpu.vector_store %arg8[%parallel_loop3A_415, %parallel_loop3A_416], %parallel_loop3A_419 {add = true, strides = array<i32>} : memref<32x512xf32, #tpu.memory_space<vmem>>, vector<1x16xf32>,
      %parallel_loop3A_420 = arith.constant 96 : i32
      %parallel_loop3A_421 = arith.addi %parallel_loop3A_420, %parallel_loop3A_122 : i32
      %parallel_loop3A_422 = arith.index_cast %parallel_loop3A_421 : i32 to index
      %parallel_loop3A_423 = arith.constant 432 : index
      %parallel_loop3A_424 = tpu.vector_load %arg7[%parallel_loop3A_422, %parallel_loop3A_423] {strides = array<i32>} : memref<128x512xf32, #tpu.memory_space<vmem>>, vector<1x16xf32>,
      %parallel_loop3A_425 = vector.shape_cast %parallel_loop3A_424 : vector<1x16xf32> to vector<16xf32>
      %parallel_loop3A_426 = arith.index_cast %parallel_loop3A_122 : i32 to index
      %parallel_loop3A_427 = arith.constant 432 : index
      %parallel_loop3A_428 = tpu.vector_load %arg8[%parallel_loop3A_426, %parallel_loop3A_427] {strides = array<i32>} : memref<32x512xf32, #tpu.memory_space<vmem>>, vector<1x16xf32>,
      %parallel_loop3A_429 = vector.shape_cast %parallel_loop3A_428 : vector<1x16xf32> to vector<16xf32>
      %parallel_loop3A_430 = vector.shape_cast %parallel_loop3A_425 : vector<16xf32> to vector<1x16xf32>
      tpu.vector_store %arg8[%parallel_loop3A_426, %parallel_loop3A_427], %parallel_loop3A_430 {add = true, strides = array<i32>} : memref<32x512xf32, #tpu.memory_space<vmem>>, vector<1x16xf32>,
      %parallel_loop3A_431 = arith.constant 96 : i32
      %parallel_loop3A_432 = arith.addi %parallel_loop3A_431, %parallel_loop3A_122 : i32
      %parallel_loop3A_433 = arith.index_cast %parallel_loop3A_432 : i32 to index
      %parallel_loop3A_434 = arith.constant 448 : index
      %parallel_loop3A_435 = tpu.vector_load %arg7[%parallel_loop3A_433, %parallel_loop3A_434] {strides = array<i32>} : memref<128x512xf32, #tpu.memory_space<vmem>>, vector<1x16xf32>,
      %parallel_loop3A_436 = vector.shape_cast %parallel_loop3A_435 : vector<1x16xf32> to vector<16xf32>
      %parallel_loop3A_437 = arith.index_cast %parallel_loop3A_122 : i32 to index
      %parallel_loop3A_438 = arith.constant 448 : index
      %parallel_loop3A_439 = tpu.vector_load %arg8[%parallel_loop3A_437, %parallel_loop3A_438] {strides = array<i32>} : memref<32x512xf32, #tpu.memory_space<vmem>>, vector<1x16xf32>,
      %parallel_loop3A_440 = vector.shape_cast %parallel_loop3A_439 : vector<1x16xf32> to vector<16xf32>
      %parallel_loop3A_441 = vector.shape_cast %parallel_loop3A_436 : vector<16xf32> to vector<1x16xf32>
      tpu.vector_store %arg8[%parallel_loop3A_437, %parallel_loop3A_438], %parallel_loop3A_441 {add = true, strides = array<i32>} : memref<32x512xf32, #tpu.memory_space<vmem>>, vector<1x16xf32>,
      %parallel_loop3A_442 = arith.constant 96 : i32
      %parallel_loop3A_443 = arith.addi %parallel_loop3A_442, %parallel_loop3A_122 : i32
      %parallel_loop3A_444 = arith.index_cast %parallel_loop3A_443 : i32 to index
      %parallel_loop3A_445 = arith.constant 464 : index
      %parallel_loop3A_446 = tpu.vector_load %arg7[%parallel_loop3A_444, %parallel_loop3A_445] {strides = array<i32>} : memref<128x512xf32, #tpu.memory_space<vmem>>, vector<1x16xf32>,
      %parallel_loop3A_447 = vector.shape_cast %parallel_loop3A_446 : vector<1x16xf32> to vector<16xf32>
      %parallel_loop3A_448 = arith.index_cast %parallel_loop3A_122 : i32 to index
      %parallel_loop3A_449 = arith.constant 464 : index
      %parallel_loop3A_450 = tpu.vector_load %arg8[%parallel_loop3A_448, %parallel_loop3A_449] {strides = array<i32>} : memref<32x512xf32, #tpu.memory_space<vmem>>, vector<1x16xf32>,
      %parallel_loop3A_451 = vector.shape_cast %parallel_loop3A_450 : vector<1x16xf32> to vector<16xf32>
      %parallel_loop3A_452 = vector.shape_cast %parallel_loop3A_447 : vector<16xf32> to vector<1x16xf32>
      tpu.vector_store %arg8[%parallel_loop3A_448, %parallel_loop3A_449], %parallel_loop3A_452 {add = true, strides = array<i32>} : memref<32x512xf32, #tpu.memory_space<vmem>>, vector<1x16xf32>,
      %parallel_loop3A_453 = arith.constant 96 : i32
      %parallel_loop3A_454 = arith.addi %parallel_loop3A_453, %parallel_loop3A_122 : i32
      %parallel_loop3A_455 = arith.index_cast %parallel_loop3A_454 : i32 to index
      %parallel_loop3A_456 = arith.constant 480 : index
      %parallel_loop3A_457 = tpu.vector_load %arg7[%parallel_loop3A_455, %parallel_loop3A_456] {strides = array<i32>} : memref<128x512xf32, #tpu.memory_space<vmem>>, vector<1x16xf32>,
      %parallel_loop3A_458 = vector.shape_cast %parallel_loop3A_457 : vector<1x16xf32> to vector<16xf32>
      %parallel_loop3A_459 = arith.index_cast %parallel_loop3A_122 : i32 to index
      %parallel_loop3A_460 = arith.constant 480 : index
      %parallel_loop3A_461 = tpu.vector_load %arg8[%parallel_loop3A_459, %parallel_loop3A_460] {strides = array<i32>} : memref<32x512xf32, #tpu.memory_space<vmem>>, vector<1x16xf32>,
      %parallel_loop3A_462 = vector.shape_cast %parallel_loop3A_461 : vector<1x16xf32> to vector<16xf32>
      %parallel_loop3A_463 = vector.shape_cast %parallel_loop3A_458 : vector<16xf32> to vector<1x16xf32>
      tpu.vector_store %arg8[%parallel_loop3A_459, %parallel_loop3A_460], %parallel_loop3A_463 {add = true, strides = array<i32>} : memref<32x512xf32, #tpu.memory_space<vmem>>, vector<1x16xf32>,
      %parallel_loop3A_464 = arith.constant 96 : i32
      %parallel_loop3A_465 = arith.addi %parallel_loop3A_464, %parallel_loop3A_122 : i32
      %parallel_loop3A_466 = arith.index_cast %parallel_loop3A_465 : i32 to index
      %parallel_loop3A_467 = arith.constant 496 : index
      %parallel_loop3A_468 = tpu.vector_load %arg7[%parallel_loop3A_466, %parallel_loop3A_467] {strides = array<i32>} : memref<128x512xf32, #tpu.memory_space<vmem>>, vector<1x16xf32>,
      %parallel_loop3A_469 = vector.shape_cast %parallel_loop3A_468 : vector<1x16xf32> to vector<16xf32>
      %parallel_loop3A_470 = arith.index_cast %parallel_loop3A_122 : i32 to index
      %parallel_loop3A_471 = arith.constant 496 : index
      %parallel_loop3A_472 = tpu.vector_load %arg8[%parallel_loop3A_470, %parallel_loop3A_471] {strides = array<i32>} : memref<32x512xf32, #tpu.memory_space<vmem>>, vector<1x16xf32>,
      %parallel_loop3A_473 = vector.shape_cast %parallel_loop3A_472 : vector<1x16xf32> to vector<16xf32>
      %parallel_loop3A_474 = vector.shape_cast %parallel_loop3A_469 : vector<16xf32> to vector<1x16xf32>
      tpu.vector_store %arg8[%parallel_loop3A_470, %parallel_loop3A_471], %parallel_loop3A_474 {add = true, strides = array<i32>} : memref<32x512xf32, #tpu.memory_space<vmem>>, vector<1x16xf32>,
    } {sc.loop_unroll_factor = 1 : i64, sc.parallel_access}
    %add3A_102 = arith.constant 0 : i32
    %add3A_103 = arith.addi %add3A_102, %mul3A_0 : i32
    %add3A_104 = arith.constant 96 : i32
    %add3A_105 = arith.addi %add3A_103, %add3A_104 : i32
    %dma_start3A_106 = arith.constant 0 : i32
    %dma_start3A_107 = tpu.memref_slice %arg5[%add3A_105, %dma_start3A_106] : memref<2048x512xf32, #tpu.memory_space<hbm>> -> memref<32x512xf32, #tpu.memory_space<hbm>>
    %dma_start3A_108 = arith.constant 0 : i32
    %dma_start3A_109 = tpu.memref_slice %arg5[%add3A_105, %dma_start3A_108] : memref<2048x512xf32, #tpu.memory_space<hbm>> -> memref<32x512xf32, #tpu.memory_space<hbm>>
    tpu.enqueue_dma source(%arg8 : memref<32x512xf32, #tpu.memory_space<vmem>>) target(%dma_start3A_109 : memref<32x512xf32, #tpu.memory_space<hbm>>) target_semaphore(%arg15 : memref<!tpu.dma_semaphore, #tpu.memory_space<semaphore_mem>>)
    %dma_wait3A_110 = arith.constant 0 : i32
    %dma_wait3A_111 = tpu.memref_slice %arg5[%add3A_58, %dma_wait3A_110] : memref<2048x512xf32, #tpu.memory_space<hbm>> -> memref<32x512xf32, #tpu.memory_space<hbm>>
    %dma_wait3A_112 = arith.constant 0 : i32
    %dma_wait3A_113 = tpu.memref_slice %arg5[%add3A_58, %dma_wait3A_112] : memref<2048x512xf32, #tpu.memory_space<hbm>> -> memref<32x512xf32, #tpu.memory_space<hbm>>
    tpu.wait_dma2 semaphore(%arg16 : memref<!tpu.dma_semaphore, #tpu.memory_space<semaphore_mem>>) src(%arg9 : memref<32x512xf32, #tpu.memory_space<vmem>>) dst(%dma_wait3A_113 : memref<32x512xf32, #tpu.memory_space<hbm>>)
    %dma_wait3A_114 = arith.constant 0 : i32
    %dma_wait3A_115 = tpu.memref_slice %arg5[%add3A_87, %dma_wait3A_114] : memref<2048x512xf32, #tpu.memory_space<hbm>> -> memref<32x512xf32, #tpu.memory_space<hbm>>
    %dma_wait3A_116 = arith.constant 0 : i32
    %dma_wait3A_117 = tpu.memref_slice %arg5[%add3A_87, %dma_wait3A_116] : memref<2048x512xf32, #tpu.memory_space<hbm>> -> memref<32x512xf32, #tpu.memory_space<hbm>>
    tpu.wait_dma2 semaphore(%arg17 : memref<!tpu.dma_semaphore, #tpu.memory_space<semaphore_mem>>) src(%arg10 : memref<32x512xf32, #tpu.memory_space<vmem>>) dst(%dma_wait3A_117 : memref<32x512xf32, #tpu.memory_space<hbm>>)
    %dma_wait3A_118 = arith.constant 0 : i32
    %dma_wait3A_119 = tpu.memref_slice %arg5[%add3A_105, %dma_wait3A_118] : memref<2048x512xf32, #tpu.memory_space<hbm>> -> memref<32x512xf32, #tpu.memory_space<hbm>>
    %dma_wait3A_120 = arith.constant 0 : i32
    %dma_wait3A_121 = tpu.memref_slice %arg5[%add3A_105, %dma_wait3A_120] : memref<2048x512xf32, #tpu.memory_space<hbm>> -> memref<32x512xf32, #tpu.memory_space<hbm>>
    tpu.wait_dma2 semaphore(%arg15 : memref<!tpu.dma_semaphore, #tpu.memory_space<semaphore_mem>>) src(%arg8 : memref<32x512xf32, #tpu.memory_space<vmem>>) dst(%dma_wait3A_121 : memref<32x512xf32, #tpu.memory_space<hbm>>)
    return
  }
}

module attributes {stable_mosaic.version = 14 : i64} {
  func.func @_inj_body(%arg0: i32, %arg1: memref<1x8x128xf32, #tpu.memory_space<vmem>>, %arg2: memref<1024x512xf32, #tpu.memory_space<vmem>>, %arg3: memref<1x1024x512xf32, #tpu.memory_space<vmem>>) attributes {dimension_semantics = [#tpu.dimension_semantics<arbitrary>], iteration_bounds = array<i64: 2>, scalar_prefetch = 0 : i64, scratch_operands = 0 : i64, tpu.core_type = #tpu.core_type<tc>, window_params = [{transform_indices = @transform_0, window_bounds = array<i64: 1, 8, 128>}, {transform_indices = @transform_1, window_bounds = array<i64: 1024, 512>}, {transform_indices = @transform_2, window_bounds = array<i64: 1, 1024, 512>}]} {
    %get3A = arith.constant 0 : index
    %get3A_0 = arith.constant 0 : index
    %get3A_1 = vector.load %arg2[%get3A, %get3A_0] : memref<1024x512xf32, #tpu.memory_space<vmem>>, vector<1024x512xf32>
    %swap3A = arith.constant 0 : index
    %swap3A_2 = arith.constant 0 : index
    %swap3A_3 = arith.constant 0 : index
    %swap3A_4 = vector.load %arg3[%swap3A, %swap3A_2, %swap3A_3] : memref<1x1024x512xf32, #tpu.memory_space<vmem>>, vector<1x1024x512xf32>
    %swap3A_5 = vector.shape_cast %swap3A_4 : vector<1x1024x512xf32> to vector<1024x512xf32>
    %swap3A_6 = vector.shape_cast %get3A_1 : vector<1024x512xf32> to vector<1x1024x512xf32>
    tpu.vector_store %arg3[%swap3A, %swap3A_2, %swap3A_3], %swap3A_6 {strides = array<i32>} : memref<1x1024x512xf32, #tpu.memory_space<vmem>>, vector<1x1024x512xf32>,
    return
  }
  func.func @transform_0(%arg0: i32) -> (i32, i32, i32) {
    %c0_i32 = arith.constant 0 : i32
    %c0_i32_0 = arith.constant 0 : i32
    %c0_i32_1 = arith.constant 0 : i32
    %c0_i32_2 = arith.constant 0 : i32
    return %c0_i32, %c0_i32_0, %c0_i32_1 : i32, i32, i32
  }
  func.func @transform_1(%arg0: i32) -> (i32, i32) {
    %c0_i32 = arith.constant 0 : i32
    %c0_i32_0 = arith.constant 0 : i32
    return %arg0, %c0_i32 : i32, i32
  }
  func.func @transform_2(%arg0: i32) -> (i32, i32, i32) {
    %c0_i32 = arith.constant 0 : i32
    %c0_i32_0 = arith.constant 0 : i32
    %c0_i32_1 = arith.constant 0 : i32
    return %c0_i32, %arg0, %c0_i32_0 : i32, i32, i32
  }
}

module attributes {stable_mosaic.version = 14 : i64} {
  func.func @_tc_body(%arg0: i32, %arg1: i32, %arg2: memref<3x2048xi32, #tpu.memory_space<vmem>>, %arg3: memref<256x512xbf16, #tpu.memory_space<vmem>>, %arg4: memref<1024x512xf32, #tpu.memory_space<vmem>>, %arg5: memref<1x1024x512xf32, #tpu.memory_space<vmem>>) attributes {dimension_semantics = [#tpu.dimension_semantics<arbitrary>, #tpu.dimension_semantics<arbitrary>], iteration_bounds = array<i64: 2, 3>, scalar_prefetch = 0 : i64, scratch_operands = 0 : i64, tpu.core_type = #tpu.core_type<tc>, window_params = [{pipeline_mode = #tpu.pipeline_mode<synchronous>, transform_indices = @transform_0, window_bounds = array<i64: 3, 2048>}, {pipeline_mode = #tpu.pipeline_mode<synchronous>, transform_indices = @transform_1, window_bounds = array<i64: 256, 512>}, {transform_indices = @transform_2, window_bounds = array<i64: 1024, 512>}, {transform_indices = @transform_3, window_bounds = array<i64: 1, 1024, 512>}]} {
    %mul3A = arith.constant 1024 : i32
    %mul3A_0 = arith.muli %arg0, %mul3A : i32
    %get3A = arith.index_cast %arg1 : i32 to index
    %get3A_1 = arith.index_cast %mul3A_0 : i32 to index
    %get3A_2 = vector.load %arg2[%get3A, %get3A_1] : memref<3x2048xi32, #tpu.memory_space<vmem>>, vector<1x1024xi32>
    %get3A_3 = vector.shape_cast %get3A_2 : vector<1x1024xi32> to vector<1024xi32>
    %broadcast_in_dim3A = vector.shape_cast %get3A_3 : vector<1024xi32> to vector<1024x1xi32>
    %iota3A = tpu.iota {dimensions = array<i32: 1>} : vector<1024x256xi32>
    %eq3A = vector.broadcast %broadcast_in_dim3A : vector<1024x1xi32> to vector<1024x256xi32>
    %eq3A_4 = arith.cmpi eq, %eq3A, %iota3A : vector<1024x256xi32>
    %convert_element_type3A = arith.extui %eq3A_4 : vector<1024x256xi1> to vector<1024x256xi32>
    %convert_element_type3A_5 = arith.sitofp %convert_element_type3A : vector<1024x256xi32> to vector<1024x256xf32>
    %convert_element_type3A_6 = arith.truncf %convert_element_type3A_5 : vector<1024x256xf32> to vector<1024x256xbf16>
    %get3A_7 = arith.constant 0 : index
    %get3A_8 = arith.constant 0 : index
    %get3A_9 = vector.load %arg3[%get3A_7, %get3A_8] : memref<256x512xbf16, #tpu.memory_space<vmem>>, vector<256x512xbf16>
    %dot_general3A = arith.constant dense<0.000000e+00> : vector<1024x512xf32>
    %dot_general3A_10 = tpu.matmul %convert_element_type3A_6, %get3A_9, %dot_general3A {dimension_numbers = #tpu.dot_dimension_numbers<[1], [0], [0], [1], [0, 0, 1, 1], [], []>, transpose_lhs_hint = false} : vector<1024x256xbf16>, vector<256x512xbf16>, vector<1024x512xf32> -> vector<1024x512xf32>
    %get3A_11 = arith.constant 0 : index
    %get3A_12 = arith.constant 0 : index
    %get3A_13 = vector.load %arg4[%get3A_11, %get3A_12] : memref<1024x512xf32, #tpu.memory_space<vmem>>, vector<1024x512xf32>
    %add3A = arith.addf %dot_general3A_10, %get3A_13 : vector<1024x512xf32>
    %swap3A = arith.constant 0 : index
    %swap3A_14 = arith.constant 0 : index
    %swap3A_15 = arith.constant 0 : index
    %swap3A_16 = vector.load %arg5[%swap3A, %swap3A_14, %swap3A_15] : memref<1x1024x512xf32, #tpu.memory_space<vmem>>, vector<1x1024x512xf32>
    %swap3A_17 = vector.shape_cast %swap3A_16 : vector<1x1024x512xf32> to vector<1024x512xf32>
    %swap3A_18 = vector.shape_cast %add3A : vector<1024x512xf32> to vector<1x1024x512xf32>
    tpu.vector_store %arg5[%swap3A, %swap3A_14, %swap3A_15], %swap3A_18 {strides = array<i32>} : memref<1x1024x512xf32, #tpu.memory_space<vmem>>, vector<1x1024x512xf32>,
    return
  }
  func.func @transform_0(%arg0: i32, %arg1: i32) -> (i32, i32) {
    %c0_i32 = arith.constant 0 : i32
    %c0_i32_0 = arith.constant 0 : i32
    %c0_i32_1 = arith.constant 0 : i32
    return %c0_i32, %c0_i32_0 : i32, i32
  }
  func.func @transform_1(%arg0: i32, %arg1: i32) -> (i32, i32) {
    %c0_i32 = arith.constant 0 : i32
    %c0_i32_0 = arith.constant 0 : i32
    %c0_i32_1 = arith.constant 0 : i32
    return %c0_i32, %c0_i32_0 : i32, i32
  }
  func.func @transform_2(%arg0: i32, %arg1: i32) -> (i32, i32) {
    %c0_i32 = arith.constant 0 : i32
    %c0_i32_0 = arith.constant 0 : i32
    return %arg0, %c0_i32 : i32, i32
  }
  func.func @transform_3(%arg0: i32, %arg1: i32) -> (i32, i32, i32) {
    %add3A = arith.constant 1 : i32
    %add3A_0 = arith.addi %add3A, %arg1 : i32
    %c0_i32 = arith.constant 0 : i32
    %c0_i32_1 = arith.constant 0 : i32
    return %add3A_0, %arg0, %c0_i32 : i32, i32, i32
  }
}

</mosaic_0001>

<sc_bundles>
// kernel: _patch_embed.5.cloned.1.call-start
scs
__scs_entry_jumppad:
0x0: {  	(pc) =	sbr.rel $0x88, $3  }
0x1: {  	(tag) =	ssettag $0x0;
	lr =	simm.s32 $0x1  }
0x2: {  	[smem:$0x3F9E] =	sst lr;
	_ =	strace $0xD0000000  }
0x3: {  	_ = 	snop  }
0x4: {  	_ = 	snop  }
0x5: {  	_ = 	snop  }
0x6: {  	_ = 	snop  }
0x7: {  	_ = 	snop  }
__scs_overlays_trampoline_lowered:
0x8: {  	[smem:$0x3FAD] =	sst s0  }
0x9: {  	[smem:$0x3FAE] =	sst s1  }
0xa: {  	[smem:$0x3FAF] =	sst s2  }
0xb: {  	[smem:$0x3FB0] =	sst s3  }
0xc: {  	[smem:$0x3FB1] =	sst s4  }
0xd: {  	[smem:$0x3FB2] =	sst s5  }
0xe: {  	[smem:$0x3FB3] =	sst s6  }
0xf: {  	[smem:$0x3FB4] =	sst s7  }
0x10: {  	[smem:$0x3FB5] =	sst s8  }
0x11: {  	[smem:$0x3FB6] =	sst s9;
	s0 =	simm.s32 @!p0 $0x0  }
0x12: {  	s1 =	sld [smem:$0x3F9C];
	s0 =	simm.s32 @p0 $0x1  }
0x13: {  	[smem:$0x3FB7] =	sst s0;
	s0 =	simm.s32 @!p1 $0x0  }
0x14: {  	s2 =	sld [smem:$0x3F9B];
	s0 =	simm.s32 @p1 $0x1  }
0x15: {  	[smem:$0x3FB8] =	sst s0;
	s0 =	simm.s32 @!p2 $0x0  }
0x16: {  	s3 =	sld [smem:$0x3FDB];
	s0 =	simm.s32 @p2 $0x1  }
0x17: {  	s4 =	simm.s32 $0x1BF5;
	[smem:$0x3FBA] =	sst s0  }
0x18: {  	s0 =	sld [smem:$0x3F9D];
	_ =	swait.ge [sflag:s4], $0x0  }
0x19: {  	s7 =	sld [smem:$0x3F9E]  }
0x1a: {  	s8 =	sadd.s32 $0xFFFFE003, lr  }
0x1b: {  	s9 =	sadd.s32 $0xFFFFFEF7, lr;
	s5 =	simm.s32 $0xFFFFFFFF;
	p2 =	slt.u32 s8, $0xFFFFF086  }
0x1c: {  	p1 =	slt.u32 s9, $0xF7A;
	s5 =	simm.s32 @!p2 $0x0  }
0x1d: {  	s5 =	simm.s32 @p1 $0x1;
	p0 =	seq.s32 s7, s2  }
0x1e: {  	s7 =	smul.u32 @!p0 $0xF7A, s2;
	p2 =	seq.s32 @!p0 s5, $0x0  }
0x1f: {  	s9 =	smul.u32 $0xF7A, s1;
	s8 =	simm.s32 @!p0 $0x1BF5;
	p2 =	por !p2, p0  }
0x20: {  	[sflag:s8] =	ssyncset.s32 @!p0 $0xFFFFF086;
	s6 =	sadd.s32 @!p0 s3, s7;
	s7 =	simm.s32 @!p0 $0x108  }
0x21: {  	s3 =	sadd.s32 s3, s9;
	s6 =	sadd.s32 @!p0 $0x88, s6;
	s7 =	simm.s32 @p2 $0x1082  }
0x22: {  	[simem:s7], [sflag:s8] =	dma.local @!p0 [hbm:s6], $0xF7A  }
0x23: {  	s9 =	sor.u32 $0xD0000000, s2;
	s6 =	simm.s32 $0x108;
	_ =	swait.ge @!p0 [sflag:s8], $0x0  }
0x24: {  	s3 =	sadd.s32 $0x88, s3;
	s6 =	simm.s32 @!p1 $0x1082;
	[sflag:s4] =	ssyncset.s32 $0xFFFFF086  }
0x25: {  	[simem:s6], [sflag:s4] =	dma.local [hbm:s3], $0xF7A  }
0x26: {  	[smem:$0x3F9E] =	sst s1;
	(tag) =	ssettag s2;
	_ =	strace s9  }
0x27: {  	s1 =	sld [smem:$0x3FAE]  }
0x28: {  	s2 =	sld [smem:$0x3FAF]  }
0x29: {  	s4 =	sld [smem:$0x3FB1]  }
0x2a: {  	p0 =	seq.s32 s5, $0x0;
	s5 =	sld [smem:$0x3FB2]  }
0x2b: {  	s6 =	sld [smem:$0x3FB3]  }
0x2c: {  	s7 =	sld [smem:$0x3FB4]  }
0x2d: {  	s3 =	simm.s32 $0x108;
	s8 =	sld [smem:$0x3FB5]  }
0x2e: {  	s3 =	simm.s32 @!p0 $0x1082;
	s9 =	sld [smem:$0x3FB6]  }
0x2f: {  	lr =	sadd.s32 s0, s3;
	s0 =	sld [smem:$0x3FAD]  }
0x30: {  	s3 =	sld [smem:$0x3FB0]  }
0x31: {  	[smem:$0x3FB9] =	sst s10  }
0x32: {  	s10 =	sld [smem:$0x3FB7];
	_ =	sdelay $0x3  }
0x33: {  	p0 =	seq.s32 s10, $0x1;
	s10 =	sld [smem:$0x3FB9];
	_ =	sdelay $0x3  }
0x34: {  	[smem:$0x3FB9] =	sst s10  }
0x35: {  	s10 =	sld [smem:$0x3FB8];
	_ =	sdelay $0x3  }
0x36: {  	p1 =	seq.s32 s10, $0x1;
	s10 =	sld [smem:$0x3FB9];
	_ =	sdelay $0x3  }
0x37: {  	[smem:$0x3FB9] =	sst s10  }
0x38: {  	s10 =	sld [smem:$0x3FBA]  }
0x39: {  	_ = 	snop;
	(pc) =	sbr.ind lr, $3  }
0x3a: {  	_ = 	snop  }
0x3b: {  	_ = 	snop  }
0x3c: {  	p2 =	seq.s32 s10, $0x1;
	s10 =	sld [smem:$0x3FB9]  }
0x3d: {  	_ =	shalt  }
0x3e: {  	_ =	shalt  }
0x3f: {  	_ =	shalt  }
0x40: {  	_ =	shalt  }
0x41: {  	_ =	shalt  }
0x42: {  	_ =	shalt  }
0x43: {  	_ =	shalt  }
0x44: {  	_ =	shalt  }
0x45: {  	_ =	shalt  }
0x46: {  	_ =	shalt  }
0x47: {  	_ =	shalt  }
0x48: {  	_ =	shalt  }
0x49: {  	_ =	shalt  }
0x4a: {  	_ =	shalt  }
0x4b: {  	_ =	shalt  }
0x4c: {  	_ =	shalt  }
0x4d: {  	_ =	shalt  }
0x4e: {  	_ =	shalt  }
0x4f: {  	_ =	shalt  }
0x50: {  	_ =	shalt  }
0x51: {  	_ =	shalt  }
0x52: {  	_ =	shalt  }
0x53: {  	_ =	shalt  }
0x54: {  	_ =	shalt  }
0x55: {  	_ =	shalt  }
0x56: {  	_ =	shalt  }
0x57: {  	_ =	shalt  }
0x58: {  	_ =	shalt  }
0x59: {  	_ =	shalt  }
0x5a: {  	_ =	shalt  }
0x5b: {  	_ =	shalt  }
0x5c: {  	_ =	shalt  }
0x5d: {  	_ =	shalt  }
0x5e: {  	_ =	shalt  }
0x5f: {  	_ =	shalt  }
0x60: {  	_ =	shalt  }
0x61: {  	_ =	shalt  }
0x62: {  	_ =	shalt  }
0x63: {  	_ =	shalt  }
0x64: {  	_ =	shalt  }
0x65: {  	_ =	shalt  }
0x66: {  	_ =	shalt  }
0x67: {  	_ =	shalt  }
0x68: {  	_ =	shalt  }
0x69: {  	_ =	shalt  }
0x6a: {  	_ =	shalt  }
0x6b: {  	_ =	shalt  }
0x6c: {  	_ =	shalt  }
0x6d: {  	_ =	shalt  }
0x6e: {  	_ =	shalt  }
0x6f: {  	_ =	shalt  }
0x70: {  	_ =	shalt  }
0x71: {  	_ =	shalt  }
0x72: {  	_ =	shalt  }
0x73: {  	_ =	shalt  }
0x74: {  	_ =	shalt  }
0x75: {  	_ =	shalt  }
0x76: {  	_ =	shalt  }
0x77: {  	_ =	shalt  }
0x78: {  	_ =	shalt  }
0x79: {  	_ =	shalt  }
0x7a: {  	_ =	shalt  }
0x7b: {  	_ =	shalt  }
0x7c: {  	_ =	shalt  }
0x7d: {  	_ =	shalt  }
0x7e: {  	_ =	shalt  }
0x7f: {  	_ =	shalt  }
0x80: {  	_ =	shalt  }
0x81: {  	_ =	shalt  }
0x82: {  	_ =	shalt  }
0x83: {  	_ =	shalt  }
0x84: {  	_ =	shalt  }
0x85: {  	_ =	shalt  }
0x86: {  	_ =	shalt  }
0x87: {  	_ =	shalt  }
.Lfunc_end0:
.L_simem_size_0:
called_computation_lowered:
.L_overlay_start_0:
0x88: {  	s0 =	sld [smem:$0x3FD9]  }
0x89: {  	s1 =	sld [smem:$0x3FFE];
	_ =	sdelay $0x3  }
0x8a: {  	s0 =	sadd.s32 s1, s0  }
0x8b: {  	[smem:$0x3FC5] =	sst s0  }
0x8c: {  	_ = 	snop  }
0x8d: {  	s0 =	sld [smem:$0x3FC9]  }
0x8e: {  	s17 =	sld [smem:$0x3FC8]  }
0x8f: {  	s2 =	sld [smem:$0x3FC7]  }
0x90: {  	s3 =	sld [smem:$0x3FD0];
	(tm) =	ssettm $0x1  }
0x91: {  	s4 =	sld [smem:$0x3FFB];
	_ =	sdelay $0x3  }
0x92: {  	_ =	strace s4  }
0x93: {  	s4 =	sld [smem:$0x3FFC];
	_ =	sdelay $0x3  }
0x94: {  	_ =	strace s4  }
0x95: {  	s4 =	sld [smem:$0x3FFD];
	_ =	sdelay $0x3  }
0x96: {  	_ =	strace s4  }
0x97: {  	_ =	strace $0x8FFFFFFF  }
0x98: {  	s18 =	sld [smem:$0x3FDB];
	_ =	sdelay $0x1  }
0x99: {  	s5 =	simm.s32 $_scs_section_size  }
0x9a: {  	s6 =	simm.s32 $_size__tile_overlayer_lowered;
	s7 =	simm.s32 $_tile_overlayer_lowered  }
0x9b: {  	s21 =	simm.s32 $0x1BFF;
	s20 =	sshll.u32 s7, $0x1;
	s4 =	sadd.s32 s5, s18  }
0x9c: {  	s8 =	simm.s32 $0x0;
	s19 =	sshll.u32 s6, $0x1;
	s6 =	sadd.s32 s20, s4  }
0x9d: {  	[timem:s8], [sflag:s21] =	dma.local [hbm:s6], s19  }
0x9e: {  	_ =	swait.ge [sflag:s21], s19  }
0x9f: {  	s5 =	ssub.s32 $0x0, s19;
	[sflag:s21] =	ssyncset.done $0x0  }
0xa0: {  	[sflag:s21] =	ssyncadd.s32 s5;
	_ =	sdelay $0x1  }
0xa1: {  	s22 =	simm.s32 $0x1B8B  }
0xa2: {  	_ =	swait.ge [sflag:s22], $0x1  }
0xa3: {  	[sflag:s22] =	ssyncset.done $0x0  }
0xa4: {  	s23 =	simm.s32 $0x1B8E;
	[sflag:s22] =	ssyncadd.s32 $0xFFFFFFFF  }
0xa5: {  	s24 =	simm.s32 $execute0_lowered;
	[smem:$0x3FD2] =	sst s23  }
0xa6: {  	s5 =	sshll.u32 s24, $0x1;
	_ =	strace $0x80000046;
	[dreg:$0x1] =	wrdreg $0xFFFFFFFF  }
0xa7: {  	s25 =	simm.s32 $_size_execute0_lowered;
	s4 =	sadd.s32 s4, s5;
	[dreg:$0x0] =	wrdreg $0x0  }
0xa8: {  	s5 =	sshll.u32 s25, $0x1;
	[dreg:$0x2] =	wrdreg s4  }
0xa9: {  	[dreg:$0x3] =	wrdreg s5  }
0xaa: {  	[dreg:$0x4] =	wrdreg $0xC0  }
0xab: {  	_ =	task [dreg:s8], $0x5FFFF  }
0xac: {  	[dreg:$0x1] =	wrdreg $0xFFFFFFFF  }
0xad: {  	[dreg:$0x0] =	wrdreg $0x60  }
0xae: {  	[dreg:$0x2] =	wrdreg s0  }
0xaf: {  	[dreg:$0x3] =	wrdreg s17  }
0xb0: {  	[dreg:$0x4] =	wrdreg s2  }
0xb1: {  	[dreg:$0x5] =	wrdreg s3  }
0xb2: {  	[dreg:$0x6] =	wrdreg $0x9  }
0xb3: {  	_ =	task.clear_ibuf [dreg:s8], $0x7FFFF;
	_ =	strace $0x90000046  }
0xb4: {  	s26 =	simm.s32 $0x9;
	_ =	strace $0x80000048  }
0xb5: {  	_ =	swait.ge [sflag:s26], $0x1  }
0xb6: {  	[sflag:s26] =	ssyncadd.s32 $0xFFFFFFFF  }
0xb7: {  	_ =	strace $0x90000048  }
0xb8: {  	_ =	sfence  }
0xb9: {  	s28 =	sld [smem:$0x0];
	_ =	sdelay $0x1  }
0xba: {  	s29 =	srdreg.scid  }
0xbb: {  	s30 =	sshll.u32 s29, $0xD;
	s31 =	sshrl.u32 s29, $0x2  }
0xbc: {  	s1 =	sand.u32 $0x1, s29;
	s2 =	sand.u32 $0x4000, s30;
	s0 =	sadd.s32 s31, s28  }
0xbd: {  	s1 =	sor.u32 s2, s1;
	s0 =	sshll.u32 s0, $0x11  }
0xbe: {  	s0 =	sor.u32 s0, s1  }
0xbf: {  	s0 =	sadd.s32 $0x8F2B, s0  }
0xc0: {  	[sflag:s0] =	ssyncadd.remote.s32 $0x1  }
0xc1: {  	_ =	sfence.sel $0xFFFF  }
0xc2: {  	[dreg:$0x0] =	wrdreg $0xFFFFFFFF;
	(pc) =	sbr.abs _section_cstart, $3  }
0xc3: {  	[dreg:$0x1] =	wrdreg $0xFFFFFFFF  }
0xc4: {  	_ =	task.clear_ibuf [dreg:s8], $0x2FFFF;
	_ =	strace $0x9FFFFFFF  }
0xc5: {  	(tm) =	ssettm $0x7FFFFFFF  }
tec
execute0_lowered:
.L_overlay_start_1:
0x0: {  	(tag) =	ssettag $0x1  }
0x1: {  	s3 =	rddreg [dreg:$0x0]  }
0x2: {  	s2 =	rddreg [dreg:$0x1]  }
0x3: {  	s7 =	rddreg [dreg:$0x2]  }
0x4: {  	s4 =	rddreg [dreg:$0x3]  }
0x5: {  	s0 =	rddreg [dreg:$0x4];
	s6 =	simm.s32 $0x0;
	s1 =	stileid.u32  }
0x6: {  	s9 =	simm.s32 $0x80;
	[smem:$0x7FF] =	sst s6;
	s5 =	sshll.u32 s1, $0xD  }
0x7: {  	s8 =	sshll.u32 s1, $0x6;
	_ =	strace $0x80000047;
	s7 =	sadd.s32 s7, s5  }
0x8: {  	[tilespmem:s9], [sflag:$0x1] =	stream.linear.gather [hbm4b:s7+s6], $0x10000, $0x38;
	[tilespmem:$0x1C080] =	vst v63  }
0x9: {  	s10 =	simm.s32 $0x8;
	s3 =	sadd.s32 s3, s8  }
0xa: {  	[tilespmem:s6], [sflag:$0x8] =	stream.linear.gather [hbm4b:s3+s6], $0x80, $0x38;
	[tilespmem:$0x1C080] =	vst v63  }
0xb: {  	_ =	swait.ge [sflag:s10], $0x80  }
0xc: {  	[sflag:s10] =	ssyncset.done $0x0  }
0xd: {  	[sflag:s10] =	ssyncadd.s32 $0xFFFFFF80  }
0xe: {  	v0 =	vld [tilespmem:$0x0];
	_ =	sdelay $0x4  }
0xf: {  	v1 =	vshll.u32 v0, $0x2  }
0x10: {  	v2 =	vlaneseq.u32;
	v0 =	vand.u32 $0x7, v0;
	v1 =	vand.u32 $0xFFFFFFE0, v1  }
0x11: {  	v3 =	vshrl.u32 v2, $0x3;
	v0 =	vor.u32 v0, v1;
	v1 =	vand.u32 $0x7, v2  }
0x12: {  	v3 =	vmul.u32 $0x8, v3;
	v4 =	vperm.xlane v0, v1;
	_ =	sdelay $0x1  }
0x13: {  	v4 =	vadd.s32 v3, v4  }
0x14: {  	v2 =	vor.u32 $0x8, v2  }
0x15: {  	v0 =	vperm.xlane v0, v2;
	_ =	sdelay $0x1  }
0x16: {  	vm0 =	vmmov $0xffff;
	s11 =	simm.s32 $0x10080;
	v0 =	vadd.s32 v3, v0  }
0x17: {  	[tilespmem:s11], [sflag:$0x2] =	stream.indirect_vreg.gather [hbm4b:s2+s6], $0x80, v4, vm0, $0xb8;
	[tilespmem:$0x1C080] =	vst v63  }
0x18: {  	s12 =	simm.s32 $0x10880;
	s3 =	sadd.s32 $0x100, s2  }
0x19: {  	[tilespmem:s12], [sflag:$0x2] =	stream.indirect_vreg.gather [hbm4b:s3+s6], $0x80, v4, vm0, $0xb8;
	[tilespmem:$0x1C080] =	vst v63  }
0x1a: {  	s13 =	simm.s32 $0x11080  }
0x1b: {  	[tilespmem:s13], [sflag:$0x2] =	stream.indirect_vreg.gather [hbm4b:s2+s6], $0x80, v0, vm0, $0xb8;
	[tilespmem:$0x1C080] =	vst v63  }
0x1c: {  	s14 =	simm.s32 $0x11880  }
0x1d: {  	[tilespmem:s14], [sflag:$0x2] =	stream.indirect_vreg.gather [hbm4b:s3+s6], $0x80, v0, vm0, $0xb8;
	[tilespmem:$0x1C080] =	vst v63  }
0x1e: {  	v0 =	vld [tilespmem:$0x10];
	_ =	sdelay $0x4  }
0x1f: {  	v60 =	vshll.u32 v0, $0x2  }
0x20: {  	v0 =	vand.u32 $0x7, v0;
	v4 =	vand.u32 $0xFFFFFFE0, v60  }
0x21: {  	v0 =	vor.u32 v0, v4  }
0x22: {  	v4 =	vperm.xlane v0, v1;
	_ =	sdelay $0x1  }
0x23: {  	v4 =	vadd.s32 v3, v4;
	_ =	sdelay $0x1  }
0x24: {  	v0 =	vperm.xlane v0, v2;
	_ =	sdelay $0x1  }
0x25: {  	s15 =	simm.s32 $0x12080;
	v0 =	vadd.s32 v3, v0  }
0x26: {  	[tilespmem:s15], [sflag:$0x2] =	stream.indirect_vreg.gather [hbm4b:s2+s6], $0x80, v4, vm0, $0xb8;
	[tilespmem:$0x1C080] =	vst v63  }
0x27: {  	s16 =	simm.s32 $0x12880  }
0x28: {  	[tilespmem:s16], [sflag:$0x2] =	stream.indirect_vreg.gather [hbm4b:s3+s6], $0x80, v4, vm0, $0xb8;
	[tilespmem:$0x1C080] =	vst v63  }
0x29: {  	s17 =	simm.s32 $0x13080  }
0x2a: {  	[tilespmem:s17], [sflag:$0x2] =	stream.indirect_vreg.gather [hbm4b:s2+s6], $0x80, v0, vm0, $0xb8;
	[tilespmem:$0x1C080] =	vst v63  }
0x2b: {  	s18 =	simm.s32 $0x13880  }
0x2c: {  	[tilespmem:s18], [sflag:$0x2] =	stream.indirect_vreg.gather [hbm4b:s3+s6], $0x80, v0, vm0, $0xb8;
	[tilespmem:$0x1C080] =	vst v63  }
0x2d: {  	v0 =	vld [tilespmem:$0x20];
	_ =	sdelay $0x4  }
0x2e: {  	v61 =	vshll.u32 v0, $0x2  }
0x2f: {  	v0 =	vand.u32 $0x7, v0;
	v4 =	vand.u32 $0xFFFFFFE0, v61  }
0x30: {  	v0 =	vor.u32 v0, v4  }
0x31: {  	v4 =	vperm.xlane v0, v1;
	_ =	sdelay $0x1  }
0x32: {  	v4 =	vadd.s32 v3, v4;
	_ =	sdelay $0x1  }
0x33: {  	v0 =	vperm.xlane v0, v2;
	_ =	sdelay $0x1  }
0x34: {  	s19 =	simm.s32 $0x14080;
	v0 =	vadd.s32 v3, v0  }
0x35: {  	[tilespmem:s19], [sflag:$0x3] =	stream.indirect_vreg.gather [hbm4b:s2+s6], $0x80, v4, vm0, $0xb8;
	[tilespmem:$0x1C080] =	vst v63  }
0x36: {  	s20 =	simm.s32 $0x14880  }
0x37: {  	[tilespmem:s20], [sflag:$0x3] =	stream.indirect_vreg.gather [hbm4b:s3+s6], $0x80, v4, vm0, $0xb8;
	[tilespmem:$0x1C080] =	vst v63  }
0x38: {  	s21 =	simm.s32 $0x15080  }
0x39: {  	[tilespmem:s21], [sflag:$0x3] =	stream.indirect_vreg.gather [hbm4b:s2+s6], $0x80, v0, vm0, $0xb8;
	[tilespmem:$0x1C080] =	vst v63  }
0x3a: {  	s22 =	simm.s32 $0x15880  }
0x3b: {  	[tilespmem:s22], [sflag:$0x3] =	stream.indirect_vreg.gather [hbm4b:s3+s6], $0x80, v0, vm0, $0xb8;
	[tilespmem:$0x1C080] =	vst v63  }
0x3c: {  	v0 =	vld [tilespmem:$0x30];
	_ =	sdelay $0x4  }
0x3d: {  	v62 =	vshll.u32 v0, $0x2  }
0x3e: {  	v0 =	vand.u32 $0x7, v0;
	v4 =	vand.u32 $0xFFFFFFE0, v62  }
0x3f: {  	v0 =	vor.u32 v0, v4  }
0x40: {  	v1 =	vperm.xlane v0, v1;
	_ =	sdelay $0x1  }
0x41: {  	v1 =	vadd.s32 v3, v1;
	_ =	sdelay $0x1  }
0x42: {  	v0 =	vperm.xlane v0, v2;
	_ =	sdelay $0x1  }
0x43: {  	s23 =	simm.s32 $0x16080;
	v0 =	vadd.s32 v3, v0  }
0x44: {  	[tilespmem:s23], [sflag:$0x3] =	stream.indirect_vreg.gather [hbm4b:s2+s6], $0x80, v1, vm0, $0xb8;
	[tilespmem:$0x1C080] =	vst v63  }
0x45: {  	s24 =	simm.s32 $0x16880  }
0x46: {  	[tilespmem:s24], [sflag:$0x3] =	stream.indirect_vreg.gather [hbm4b:s3+s6], $0x80, v1, vm0, $0xb8;
	[tilespmem:$0x1C080] =	vst v63  }
0x47: {  	s25 =	simm.s32 $0x17080  }
0x48: {  	[tilespmem:s25], [sflag:$0x3] =	stream.indirect_vreg.gather [hbm4b:s2+s6], $0x80, v0, vm0, $0xb8;
	[tilespmem:$0x1C080] =	vst v63  }
0x49: {  	s26 =	simm.s32 $0x17880;
	s28 =	simm.s32 $0x1  }
0x4a: {  	[tilespmem:s26], [sflag:$0x3] =	stream.indirect_vreg.gather [hbm4b:s3+s6], $0x80, v0, vm0, $0xb8;
	[tilespmem:$0x1C080] =	vst v63  }
0x4b: {  	_ =	swait.ge [sflag:s28], $0x10000  }
0x4c: {  	[sflag:s28] =	ssyncset.done $0x0  }
0x4d: {  	s29 =	simm.s32 $0x2;
	[sflag:s28] =	ssyncadd.s32 $0xFFFF0000  }
0x4e: {  	_ =	swait.ge [sflag:s29], $0x4000  }
0x4f: {  	s30 =	sand.u32 $0x3000, s6;
	s6 =	sand.u32 $0x380, s6;
	[sflag:s29] =	ssyncset.done $0x0  }
0x50: {  	s6 =	sor.u32 s6, s30;
	[sflag:s29] =	ssyncadd.s32 $0xFFFFC000  }
0x51: {  	v0 =	vld [tilespmem:s6+$0xCF0]  }
0x52: {  	v1 =	vld [tilespmem:s6+$0x80]  }
0x53: {  	v2 =	vld [tilespmem:s6+$0x90]  }
0x54: {  	v3 =	vld [tilespmem:s6+$0xA0]  }
0x55: {  	v63 =	vld [tilespmem:s6+$0xB0]  }
0x56: {  	v5 =	vld [tilespmem:s6+$0xC0]  }
0x57: {  	v6 =	vld [tilespmem:s6+$0xD0]  }
0x58: {  	v7 =	vld [tilespmem:s6+$0xE0]  }
0x59: {  	v8 =	vld [tilespmem:s6+$0xF0]  }
0x5a: {  	v9 =	vld [tilespmem:s6+$0x480]  }
0x5b: {  	v10 =	vld [tilespmem:s6+$0x490]  }
0x5c: {  	v11 =	vld [tilespmem:s6+$0x4A0]  }
0x5d: {  	v12 =	vld [tilespmem:s6+$0x4B0]  }
0x5e: {  	v13 =	vld [tilespmem:s6+$0x4C0]  }
0x5f: {  	v14 =	vld [tilespmem:s6+$0x4D0]  }
0x60: {  	v15 =	vld [tilespmem:s6+$0x4E0]  }
0x61: {  	v16 =	vld [tilespmem:s6+$0x4F0]  }
0x62: {  	v17 =	vld [tilespmem:s6+$0x880]  }
0x63: {  	v18 =	vld [tilespmem:s6+$0x890]  }
0x64: {  	v19 =	vld [tilespmem:s6+$0x8A0]  }
0x65: {  	v20 =	vld [tilespmem:s6+$0x8B0]  }
0x66: {  	v21 =	vld [tilespmem:s6+$0x8C0]  }
0x67: {  	v22 =	vld [tilespmem:s6+$0x8D0]  }
0x68: {  	v23 =	vld [tilespmem:s6+$0x8E0]  }
0x69: {  	v24 =	vld [tilespmem:s6+$0x8F0]  }
0x6a: {  	v25 =	vld [tilespmem:s6+$0xC80]  }
0x6b: {  	v26 =	vld [tilespmem:s6+$0xC90]  }
0x6c: {  	v27 =	vld [tilespmem:s6+$0xCA0]  }
0x6d: {  	v28 =	vld [tilespmem:s6+$0xCB0]  }
0x6e: {  	v29 =	vld [tilespmem:s6+$0xCC0]  }
0x6f: {  	v30 =	vld [tilespmem:s6+$0xCD0]  }
0x70: {  	[tilespmem:s6+$0x10CF0] =	vst.add.f32.msk $0xffff, v0  }
0x71: {  	v0 =	vld [tilespmem:s6+$0xCE0]  }
0x72: {  	[tilespmem:s6+$0x10080] =	vst.add.f32.msk $0xffff, v1  }
0x73: {  	[tilespmem:s6+$0x10090] =	vst.add.f32.msk $0xffff, v2  }
0x74: {  	[tilespmem:s6+$0x100A0] =	vst.add.f32.msk $0xffff, v3  }
0x75: {  	[tilespmem:s6+$0x100B0] =	vst.add.f32.msk $0xffff, v63  }
0x76: {  	[tilespmem:s6+$0x100C0] =	vst.add.f32.msk $0xffff, v5  }
0x77: {  	[tilespmem:s6+$0x100D0] =	vst.add.f32.msk $0xffff, v6  }
0x78: {  	[tilespmem:s6+$0x100E0] =	vst.add.f32.msk $0xffff, v7  }
0x79: {  	[tilespmem:s6+$0x100F0] =	vst.add.f32.msk $0xffff, v8  }
0x7a: {  	[tilespmem:s6+$0x10480] =	vst.add.f32.msk $0xffff, v9  }
0x7b: {  	[tilespmem:s6+$0x10490] =	vst.add.f32.msk $0xffff, v10  }
0x7c: {  	[tilespmem:s6+$0x104A0] =	vst.add.f32.msk $0xffff, v11  }
0x7d: {  	[tilespmem:s6+$0x104B0] =	vst.add.f32.msk $0xffff, v12  }
0x7e: {  	[tilespmem:s6+$0x104C0] =	vst.add.f32.msk $0xffff, v13  }
0x7f: {  	[tilespmem:s6+$0x104D0] =	vst.add.f32.msk $0xffff, v14  }
0x80: {  	[tilespmem:s6+$0x104E0] =	vst.add.f32.msk $0xffff, v15  }
0x81: {  	[tilespmem:s6+$0x104F0] =	vst.add.f32.msk $0xffff, v16  }
0x82: {  	[tilespmem:s6+$0x10880] =	vst.add.f32.msk $0xffff, v17  }
0x83: {  	[tilespmem:s6+$0x10890] =	vst.add.f32.msk $0xffff, v18  }
0x84: {  	[tilespmem:s6+$0x108A0] =	vst.add.f32.msk $0xffff, v19  }
0x85: {  	[tilespmem:s6+$0x108B0] =	vst.add.f32.msk $0xffff, v20  }
0x86: {  	[tilespmem:s6+$0x108C0] =	vst.add.f32.msk $0xffff, v21  }
0x87: {  	[tilespmem:s6+$0x108D0] =	vst.add.f32.msk $0xffff, v22  }
0x88: {  	[tilespmem:s6+$0x108E0] =	vst.add.f32.msk $0xffff, v23  }
0x89: {  	[tilespmem:s6+$0x108F0] =	vst.add.f32.msk $0xffff, v24  }
0x8a: {  	[tilespmem:s6+$0x10C80] =	vst.add.f32.msk $0xffff, v25  }
0x8b: {  	[tilespmem:s6+$0x10C90] =	vst.add.f32.msk $0xffff, v26  }
0x8c: {  	[tilespmem:s6+$0x10CA0] =	vst.add.f32.msk $0xffff, v27  }
0x8d: {  	[tilespmem:s6+$0x10CB0] =	vst.add.f32.msk $0xffff, v28  }
0x8e: {  	s31 =	simm.s32 $0x200;
	s7 =	simm.s32 $0x80;
	[tilespmem:s6+$0x10CC0] =	vst.add.f32.msk $0xffff, v29  }
0x8f: {  	s8 =	simm.s32 $0x400;
	s9 =	sand.u32 $0x3000, s31;
	s10 =	sand.u32 $0x380, s7;
	[tilespmem:s6+$0x10CD0] =	vst.add.f32.msk $0xffff, v30  }
.LBB2_1:
0x90: {  	p0 =	sne.s32 s8, $0x3E00;
	[tilespmem:s6+$0x10CE0] =	vst.add.f32.msk $0xffff, v0;
	s6 =	sor.u32 s10, s9  }
0x91: {  	v0 =	vld [tilespmem:s6+$0xCF0]  }
0x92: {  	v1 =	vld [tilespmem:s6+$0x80]  }
0x93: {  	v2 =	vld [tilespmem:s6+$0x90]  }
0x94: {  	v3 =	vld [tilespmem:s6+$0xA0]  }
0x95: {  	v4 =	vld [tilespmem:s6+$0xB0]  }
0x96: {  	[tilespmem:s6+$0x10CF0] =	vst.add.f32.msk $0xffff, v0  }
0x97: {  	v5 =	vld [tilespmem:s6+$0xC0]  }
0x98: {  	v6 =	vld [tilespmem:s6+$0xD0]  }
0x99: {  	v7 =	vld [tilespmem:s6+$0xE0]  }
0x9a: {  	v8 =	vld [tilespmem:s6+$0xF0]  }
0x9b: {  	v9 =	vld [tilespmem:s6+$0x480]  }
0x9c: {  	v10 =	vld [tilespmem:s6+$0x490]  }
0x9d: {  	v11 =	vld [tilespmem:s6+$0x4A0]  }
0x9e: {  	v12 =	vld [tilespmem:s6+$0x4B0]  }
0x9f: {  	v13 =	vld [tilespmem:s6+$0x4C0]  }
0xa0: {  	v14 =	vld [tilespmem:s6+$0x4D0]  }
0xa1: {  	v15 =	vld [tilespmem:s6+$0x4E0]  }
0xa2: {  	v16 =	vld [tilespmem:s6+$0x4F0]  }
0xa3: {  	v17 =	vld [tilespmem:s6+$0x880]  }
0xa4: {  	v18 =	vld [tilespmem:s6+$0x890]  }
0xa5: {  	v19 =	vld [tilespmem:s6+$0x8A0]  }
0xa6: {  	v20 =	vld [tilespmem:s6+$0x8B0]  }
0xa7: {  	v21 =	vld [tilespmem:s6+$0x8C0]  }
0xa8: {  	v22 =	vld [tilespmem:s6+$0x8D0]  }
0xa9: {  	v23 =	vld [tilespmem:s6+$0x8E0]  }
0xaa: {  	v24 =	vld [tilespmem:s6+$0x8F0]  }
0xab: {  	v25 =	vld [tilespmem:s6+$0xC80]  }
0xac: {  	v26 =	vld [tilespmem:s6+$0xC90]  }
0xad: {  	v27 =	vld [tilespmem:s6+$0xCA0]  }
0xae: {  	v28 =	vld [tilespmem:s6+$0xCB0]  }
0xaf: {  	v29 =	vld [tilespmem:s6+$0xCC0]  }
0xb0: {  	v30 =	vld [tilespmem:s6+$0xCD0]  }
0xb1: {  	v0 =	vld [tilespmem:s6+$0xCE0]  }
0xb2: {  	[tilespmem:s6+$0x10080] =	vst.add.f32.msk $0xffff, v1  }
0xb3: {  	[tilespmem:s6+$0x10090] =	vst.add.f32.msk $0xffff, v2  }
0xb4: {  	[tilespmem:s6+$0x100A0] =	vst.add.f32.msk $0xffff, v3  }
0xb5: {  	[tilespmem:s6+$0x100B0] =	vst.add.f32.msk $0xffff, v4  }
0xb6: {  	[tilespmem:s6+$0x100C0] =	vst.add.f32.msk $0xffff, v5  }
0xb7: {  	[tilespmem:s6+$0x100D0] =	vst.add.f32.msk $0xffff, v6  }
0xb8: {  	[tilespmem:s6+$0x100E0] =	vst.add.f32.msk $0xffff, v7  }
0xb9: {  	[tilespmem:s6+$0x100F0] =	vst.add.f32.msk $0xffff, v8  }
0xba: {  	[tilespmem:s6+$0x10480] =	vst.add.f32.msk $0xffff, v9  }
0xbb: {  	[tilespmem:s6+$0x10490] =	vst.add.f32.msk $0xffff, v10  }
0xbc: {  	[tilespmem:s6+$0x104A0] =	vst.add.f32.msk $0xffff, v11  }
0xbd: {  	[tilespmem:s6+$0x104B0] =	vst.add.f32.msk $0xffff, v12  }
0xbe: {  	[tilespmem:s6+$0x104C0] =	vst.add.f32.msk $0xffff, v13  }
0xbf: {  	[tilespmem:s6+$0x104D0] =	vst.add.f32.msk $0xffff, v14  }
0xc0: {  	[tilespmem:s6+$0x104E0] =	vst.add.f32.msk $0xffff, v15  }
0xc1: {  	[tilespmem:s6+$0x104F0] =	vst.add.f32.msk $0xffff, v16  }
0xc2: {  	[tilespmem:s6+$0x10880] =	vst.add.f32.msk $0xffff, v17  }
0xc3: {  	[tilespmem:s6+$0x10890] =	vst.add.f32.msk $0xffff, v18  }
0xc4: {  	[tilespmem:s6+$0x108A0] =	vst.add.f32.msk $0xffff, v19  }
0xc5: {  	[tilespmem:s6+$0x108B0] =	vst.add.f32.msk $0xffff, v20  }
0xc6: {  	[tilespmem:s6+$0x108C0] =	vst.add.f32.msk $0xffff, v21  }
0xc7: {  	[tilespmem:s6+$0x108D0] =	vst.add.f32.msk $0xffff, v22  }
0xc8: {  	[tilespmem:s6+$0x108E0] =	vst.add.f32.msk $0xffff, v23  }
0xc9: {  	[tilespmem:s6+$0x108F0] =	vst.add.f32.msk $0xffff, v24  }
0xca: {  	[tilespmem:s6+$0x10C80] =	vst.add.f32.msk $0xffff, v25  }
.Ltmp0:
0xcb: {  	[tilespmem:s6+$0x10C90] =	vst.add.f32.msk $0xffff, v26;
	(pc) =	sbr.rel @p0 .LBB2_1-.Ltmp0, $4  }
0xcc: {  	[tilespmem:s6+$0x10CA0] =	vst.add.f32.msk $0xffff, v27  }
0xcd: {  	[tilespmem:s6+$0x10CB0] =	vst.add.f32.msk $0xffff, v28  }
0xce: {  	s7 =	sadd.s32 $0x80, s7;
	[tilespmem:s6+$0x10CC0] =	vst.add.f32.msk $0xffff, v29  }
0xcf: {  	s9 =	sand.u32 $0x3000, s8;
	s8 =	sadd.s32 $0x200, s8;
	s10 =	sand.u32 $0x380, s7;
	[tilespmem:s6+$0x10CD0] =	vst.add.f32.msk $0xffff, v30  }
0xd0: {  	s7 =	sor.u32 s10, s9;
	[tilespmem:s6+$0x10CE0] =	vst.add.f32.msk $0xffff, v0  }
0xd1: {  	v0 =	vld [tilespmem:s7+$0xCF0]  }
0xd2: {  	v1 =	vld [tilespmem:s7+$0x80]  }
0xd3: {  	v2 =	vld [tilespmem:s7+$0x90]  }
0xd4: {  	v3 =	vld [tilespmem:s7+$0xA0]  }
0xd5: {  	v4 =	vld [tilespmem:s7+$0xB0]  }
0xd6: {  	v5 =	vld [tilespmem:s7+$0xD0]  }
0xd7: {  	v6 =	vld [tilespmem:s7+$0xE0]  }
0xd8: {  	v7 =	vld [tilespmem:s7+$0xF0]  }
0xd9: {  	v8 =	vld [tilespmem:s7+$0x480]  }
0xda: {  	v9 =	vld [tilespmem:s7+$0x490]  }
0xdb: {  	v10 =	vld [tilespmem:s7+$0x4A0]  }
0xdc: {  	v11 =	vld [tilespmem:s7+$0x4B0]  }
0xdd: {  	v12 =	vld [tilespmem:s7+$0x4C0]  }
0xde: {  	v13 =	vld [tilespmem:s7+$0x4D0]  }
0xdf: {  	v14 =	vld [tilespmem:s7+$0x4E0]  }
0xe0: {  	v15 =	vld [tilespmem:s7+$0x4F0]  }
0xe1: {  	v16 =	vld [tilespmem:s7+$0x880]  }
0xe2: {  	v17 =	vld [tilespmem:s7+$0x890]  }
0xe3: {  	v18 =	vld [tilespmem:s7+$0x8A0]  }
0xe4: {  	v19 =	vld [tilespmem:s7+$0x8B0]  }
0xe5: {  	v20 =	vld [tilespmem:s7+$0x8C0]  }
0xe6: {  	v21 =	vld [tilespmem:s7+$0x8D0]  }
0xe7: {  	v22 =	vld [tilespmem:s7+$0x8E0]  }
0xe8: {  	v23 =	vld [tilespmem:s7+$0x8F0]  }
0xe9: {  	v24 =	vld [tilespmem:s7+$0xC80]  }
0xea: {  	v25 =	vld [tilespmem:s7+$0xC90]  }
0xeb: {  	v26 =	vld [tilespmem:s7+$0xCA0]  }
0xec: {  	v27 =	vld [tilespmem:s7+$0xCB0]  }
0xed: {  	v28 =	vld [tilespmem:s7+$0xCC0]  }
0xee: {  	v29 =	vld [tilespmem:s7+$0xCD0]  }
0xef: {  	v30 =	vld [tilespmem:s7+$0xCE0]  }
0xf0: {  	[tilespmem:s7+$0x10CF0] =	vst.add.f32.msk $0xffff, v0  }
0xf1: {  	v0 =	vld [tilespmem:s7+$0xC0]  }
0xf2: {  	[tilespmem:s7+$0x10080] =	vst.add.f32.msk $0xffff, v1  }
0xf3: {  	[tilespmem:s7+$0x10090] =	vst.add.f32.msk $0xffff, v2  }
0xf4: {  	[tilespmem:s7+$0x100A0] =	vst.add.f32.msk $0xffff, v3  }
0xf5: {  	[tilespmem:s7+$0x100B0] =	vst.add.f32.msk $0xffff, v4  }
0xf6: {  	[tilespmem:s7+$0x100D0] =	vst.add.f32.msk $0xffff, v5  }
0xf7: {  	[tilespmem:s7+$0x100E0] =	vst.add.f32.msk $0xffff, v6  }
0xf8: {  	[tilespmem:s7+$0x100F0] =	vst.add.f32.msk $0xffff, v7  }
0xf9: {  	[tilespmem:s7+$0x10480] =	vst.add.f32.msk $0xffff, v8  }
0xfa: {  	[tilespmem:s7+$0x10490] =	vst.add.f32.msk $0xffff, v9  }
0xfb: {  	[tilespmem:s7+$0x104A0] =	vst.add.f32.msk $0xffff, v10  }
0xfc: {  	[tilespmem:s7+$0x104B0] =	vst.add.f32.msk $0xffff, v11  }
0xfd: {  	[tilespmem:s7+$0x104C0] =	vst.add.f32.msk $0xffff, v12  }
0xfe: {  	[tilespmem:s7+$0x104D0] =	vst.add.f32.msk $0xffff, v13  }
0xff: {  	[tilespmem:s7+$0x104E0] =	vst.add.f32.msk $0xffff, v14  }
0x100: {  	[tilespmem:s7+$0x104F0] =	vst.add.f32.msk $0xffff, v15  }
0x101: {  	[tilespmem:s7+$0x10880] =	vst.add.f32.msk $0xffff, v16  }
0x102: {  	[tilespmem:s7+$0x10890] =	vst.add.f32.msk $0xffff, v17  }
0x103: {  	[tilespmem:s7+$0x108A0] =	vst.add.f32.msk $0xffff, v18  }
0x104: {  	[tilespmem:s7+$0x108B0] =	vst.add.f32.msk $0xffff, v19  }
0x105: {  	[tilespmem:s7+$0x108C0] =	vst.add.f32.msk $0xffff, v20  }
0x106: {  	[tilespmem:s7+$0x108D0] =	vst.add.f32.msk $0xffff, v21  }
0x107: {  	[tilespmem:s7+$0x108E0] =	vst.add.f32.msk $0xffff, v22  }
0x108: {  	[tilespmem:s7+$0x108F0] =	vst.add.f32.msk $0xffff, v23  }
0x109: {  	[tilespmem:s7+$0x10C80] =	vst.add.f32.msk $0xffff, v24  }
0x10a: {  	[tilespmem:s7+$0x10C90] =	vst.add.f32.msk $0xffff, v25  }
0x10b: {  	[tilespmem:s7+$0x10CA0] =	vst.add.f32.msk $0xffff, v26  }
0x10c: {  	[tilespmem:s7+$0x10CB0] =	vst.add.f32.msk $0xffff, v27  }
0x10d: {  	[tilespmem:s7+$0x10CC0] =	vst.add.f32.msk $0xffff, v28  }
0x10e: {  	[tilespmem:s7+$0x10CD0] =	vst.add.f32.msk $0xffff, v29  }
0x10f: {  	[tilespmem:s7+$0x10CE0] =	vst.add.f32.msk $0xffff, v30  }
0x110: {  	s20 =	sadd.s32 s4, s5;
	s6 =	simm.s32 $0x0;
	s8 =	simm.s32 $0x10080;
	[tilespmem:s7+$0x100C0] =	vst.add.f32.msk $0xffff, v0  }
0x111: {  	[hbm4b:s20+s6] =	stream.linear.scatter [tilespmem:s8], [sflag:$0x5], $0x4000, $0x38;
	[tilespmem:$0x1C080] =	vst v63  }
0x112: {  	v0 =	vld [tilespmem:$0x40];
	_ =	sdelay $0x4  }
0x113: {  	v1 =	vshll.u32 v0, $0x2  }
0x114: {  	v2 =	vlaneseq.u32;
	v0 =	vand.u32 $0x7, v0;
	v1 =	vand.u32 $0xFFFFFFE0, v1  }
0x115: {  	v3 =	vshrl.u32 v2, $0x3;
	v0 =	vor.u32 v0, v1;
	v1 =	vand.u32 $0x7, v2  }
0x116: {  	v3 =	vmul.u32 $0x8, v3;
	v4 =	vperm.xlane v0, v1;
	_ =	sdelay $0x1  }
0x117: {  	v4 =	vadd.s32 v3, v4  }
0x118: {  	v2 =	vor.u32 $0x8, v2  }
0x119: {  	v0 =	vperm.xlane v0, v2;
	_ =	sdelay $0x1  }
0x11a: {  	s21 =	simm.s32 $0x18080;
	v0 =	vadd.s32 v3, v0  }
0x11b: {  	[tilespmem:s21], [sflag:$0x4] =	stream.indirect_vreg.gather [hbm4b:s2+s6], $0x80, v4, vm0, $0xb8;
	[tilespmem:$0x1C080] =	vst v63  }
0x11c: {  	s22 =	simm.s32 $0x18880  }
0x11d: {  	[tilespmem:s22], [sflag:$0x4] =	stream.indirect_vreg.gather [hbm4b:s3+s6], $0x80, v4, vm0, $0xb8;
	[tilespmem:$0x1C080] =	vst v63  }
0x11e: {  	s23 =	simm.s32 $0x19080  }
0x11f: {  	[tilespmem:s23], [sflag:$0x4] =	stream.indirect_vreg.gather [hbm4b:s2+s6], $0x80, v0, vm0, $0xb8;
	[tilespmem:$0x1C080] =	vst v63  }
0x120: {  	s24 =	simm.s32 $0x19880  }
0x121: {  	[tilespmem:s24], [sflag:$0x4] =	stream.indirect_vreg.gather [hbm4b:s3+s6], $0x80, v0, vm0, $0xb8;
	[tilespmem:$0x1C080] =	vst v63  }
0x122: {  	v0 =	vld [tilespmem:$0x50];
	_ =	sdelay $0x4  }
0x123: {  	v4 =	vshll.u32 v0, $0x2  }
0x124: {  	v0 =	vand.u32 $0x7, v0;
	v4 =	vand.u32 $0xFFFFFFE0, v4  }
0x125: {  	v0 =	vor.u32 v0, v4  }
0x126: {  	v1 =	vperm.xlane v0, v1;
	_ =	sdelay $0x1  }
0x127: {  	v1 =	vadd.s32 v3, v1;
	_ =	sdelay $0x1  }
0x128: {  	v0 =	vperm.xlane v0, v2;
	_ =	sdelay $0x1  }
0x129: {  	s25 =	simm.s32 $0x1A080;
	v0 =	vadd.s32 v3, v0  }
0x12a: {  	[tilespmem:s25], [sflag:$0x4] =	stream.indirect_vreg.gather [hbm4b:s2+s6], $0x80, v1, vm0, $0xb8;
	[tilespmem:$0x1C080] =	vst v63  }
0x12b: {  	s26 =	simm.s32 $0x1A880  }
0x12c: {  	[tilespmem:s26], [sflag:$0x4] =	stream.indirect_vreg.gather [hbm4b:s3+s6], $0x80, v1, vm0, $0xb8;
	[tilespmem:$0x1C080] =	vst v63  }
0x12d: {  	s28 =	simm.s32 $0x1B080  }
0x12e: {  	[tilespmem:s28], [sflag:$0x4] =	stream.indirect_vreg.gather [hbm4b:s2+s6], $0x80, v0, vm0, $0xb8;
	[tilespmem:$0x1C080] =	vst v63  }
0x12f: {  	s29 =	simm.s32 $0x1B880;
	s30 =	simm.s32 $0x3  }
0x130: {  	[tilespmem:s29], [sflag:$0x4] =	stream.indirect_vreg.gather [hbm4b:s3+s6], $0x80, v0, vm0, $0xb8;
	[tilespmem:$0x1C080] =	vst v63  }
0x131: {  	_ =	swait.ge [sflag:s30], $0x4000  }
0x132: {  	s31 =	sand.u32 $0x380, s6;
	s8 =	sand.u32 $0x3000, s6;
	[sflag:s30] =	ssyncset.done $0x0  }
0x133: {  	s7 =	sor.u32 s31, s8;
	[sflag:s30] =	ssyncadd.s32 $0xFFFFC000  }
0x134: {  	v7 =	vld [tilespmem:s7+$0x4080]  }
0x135: {  	v8 =	vld [tilespmem:s7+$0x4090]  }
0x136: {  	v49 =	vld [tilespmem:s7+$0x40A0]  }
0x137: {  	v50 =	vld [tilespmem:s7+$0x40B0]  }
0x138: {  	v51 =	vld [tilespmem:s7+$0x40C0]  }
0x139: {  	v52 =	vld [tilespmem:s7+$0x40D0]  }
0x13a: {  	v53 =	vld [tilespmem:s7+$0x40E0]  }
0x13b: {  	v54 =	vld [tilespmem:s7+$0x40F0]  }
0x13c: {  	v55 =	vld [tilespmem:s7+$0x4480]  }
0x13d: {  	v56 =	vld [tilespmem:s7+$0x4490]  }
0x13e: {  	v57 =	vld [tilespmem:s7+$0x44A0]  }
0x13f: {  	v58 =	vld [tilespmem:s7+$0x44B0]  }
0x140: {  	v59 =	vld [tilespmem:s7+$0x44C0]  }
0x141: {  	v60 =	vld [tilespmem:s7+$0x44D0]  }
0x142: {  	v61 =	vld [tilespmem:s7+$0x44E0]  }
0x143: {  	v62 =	vld [tilespmem:s7+$0x44F0]  }
0x144: {  	v63 =	vld [tilespmem:s7+$0x4880]  }
0x145: {  	v1 =	vld [tilespmem:s7+$0x4890]  }
0x146: {  	v2 =	vld [tilespmem:s7+$0x48A0]  }
0x147: {  	v3 =	vld [tilespmem:s7+$0x48B0]  }
0x148: {  	v4 =	vld [tilespmem:s7+$0x48C0]  }
0x149: {  	v5 =	vld [tilespmem:s7+$0x48D0]  }
0x14a: {  	v6 =	vld [tilespmem:s7+$0x48E0]  }
0x14b: {  	v0 =	vld [tilespmem:s7+$0x48F0]  }
0x14c: {  	[tilespmem:s7+$0x14080] =	vst.add.f32.msk $0xffff, v7  }
0x14d: {  	[tilespmem:s7+$0x14090] =	vst.add.f32.msk $0xffff, v8  }
0x14e: {  	[tilespmem:s7+$0x140A0] =	vst.add.f32.msk $0xffff, v49  }
0x14f: {  	[tilespmem:s7+$0x140B0] =	vst.add.f32.msk $0xffff, v50  }
0x150: {  	[tilespmem:s7+$0x140C0] =	vst.add.f32.msk $0xffff, v51  }
0x151: {  	[tilespmem:s7+$0x140D0] =	vst.add.f32.msk $0xffff, v52  }
0x152: {  	[tilespmem:s7+$0x140E0] =	vst.add.f32.msk $0xffff, v53  }
0x153: {  	[tilespmem:s7+$0x140F0] =	vst.add.f32.msk $0xffff, v54  }
0x154: {  	[tilespmem:s7+$0x14480] =	vst.add.f32.msk $0xffff, v55  }
0x155: {  	[tilespmem:s7+$0x14490] =	vst.add.f32.msk $0xffff, v56  }
0x156: {  	[tilespmem:s7+$0x144A0] =	vst.add.f32.msk $0xffff, v57  }
0x157: {  	[tilespmem:s7+$0x144B0] =	vst.add.f32.msk $0xffff, v58  }
0x158: {  	[tilespmem:s7+$0x144C0] =	vst.add.f32.msk $0xffff, v59  }
0x159: {  	[tilespmem:s7+$0x144D0] =	vst.add.f32.msk $0xffff, v60  }
0x15a: {  	[tilespmem:s7+$0x144E0] =	vst.add.f32.msk $0xffff, v61  }
0x15b: {  	[tilespmem:s7+$0x144F0] =	vst.add.f32.msk $0xffff, v62  }
0x15c: {  	s9 =	simm.s32 $0x200;
	[tilespmem:s7+$0x14880] =	vst.add.f32.msk $0xffff, v63  }
.LBB2_3:
0x15d: {  	p0 =	sne.s32 s9, $0x3E00;
	[tilespmem:s7+$0x14890] =	vst.add.f32.msk $0xffff, v1  }
0x15e: {  	[tilespmem:s7+$0x148A0] =	vst.add.f32.msk $0xffff, v2  }
0x15f: {  	[tilespmem:s7+$0x148B0] =	vst.add.f32.msk $0xffff, v3  }
0x160: {  	[tilespmem:s7+$0x148C0] =	vst.add.f32.msk $0xffff, v4  }
0x161: {  	[tilespmem:s7+$0x148D0] =	vst.add.f32.msk $0xffff, v5  }
0x162: {  	s10 =	sor.u32 s8, s6;
	s6 =	sadd.s32 $0x80, s6;
	[tilespmem:s7+$0x148E0] =	vst.add.f32.msk $0xffff, v6  }
0x163: {  	s8 =	sand.u32 $0x3000, s9;
	s12 =	sand.u32 $0x380, s6;
	s11 =	sor.u32 $0x4C00, s10;
	[tilespmem:s7+$0x148F0] =	vst.add.f32.msk $0xffff, v0  }
0x164: {  	s10 =	sor.u32 s12, s8;
	v0 =	vld [tilespmem:s11+$0x80]  }
0x165: {  	v7 =	vld [tilespmem:s10+$0x4080]  }
0x166: {  	v8 =	vld [tilespmem:s10+$0x4090]  }
0x167: {  	v9 =	vld [tilespmem:s10+$0x40A0]  }
0x168: {  	v10 =	vld [tilespmem:s10+$0x40B0]  }
0x169: {  	[tilespmem:s7+$0x14C80] =	vst.add.f32.msk $0xffff, v0  }
0x16a: {  	v0 =	vld [tilespmem:s11+$0x90]  }
0x16b: {  	v11 =	vld [tilespmem:s10+$0x40C0]  }
0x16c: {  	v12 =	vld [tilespmem:s10+$0x40D0]  }
0x16d: {  	v13 =	vld [tilespmem:s10+$0x40E0]  }
0x16e: {  	v14 =	vld [tilespmem:s10+$0x40F0]  }
0x16f: {  	[tilespmem:s7+$0x14C90] =	vst.add.f32.msk $0xffff, v0  }
0x170: {  	v0 =	vld [tilespmem:s11+$0xA0]  }
0x171: {  	v15 =	vld [tilespmem:s10+$0x4480]  }
0x172: {  	v16 =	vld [tilespmem:s10+$0x4490]  }
0x173: {  	v17 =	vld [tilespmem:s10+$0x44A0]  }
0x174: {  	v18 =	vld [tilespmem:s10+$0x44B0]  }
0x175: {  	[tilespmem:s7+$0x14CA0] =	vst.add.f32.msk $0xffff, v0  }
0x176: {  	v0 =	vld [tilespmem:s11+$0xB0]  }
0x177: {  	v19 =	vld [tilespmem:s10+$0x44C0]  }
0x178: {  	v20 =	vld [tilespmem:s10+$0x44D0]  }
0x179: {  	v21 =	vld [tilespmem:s10+$0x44E0]  }
0x17a: {  	v22 =	vld [tilespmem:s10+$0x44F0]  }
0x17b: {  	[tilespmem:s7+$0x14CB0] =	vst.add.f32.msk $0xffff, v0  }
0x17c: {  	v0 =	vld [tilespmem:s11+$0xC0]  }
0x17d: {  	v23 =	vld [tilespmem:s10+$0x4880]  }
0x17e: {  	v1 =	vld [tilespmem:s10+$0x4890]  }
0x17f: {  	v2 =	vld [tilespmem:s10+$0x48A0]  }
0x180: {  	v3 =	vld [tilespmem:s10+$0x48B0]  }
0x181: {  	[tilespmem:s7+$0x14CC0] =	vst.add.f32.msk $0xffff, v0  }
0x182: {  	v24 =	vld [tilespmem:s11+$0xD0]  }
0x183: {  	v4 =	vld [tilespmem:s10+$0x48C0]  }
0x184: {  	v5 =	vld [tilespmem:s10+$0x48D0]  }
0x185: {  	v6 =	vld [tilespmem:s10+$0x48E0]  }
0x186: {  	v0 =	vld [tilespmem:s10+$0x48F0]  }
0x187: {  	[tilespmem:s7+$0x14CD0] =	vst.add.f32.msk $0xffff, v24  }
0x188: {  	v24 =	vld [tilespmem:s11+$0xE0]  }
0x189: {  	[tilespmem:s10+$0x14080] =	vst.add.f32.msk $0xffff, v7  }
0x18a: {  	[tilespmem:s10+$0x14090] =	vst.add.f32.msk $0xffff, v8  }
0x18b: {  	[tilespmem:s10+$0x140A0] =	vst.add.f32.msk $0xffff, v9  }
0x18c: {  	[tilespmem:s10+$0x140B0] =	vst.add.f32.msk $0xffff, v10  }
0x18d: {  	[tilespmem:s7+$0x14CE0] =	vst.add.f32.msk $0xffff, v24  }
0x18e: {  	v7 =	vld [tilespmem:s11+$0xF0]  }
0x18f: {  	[tilespmem:s10+$0x140C0] =	vst.add.f32.msk $0xffff, v11  }
0x190: {  	[tilespmem:s10+$0x140D0] =	vst.add.f32.msk $0xffff, v12  }
0x191: {  	[tilespmem:s10+$0x140E0] =	vst.add.f32.msk $0xffff, v13  }
0x192: {  	[tilespmem:s10+$0x140F0] =	vst.add.f32.msk $0xffff, v14  }
0x193: {  	[tilespmem:s7+$0x14CF0] =	vst.add.f32.msk $0xffff, v7;
	s7 =	smov.u32 s10  }
0x194: {  	[tilespmem:s7+$0x14480] =	vst.add.f32.msk $0xffff, v15  }
0x195: {  	[tilespmem:s7+$0x14490] =	vst.add.f32.msk $0xffff, v16  }
0x196: {  	[tilespmem:s7+$0x144A0] =	vst.add.f32.msk $0xffff, v17  }
0x197: {  	[tilespmem:s7+$0x144B0] =	vst.add.f32.msk $0xffff, v18  }
.Ltmp1:
0x198: {  	[tilespmem:s7+$0x144C0] =	vst.add.f32.msk $0xffff, v19;
	(pc) =	sbr.rel @p0 .LBB2_3-.Ltmp1, $4  }
0x199: {  	[tilespmem:s7+$0x144D0] =	vst.add.f32.msk $0xffff, v20  }
0x19a: {  	[tilespmem:s7+$0x144E0] =	vst.add.f32.msk $0xffff, v21  }
0x19b: {  	[tilespmem:s7+$0x144F0] =	vst.add.f32.msk $0xffff, v22  }
0x19c: {  	s9 =	sadd.s32 $0x200, s9;
	[tilespmem:s7+$0x14880] =	vst.add.f32.msk $0xffff, v23  }
0x19d: {  	[tilespmem:s7+$0x14890] =	vst.add.f32.msk $0xffff, v1  }
0x19e: {  	[tilespmem:s7+$0x148A0] =	vst.add.f32.msk $0xffff, v2  }
0x19f: {  	[tilespmem:s7+$0x148B0] =	vst.add.f32.msk $0xffff, v3  }
0x1a0: {  	[tilespmem:s7+$0x148C0] =	vst.add.f32.msk $0xffff, v4  }
0x1a1: {  	[tilespmem:s7+$0x148D0] =	vst.add.f32.msk $0xffff, v5  }
0x1a2: {  	[tilespmem:s7+$0x148E0] =	vst.add.f32.msk $0xffff, v6;
	s6 =	sor.u32 s8, s6  }
0x1a3: {  	[tilespmem:s7+$0x148F0] =	vst.add.f32.msk $0xffff, v0;
	s6 =	sor.u32 $0x4C00, s6  }
0x1a4: {  	v0 =	vld [tilespmem:s6+$0x80];
	_ =	sdelay $0x4  }
0x1a5: {  	[tilespmem:s7+$0x14C80] =	vst.add.f32.msk $0xffff, v0  }
0x1a6: {  	v0 =	vld [tilespmem:s6+$0x90];
	_ =	sdelay $0x4  }
0x1a7: {  	[tilespmem:s7+$0x14C90] =	vst.add.f32.msk $0xffff, v0  }
0x1a8: {  	v0 =	vld [tilespmem:s6+$0xA0];
	_ =	sdelay $0x4  }
0x1a9: {  	[tilespmem:s7+$0x14CA0] =	vst.add.f32.msk $0xffff, v0  }
0x1aa: {  	v0 =	vld [tilespmem:s6+$0xB0];
	_ =	sdelay $0x4  }
0x1ab: {  	[tilespmem:s7+$0x14CB0] =	vst.add.f32.msk $0xffff, v0  }
0x1ac: {  	v0 =	vld [tilespmem:s6+$0xC0];
	_ =	sdelay $0x4  }
0x1ad: {  	[tilespmem:s7+$0x14CC0] =	vst.add.f32.msk $0xffff, v0  }
0x1ae: {  	v0 =	vld [tilespmem:s6+$0xD0];
	_ =	sdelay $0x4  }
0x1af: {  	[tilespmem:s7+$0x14CD0] =	vst.add.f32.msk $0xffff, v0  }
0x1b0: {  	v0 =	vld [tilespmem:s6+$0xE0];
	_ =	sdelay $0x4  }
0x1b1: {  	[tilespmem:s7+$0x14CE0] =	vst.add.f32.msk $0xffff, v0  }
0x1b2: {  	v0 =	vld [tilespmem:s6+$0xF0];
	_ =	sdelay $0x3  }
0x1b3: {  	s4 =	sadd.s32 s5, s4;
	s5 =	simm.s32 $0x0  }
0x1b4: {  	s19 =	simm.s32 $0x14080;
	s20 =	simm.s32 $0x5;
	s18 =	sadd.s32 $0x800, s4;
	[tilespmem:s7+$0x14CF0] =	vst.add.f32.msk $0xffff, v0  }
0x1b5: {  	[hbm4b:s18+s5] =	stream.linear.scatter [tilespmem:s19], [sflag:$0x6], $0x4000, $0x38;
	[tilespmem:$0x1C080] =	vst v63  }
0x1b6: {  	_ =	swait.ge [sflag:s20], $0x4000  }
0x1b7: {  	[sflag:s20] =	ssyncset.done $0x0  }
0x1b8: {  	[sflag:s20] =	ssyncadd.s32 $0xFFFFC000  }
0x1b9: {  	v0 =	vld [tilespmem:$0x60];
	_ =	sdelay $0x4  }
0x1ba: {  	v1 =	vshll.u32 v0, $0x2  }
0x1bb: {  	v2 =	vlaneseq.u32;
	v0 =	vand.u32 $0x7, v0;
	v1 =	vand.u32 $0xFFFFFFE0, v1  }
0x1bc: {  	v3 =	vshrl.u32 v2, $0x3;
	v0 =	vor.u32 v0, v1;
	v1 =	vand.u32 $0x7, v2  }
0x1bd: {  	v3 =	vmul.u32 $0x8, v3;
	v4 =	vperm.xlane v0, v1;
	_ =	sdelay $0x1  }
0x1be: {  	v4 =	vadd.s32 v3, v4  }
0x1bf: {  	v2 =	vor.u32 $0x8, v2  }
0x1c0: {  	v0 =	vperm.xlane v0, v2;
	_ =	sdelay $0x1  }
0x1c1: {  	s21 =	simm.s32 $0x10080;
	v0 =	vadd.s32 v3, v0  }
0x1c2: {  	[tilespmem:s21], [sflag:$0x2] =	stream.indirect_vreg.gather [hbm4b:s2+s5], $0x80, v4, vm0, $0xb8;
	[tilespmem:$0x1C080] =	vst v63  }
0x1c3: {  	s22 =	simm.s32 $0x10880  }
0x1c4: {  	[tilespmem:s22], [sflag:$0x2] =	stream.indirect_vreg.gather [hbm4b:s3+s5], $0x80, v4, vm0, $0xb8;
	[tilespmem:$0x1C080] =	vst v63  }
0x1c5: {  	s23 =	simm.s32 $0x11080  }
0x1c6: {  	[tilespmem:s23], [sflag:$0x2] =	stream.indirect_vreg.gather [hbm4b:s2+s5], $0x80, v0, vm0, $0xb8;
	[tilespmem:$0x1C080] =	vst v63  }
0x1c7: {  	s24 =	simm.s32 $0x11880  }
0x1c8: {  	[tilespmem:s24], [sflag:$0x2] =	stream.indirect_vreg.gather [hbm4b:s3+s5], $0x80, v0, vm0, $0xb8;
	[tilespmem:$0x1C080] =	vst v63  }
0x1c9: {  	v0 =	vld [tilespmem:$0x70];
	_ =	sdelay $0x4  }
0x1ca: {  	v4 =	vshll.u32 v0, $0x2  }
0x1cb: {  	v0 =	vand.u32 $0x7, v0;
	v4 =	vand.u32 $0xFFFFFFE0, v4  }
0x1cc: {  	v0 =	vor.u32 v0, v4  }
0x1cd: {  	v1 =	vperm.xlane v0, v1;
	_ =	sdelay $0x1  }
0x1ce: {  	v1 =	vadd.s32 v3, v1;
	_ =	sdelay $0x1  }
0x1cf: {  	v0 =	vperm.xlane v0, v2;
	_ =	sdelay $0x1  }
0x1d0: {  	s25 =	simm.s32 $0x12080;
	v0 =	vadd.s32 v3, v0  }
0x1d1: {  	[tilespmem:s25], [sflag:$0x2] =	stream.indirect_vreg.gather [hbm4b:s2+s5], $0x80, v1, vm0, $0xb8;
	[tilespmem:$0x1C080] =	vst v63  }
0x1d2: {  	s26 =	simm.s32 $0x12880  }
0x1d3: {  	[tilespmem:s26], [sflag:$0x2] =	stream.indirect_vreg.gather [hbm4b:s3+s5], $0x80, v1, vm0, $0xb8;
	[tilespmem:$0x1C080] =	vst v63  }
0x1d4: {  	s28 =	simm.s32 $0x13080  }
0x1d5: {  	[tilespmem:s28], [sflag:$0x2] =	stream.indirect_vreg.gather [hbm4b:s2+s5], $0x80, v0, vm0, $0xb8;
	[tilespmem:$0x1C080] =	vst v63  }
0x1d6: {  	s29 =	simm.s32 $0x13880;
	s30 =	simm.s32 $0x4  }
0x1d7: {  	[tilespmem:s29], [sflag:$0x2] =	stream.indirect_vreg.gather [hbm4b:s3+s5], $0x80, v0, vm0, $0xb8;
	[tilespmem:$0x1C080] =	vst v63  }
0x1d8: {  	_ =	swait.ge [sflag:s30], $0x4000  }
0x1d9: {  	s31 =	sand.u32 $0x380, s5;
	s3 =	sand.u32 $0x3000, s5;
	[sflag:s30] =	ssyncset.done $0x0  }
0x1da: {  	s2 =	sor.u32 s31, s3;
	[sflag:s30] =	ssyncadd.s32 $0xFFFFC000  }
0x1db: {  	v7 =	vld [tilespmem:s2+$0x8080]  }
0x1dc: {  	v8 =	vld [tilespmem:s2+$0x8090]  }
0x1dd: {  	v9 =	vld [tilespmem:s2+$0x80A0]  }
0x1de: {  	v10 =	vld [tilespmem:s2+$0x80B0]  }
0x1df: {  	v11 =	vld [tilespmem:s2+$0x80C0]  }
0x1e0: {  	v12 =	vld [tilespmem:s2+$0x80D0]  }
0x1e1: {  	v13 =	vld [tilespmem:s2+$0x80E0]  }
0x1e2: {  	v14 =	vld [tilespmem:s2+$0x80F0]  }
0x1e3: {  	v15 =	vld [tilespmem:s2+$0x8480]  }
0x1e4: {  	v16 =	vld [tilespmem:s2+$0x8490]  }
0x1e5: {  	v17 =	vld [tilespmem:s2+$0x84A0]  }
0x1e6: {  	v18 =	vld [tilespmem:s2+$0x84B0]  }
0x1e7: {  	v19 =	vld [tilespmem:s2+$0x84C0]  }
0x1e8: {  	v20 =	vld [tilespmem:s2+$0x84D0]  }
0x1e9: {  	v21 =	vld [tilespmem:s2+$0x84E0]  }
0x1ea: {  	v22 =	vld [tilespmem:s2+$0x84F0]  }
0x1eb: {  	v23 =	vld [tilespmem:s2+$0x8880]  }
0x1ec: {  	v1 =	vld [tilespmem:s2+$0x8890]  }
0x1ed: {  	v2 =	vld [tilespmem:s2+$0x88A0]  }
0x1ee: {  	v3 =	vld [tilespmem:s2+$0x88B0]  }
0x1ef: {  	v4 =	vld [tilespmem:s2+$0x88C0]  }
0x1f0: {  	v5 =	vld [tilespmem:s2+$0x88D0]  }
0x1f1: {  	v6 =	vld [tilespmem:s2+$0x88E0]  }
0x1f2: {  	v0 =	vld [tilespmem:s2+$0x88F0]  }
0x1f3: {  	[tilespmem:s2+$0x18080] =	vst.add.f32.msk $0xffff, v7  }
0x1f4: {  	[tilespmem:s2+$0x18090] =	vst.add.f32.msk $0xffff, v8  }
0x1f5: {  	[tilespmem:s2+$0x180A0] =	vst.add.f32.msk $0xffff, v9  }
0x1f6: {  	[tilespmem:s2+$0x180B0] =	vst.add.f32.msk $0xffff, v10  }
0x1f7: {  	[tilespmem:s2+$0x180C0] =	vst.add.f32.msk $0xffff, v11  }
0x1f8: {  	[tilespmem:s2+$0x180D0] =	vst.add.f32.msk $0xffff, v12  }
0x1f9: {  	[tilespmem:s2+$0x180E0] =	vst.add.f32.msk $0xffff, v13  }
0x1fa: {  	[tilespmem:s2+$0x180F0] =	vst.add.f32.msk $0xffff, v14  }
0x1fb: {  	[tilespmem:s2+$0x18480] =	vst.add.f32.msk $0xffff, v15  }
0x1fc: {  	[tilespmem:s2+$0x18490] =	vst.add.f32.msk $0xffff, v16  }
0x1fd: {  	[tilespmem:s2+$0x184A0] =	vst.add.f32.msk $0xffff, v17  }
0x1fe: {  	[tilespmem:s2+$0x184B0] =	vst.add.f32.msk $0xffff, v18  }
0x1ff: {  	[tilespmem:s2+$0x184C0] =	vst.add.f32.msk $0xffff, v19  }
0x200: {  	[tilespmem:s2+$0x184D0] =	vst.add.f32.msk $0xffff, v20  }
0x201: {  	[tilespmem:s2+$0x184E0] =	vst.add.f32.msk $0xffff, v21  }
0x202: {  	[tilespmem:s2+$0x184F0] =	vst.add.f32.msk $0xffff, v22  }
0x203: {  	s6 =	simm.s32 $0x200;
	[tilespmem:s2+$0x18880] =	vst.add.f32.msk $0xffff, v23  }
.LBB2_5:
0x204: {  	p0 =	sne.s32 s6, $0x3E00;
	[tilespmem:s2+$0x18890] =	vst.add.f32.msk $0xffff, v1  }
0x205: {  	[tilespmem:s2+$0x188A0] =	vst.add.f32.msk $0xffff, v2  }
0x206: {  	[tilespmem:s2+$0x188B0] =	vst.add.f32.msk $0xffff, v3  }
0x207: {  	[tilespmem:s2+$0x188C0] =	vst.add.f32.msk $0xffff, v4  }
0x208: {  	[tilespmem:s2+$0x188D0] =	vst.add.f32.msk $0xffff, v5  }
0x209: {  	s7 =	sor.u32 s3, s5;
	s5 =	sadd.s32 $0x80, s5;
	[tilespmem:s2+$0x188E0] =	vst.add.f32.msk $0xffff, v6  }
0x20a: {  	s3 =	sand.u32 $0x3000, s6;
	s9 =	sand.u32 $0x380, s5;
	s8 =	sor.u32 $0x8C00, s7;
	[tilespmem:s2+$0x188F0] =	vst.add.f32.msk $0xffff, v0  }
0x20b: {  	s7 =	sor.u32 s9, s3;
	v0 =	vld [tilespmem:s8+$0x80]  }
0x20c: {  	v7 =	vld [tilespmem:s7+$0x8080]  }
0x20d: {  	v8 =	vld [tilespmem:s7+$0x8090]  }
0x20e: {  	v9 =	vld [tilespmem:s7+$0x80A0]  }
0x20f: {  	v10 =	vld [tilespmem:s7+$0x80B0]  }
0x210: {  	[tilespmem:s2+$0x18C80] =	vst.add.f32.msk $0xffff, v0  }
0x211: {  	v0 =	vld [tilespmem:s8+$0x90]  }
0x212: {  	v11 =	vld [tilespmem:s7+$0x80C0]  }
0x213: {  	v12 =	vld [tilespmem:s7+$0x80D0]  }
0x214: {  	v13 =	vld [tilespmem:s7+$0x80E0]  }
0x215: {  	v14 =	vld [tilespmem:s7+$0x80F0]  }
0x216: {  	[tilespmem:s2+$0x18C90] =	vst.add.f32.msk $0xffff, v0  }
0x217: {  	v0 =	vld [tilespmem:s8+$0xA0]  }
0x218: {  	v15 =	vld [tilespmem:s7+$0x8480]  }
0x219: {  	v16 =	vld [tilespmem:s7+$0x8490]  }
0x21a: {  	v17 =	vld [tilespmem:s7+$0x84A0]  }
0x21b: {  	v18 =	vld [tilespmem:s7+$0x84B0]  }
0x21c: {  	[tilespmem:s2+$0x18CA0] =	vst.add.f32.msk $0xffff, v0  }
0x21d: {  	v0 =	vld [tilespmem:s8+$0xB0]  }
0x21e: {  	v19 =	vld [tilespmem:s7+$0x84C0]  }
0x21f: {  	v20 =	vld [tilespmem:s7+$0x84D0]  }
0x220: {  	v21 =	vld [tilespmem:s7+$0x84E0]  }
0x221: {  	v22 =	vld [tilespmem:s7+$0x84F0]  }
0x222: {  	[tilespmem:s2+$0x18CB0] =	vst.add.f32.msk $0xffff, v0  }
0x223: {  	v0 =	vld [tilespmem:s8+$0xC0]  }
0x224: {  	v23 =	vld [tilespmem:s7+$0x8880]  }
0x225: {  	v1 =	vld [tilespmem:s7+$0x8890]  }
0x226: {  	v2 =	vld [tilespmem:s7+$0x88A0]  }
0x227: {  	v3 =	vld [tilespmem:s7+$0x88B0]  }
0x228: {  	[tilespmem:s2+$0x18CC0] =	vst.add.f32.msk $0xffff, v0  }
0x229: {  	v24 =	vld [tilespmem:s8+$0xD0]  }
0x22a: {  	v4 =	vld [tilespmem:s7+$0x88C0]  }
0x22b: {  	v5 =	vld [tilespmem:s7+$0x88D0]  }
0x22c: {  	v6 =	vld [tilespmem:s7+$0x88E0]  }
0x22d: {  	v0 =	vld [tilespmem:s7+$0x88F0]  }
0x22e: {  	[tilespmem:s2+$0x18CD0] =	vst.add.f32.msk $0xffff, v24  }
0x22f: {  	v24 =	vld [tilespmem:s8+$0xE0]  }
0x230: {  	[tilespmem:s7+$0x18080] =	vst.add.f32.msk $0xffff, v7  }
0x231: {  	[tilespmem:s7+$0x18090] =	vst.add.f32.msk $0xffff, v8  }
0x232: {  	[tilespmem:s7+$0x180A0] =	vst.add.f32.msk $0xffff, v9  }
0x233: {  	[tilespmem:s7+$0x180B0] =	vst.add.f32.msk $0xffff, v10  }
0x234: {  	[tilespmem:s2+$0x18CE0] =	vst.add.f32.msk $0xffff, v24  }
0x235: {  	v7 =	vld [tilespmem:s8+$0xF0]  }
0x236: {  	[tilespmem:s7+$0x180C0] =	vst.add.f32.msk $0xffff, v11  }
0x237: {  	[tilespmem:s7+$0x180D0] =	vst.add.f32.msk $0xffff, v12  }
0x238: {  	[tilespmem:s7+$0x180E0] =	vst.add.f32.msk $0xffff, v13  }
0x239: {  	[tilespmem:s7+$0x180F0] =	vst.add.f32.msk $0xffff, v14  }
0x23a: {  	[tilespmem:s2+$0x18CF0] =	vst.add.f32.msk $0xffff, v7;
	s2 =	smov.u32 s7  }
0x23b: {  	[tilespmem:s2+$0x18480] =	vst.add.f32.msk $0xffff, v15  }
0x23c: {  	[tilespmem:s2+$0x18490] =	vst.add.f32.msk $0xffff, v16  }
0x23d: {  	[tilespmem:s2+$0x184A0] =	vst.add.f32.msk $0xffff, v17  }
0x23e: {  	[tilespmem:s2+$0x184B0] =	vst.add.f32.msk $0xffff, v18  }
.Ltmp2:
0x23f: {  	[tilespmem:s2+$0x184C0] =	vst.add.f32.msk $0xffff, v19;
	(pc) =	sbr.rel @p0 .LBB2_5-.Ltmp2, $4  }
0x240: {  	[tilespmem:s2+$0x184D0] =	vst.add.f32.msk $0xffff, v20  }
0x241: {  	[tilespmem:s2+$0x184E0] =	vst.add.f32.msk $0xffff, v21  }
0x242: {  	[tilespmem:s2+$0x184F0] =	vst.add.f32.msk $0xffff, v22  }
0x243: {  	s6 =	sadd.s32 $0x200, s6;
	[tilespmem:s2+$0x18880] =	vst.add.f32.msk $0xffff, v23  }
0x244: {  	[tilespmem:s2+$0x18890] =	vst.add.f32.msk $0xffff, v1  }
0x245: {  	[tilespmem:s2+$0x188A0] =	vst.add.f32.msk $0xffff, v2  }
0x246: {  	[tilespmem:s2+$0x188B0] =	vst.add.f32.msk $0xffff, v3  }
0x247: {  	[tilespmem:s2+$0x188C0] =	vst.add.f32.msk $0xffff, v4  }
0x248: {  	[tilespmem:s2+$0x188D0] =	vst.add.f32.msk $0xffff, v5  }
0x249: {  	[tilespmem:s2+$0x188E0] =	vst.add.f32.msk $0xffff, v6;
	s3 =	sor.u32 s3, s5  }
0x24a: {  	[tilespmem:s2+$0x188F0] =	vst.add.f32.msk $0xffff, v0;
	s3 =	sor.u32 $0x8C00, s3  }
0x24b: {  	v0 =	vld [tilespmem:s3+$0x80];
	_ =	sdelay $0x4  }
0x24c: {  	[tilespmem:s2+$0x18C80] =	vst.add.f32.msk $0xffff, v0  }
0x24d: {  	v0 =	vld [tilespmem:s3+$0x90];
	_ =	sdelay $0x4  }
0x24e: {  	[tilespmem:s2+$0x18C90] =	vst.add.f32.msk $0xffff, v0  }
0x24f: {  	v0 =	vld [tilespmem:s3+$0xA0];
	_ =	sdelay $0x4  }
0x250: {  	[tilespmem:s2+$0x18CA0] =	vst.add.f32.msk $0xffff, v0  }
0x251: {  	v0 =	vld [tilespmem:s3+$0xB0];
	_ =	sdelay $0x4  }
0x252: {  	[tilespmem:s2+$0x18CB0] =	vst.add.f32.msk $0xffff, v0  }
0x253: {  	v0 =	vld [tilespmem:s3+$0xC0];
	_ =	sdelay $0x4  }
0x254: {  	[tilespmem:s2+$0x18CC0] =	vst.add.f32.msk $0xffff, v0  }
0x255: {  	v0 =	vld [tilespmem:s3+$0xD0];
	_ =	sdelay $0x4  }
0x256: {  	[tilespmem:s2+$0x18CD0] =	vst.add.f32.msk $0xffff, v0  }
0x257: {  	v0 =	vld [tilespmem:s3+$0xE0];
	_ =	sdelay $0x4  }
0x258: {  	[tilespmem:s2+$0x18CE0] =	vst.add.f32.msk $0xffff, v0  }
0x259: {  	v0 =	vld [tilespmem:s3+$0xF0];
	_ =	sdelay $0x3  }
0x25a: {  	s29 =	sadd.s32 $0x1000, s4  }
0x25b: {  	s30 =	simm.s32 $0x18080;
	s31 =	simm.s32 $0x2;
	s3 =	simm.s32 $0x0;
	[tilespmem:s2+$0x18CF0] =	vst.add.f32.msk $0xffff, v0  }
0x25c: {  	[hbm4b:s29+s3] =	stream.linear.scatter [tilespmem:s30], [sflag:$0x7], $0x4000, $0x38;
	[tilespmem:$0x1C080] =	vst v63  }
0x25d: {  	_ =	swait.ge [sflag:s31], $0x4000  }
0x25e: {  	s5 =	sand.u32 $0x3000, s3;
	s6 =	sand.u32 $0x380, s3;
	[sflag:s31] =	ssyncset.done $0x0  }
0x25f: {  	s2 =	sor.u32 s6, s5;
	[sflag:s31] =	ssyncadd.s32 $0xFFFFC000  }
0x260: {  	v7 =	vld [tilespmem:s2+$0xC080]  }
0x261: {  	v8 =	vld [tilespmem:s2+$0xC090]  }
0x262: {  	v9 =	vld [tilespmem:s2+$0xC0A0]  }
0x263: {  	v10 =	vld [tilespmem:s2+$0xC0B0]  }
0x264: {  	v11 =	vld [tilespmem:s2+$0xC0C0]  }
0x265: {  	v12 =	vld [tilespmem:s2+$0xC0D0]  }
0x266: {  	v13 =	vld [tilespmem:s2+$0xC0E0]  }
0x267: {  	v14 =	vld [tilespmem:s2+$0xC0F0]  }
0x268: {  	v15 =	vld [tilespmem:s2+$0xC480]  }
0x269: {  	v16 =	vld [tilespmem:s2+$0xC490]  }
0x26a: {  	v17 =	vld [tilespmem:s2+$0xC4A0]  }
0x26b: {  	v18 =	vld [tilespmem:s2+$0xC4B0]  }
0x26c: {  	v19 =	vld [tilespmem:s2+$0xC4C0]  }
0x26d: {  	v20 =	vld [tilespmem:s2+$0xC4D0]  }
0x26e: {  	v21 =	vld [tilespmem:s2+$0xC4E0]  }
0x26f: {  	v22 =	vld [tilespmem:s2+$0xC4F0]  }
0x270: {  	v23 =	vld [tilespmem:s2+$0xC880]  }
0x271: {  	v1 =	vld [tilespmem:s2+$0xC890]  }
0x272: {  	v2 =	vld [tilespmem:s2+$0xC8A0]  }
0x273: {  	v3 =	vld [tilespmem:s2+$0xC8B0]  }
0x274: {  	v4 =	vld [tilespmem:s2+$0xC8C0]  }
0x275: {  	v5 =	vld [tilespmem:s2+$0xC8D0]  }
0x276: {  	v6 =	vld [tilespmem:s2+$0xC8E0]  }
0x277: {  	v0 =	vld [tilespmem:s2+$0xC8F0]  }
0x278: {  	[tilespmem:s2+$0x10080] =	vst.add.f32.msk $0xffff, v7  }
0x279: {  	[tilespmem:s2+$0x10090] =	vst.add.f32.msk $0xffff, v8  }
0x27a: {  	[tilespmem:s2+$0x100A0] =	vst.add.f32.msk $0xffff, v9  }
0x27b: {  	[tilespmem:s2+$0x100B0] =	vst.add.f32.msk $0xffff, v10  }
0x27c: {  	[tilespmem:s2+$0x100C0] =	vst.add.f32.msk $0xffff, v11  }
0x27d: {  	[tilespmem:s2+$0x100D0] =	vst.add.f32.msk $0xffff, v12  }
0x27e: {  	[tilespmem:s2+$0x100E0] =	vst.add.f32.msk $0xffff, v13  }
0x27f: {  	[tilespmem:s2+$0x100F0] =	vst.add.f32.msk $0xffff, v14  }
0x280: {  	[tilespmem:s2+$0x10480] =	vst.add.f32.msk $0xffff, v15  }
0x281: {  	[tilespmem:s2+$0x10490] =	vst.add.f32.msk $0xffff, v16  }
0x282: {  	[tilespmem:s2+$0x104A0] =	vst.add.f32.msk $0xffff, v17  }
0x283: {  	[tilespmem:s2+$0x104B0] =	vst.add.f32.msk $0xffff, v18  }
0x284: {  	[tilespmem:s2+$0x104C0] =	vst.add.f32.msk $0xffff, v19  }
0x285: {  	[tilespmem:s2+$0x104D0] =	vst.add.f32.msk $0xffff, v20  }
0x286: {  	[tilespmem:s2+$0x104E0] =	vst.add.f32.msk $0xffff, v21  }
0x287: {  	[tilespmem:s2+$0x104F0] =	vst.add.f32.msk $0xffff, v22  }
0x288: {  	s6 =	simm.s32 $0x200;
	[tilespmem:s2+$0x10880] =	vst.add.f32.msk $0xffff, v23  }
.LBB2_7:
0x289: {  	p0 =	sne.s32 s6, $0x3E00;
	[tilespmem:s2+$0x10890] =	vst.add.f32.msk $0xffff, v1  }
0x28a: {  	[tilespmem:s2+$0x108A0] =	vst.add.f32.msk $0xffff, v2  }
0x28b: {  	[tilespmem:s2+$0x108B0] =	vst.add.f32.msk $0xffff, v3  }
0x28c: {  	[tilespmem:s2+$0x108C0] =	vst.add.f32.msk $0xffff, v4  }
0x28d: {  	[tilespmem:s2+$0x108D0] =	vst.add.f32.msk $0xffff, v5  }
0x28e: {  	s7 =	sor.u32 s5, s3;
	s3 =	sadd.s32 $0x80, s3;
	[tilespmem:s2+$0x108E0] =	vst.add.f32.msk $0xffff, v6  }
0x28f: {  	s5 =	sand.u32 $0x3000, s6;
	s9 =	sand.u32 $0x380, s3;
	s8 =	sor.u32 $0xCC00, s7;
	[tilespmem:s2+$0x108F0] =	vst.add.f32.msk $0xffff, v0  }
0x290: {  	s7 =	sor.u32 s9, s5;
	v0 =	vld [tilespmem:s8+$0x80]  }
0x291: {  	v7 =	vld [tilespmem:s7+$0xC080]  }
0x292: {  	v8 =	vld [tilespmem:s7+$0xC090]  }
0x293: {  	v9 =	vld [tilespmem:s7+$0xC0A0]  }
0x294: {  	v10 =	vld [tilespmem:s7+$0xC0B0]  }
0x295: {  	[tilespmem:s2+$0x10C80] =	vst.add.f32.msk $0xffff, v0  }
0x296: {  	v0 =	vld [tilespmem:s8+$0x90]  }
0x297: {  	v11 =	vld [tilespmem:s7+$0xC0C0]  }
0x298: {  	v12 =	vld [tilespmem:s7+$0xC0D0]  }
0x299: {  	v13 =	vld [tilespmem:s7+$0xC0E0]  }
0x29a: {  	v14 =	vld [tilespmem:s7+$0xC0F0]  }
0x29b: {  	[tilespmem:s2+$0x10C90] =	vst.add.f32.msk $0xffff, v0  }
0x29c: {  	v0 =	vld [tilespmem:s8+$0xA0]  }
0x29d: {  	v15 =	vld [tilespmem:s7+$0xC480]  }
0x29e: {  	v16 =	vld [tilespmem:s7+$0xC490]  }
0x29f: {  	v17 =	vld [tilespmem:s7+$0xC4A0]  }
0x2a0: {  	v18 =	vld [tilespmem:s7+$0xC4B0]  }
0x2a1: {  	[tilespmem:s2+$0x10CA0] =	vst.add.f32.msk $0xffff, v0  }
0x2a2: {  	v0 =	vld [tilespmem:s8+$0xB0]  }
0x2a3: {  	v19 =	vld [tilespmem:s7+$0xC4C0]  }
0x2a4: {  	v20 =	vld [tilespmem:s7+$0xC4D0]  }
0x2a5: {  	v21 =	vld [tilespmem:s7+$0xC4E0]  }
0x2a6: {  	v22 =	vld [tilespmem:s7+$0xC4F0]  }
0x2a7: {  	[tilespmem:s2+$0x10CB0] =	vst.add.f32.msk $0xffff, v0  }
0x2a8: {  	v0 =	vld [tilespmem:s8+$0xC0]  }
0x2a9: {  	v23 =	vld [tilespmem:s7+$0xC880]  }
0x2aa: {  	v1 =	vld [tilespmem:s7+$0xC890]  }
0x2ab: {  	v2 =	vld [tilespmem:s7+$0xC8A0]  }
0x2ac: {  	v3 =	vld [tilespmem:s7+$0xC8B0]  }
0x2ad: {  	[tilespmem:s2+$0x10CC0] =	vst.add.f32.msk $0xffff, v0  }
0x2ae: {  	v24 =	vld [tilespmem:s8+$0xD0]  }
0x2af: {  	v4 =	vld [tilespmem:s7+$0xC8C0]  }
0x2b0: {  	v5 =	vld [tilespmem:s7+$0xC8D0]  }
0x2b1: {  	v6 =	vld [tilespmem:s7+$0xC8E0]  }
0x2b2: {  	v0 =	vld [tilespmem:s7+$0xC8F0]  }
0x2b3: {  	[tilespmem:s2+$0x10CD0] =	vst.add.f32.msk $0xffff, v24  }
0x2b4: {  	v24 =	vld [tilespmem:s8+$0xE0]  }
0x2b5: {  	[tilespmem:s7+$0x10080] =	vst.add.f32.msk $0xffff, v7  }
0x2b6: {  	[tilespmem:s7+$0x10090] =	vst.add.f32.msk $0xffff, v8  }
0x2b7: {  	[tilespmem:s7+$0x100A0] =	vst.add.f32.msk $0xffff, v9  }
0x2b8: {  	[tilespmem:s7+$0x100B0] =	vst.add.f32.msk $0xffff, v10  }
0x2b9: {  	[tilespmem:s2+$0x10CE0] =	vst.add.f32.msk $0xffff, v24  }
0x2ba: {  	v7 =	vld [tilespmem:s8+$0xF0]  }
0x2bb: {  	[tilespmem:s7+$0x100C0] =	vst.add.f32.msk $0xffff, v11  }
0x2bc: {  	[tilespmem:s7+$0x100D0] =	vst.add.f32.msk $0xffff, v12  }
0x2bd: {  	[tilespmem:s7+$0x100E0] =	vst.add.f32.msk $0xffff, v13  }
0x2be: {  	[tilespmem:s7+$0x100F0] =	vst.add.f32.msk $0xffff, v14  }
0x2bf: {  	[tilespmem:s2+$0x10CF0] =	vst.add.f32.msk $0xffff, v7;
	s2 =	smov.u32 s7  }
0x2c0: {  	[tilespmem:s2+$0x10480] =	vst.add.f32.msk $0xffff, v15  }
0x2c1: {  	[tilespmem:s2+$0x10490] =	vst.add.f32.msk $0xffff, v16  }
0x2c2: {  	[tilespmem:s2+$0x104A0] =	vst.add.f32.msk $0xffff, v17  }
0x2c3: {  	[tilespmem:s2+$0x104B0] =	vst.add.f32.msk $0xffff, v18  }
.Ltmp3:
0x2c4: {  	[tilespmem:s2+$0x104C0] =	vst.add.f32.msk $0xffff, v19;
	(pc) =	sbr.rel @p0 .LBB2_7-.Ltmp3, $4  }
0x2c5: {  	[tilespmem:s2+$0x104D0] =	vst.add.f32.msk $0xffff, v20  }
0x2c6: {  	[tilespmem:s2+$0x104E0] =	vst.add.f32.msk $0xffff, v21  }
0x2c7: {  	[tilespmem:s2+$0x104F0] =	vst.add.f32.msk $0xffff, v22  }
0x2c8: {  	s6 =	sadd.s32 $0x200, s6;
	[tilespmem:s2+$0x10880] =	vst.add.f32.msk $0xffff, v23  }
0x2c9: {  	[tilespmem:s2+$0x10890] =	vst.add.f32.msk $0xffff, v1  }
0x2ca: {  	[tilespmem:s2+$0x108A0] =	vst.add.f32.msk $0xffff, v2  }
0x2cb: {  	[tilespmem:s2+$0x108B0] =	vst.add.f32.msk $0xffff, v3  }
0x2cc: {  	[tilespmem:s2+$0x108C0] =	vst.add.f32.msk $0xffff, v4  }
0x2cd: {  	[tilespmem:s2+$0x108D0] =	vst.add.f32.msk $0xffff, v5  }
0x2ce: {  	[tilespmem:s2+$0x108E0] =	vst.add.f32.msk $0xffff, v6;
	s3 =	sor.u32 s5, s3  }
0x2cf: {  	[tilespmem:s2+$0x108F0] =	vst.add.f32.msk $0xffff, v0;
	s3 =	sor.u32 $0xCC00, s3  }
0x2d0: {  	v0 =	vld [tilespmem:s3+$0x80];
	_ =	sdelay $0x4  }
0x2d1: {  	[tilespmem:s2+$0x10C80] =	vst.add.f32.msk $0xffff, v0  }
0x2d2: {  	v0 =	vld [tilespmem:s3+$0x90];
	_ =	sdelay $0x4  }
0x2d3: {  	[tilespmem:s2+$0x10C90] =	vst.add.f32.msk $0xffff, v0  }
0x2d4: {  	v0 =	vld [tilespmem:s3+$0xA0];
	_ =	sdelay $0x4  }
0x2d5: {  	[tilespmem:s2+$0x10CA0] =	vst.add.f32.msk $0xffff, v0  }
0x2d6: {  	v0 =	vld [tilespmem:s3+$0xB0];
	_ =	sdelay $0x4  }
0x2d7: {  	[tilespmem:s2+$0x10CB0] =	vst.add.f32.msk $0xffff, v0  }
0x2d8: {  	v0 =	vld [tilespmem:s3+$0xC0];
	_ =	sdelay $0x4  }
0x2d9: {  	[tilespmem:s2+$0x10CC0] =	vst.add.f32.msk $0xffff, v0  }
0x2da: {  	v0 =	vld [tilespmem:s3+$0xD0];
	_ =	sdelay $0x4  }
0x2db: {  	[tilespmem:s2+$0x10CD0] =	vst.add.f32.msk $0xffff, v0  }
0x2dc: {  	v0 =	vld [tilespmem:s3+$0xE0];
	_ =	sdelay $0x4  }
0x2dd: {  	[tilespmem:s2+$0x10CE0] =	vst.add.f32.msk $0xffff, v0  }
0x2de: {  	v0 =	vld [tilespmem:s3+$0xF0];
	_ =	sdelay $0x3  }
0x2df: {  	s25 =	sadd.s32 $0x1800, s4  }
0x2e0: {  	s26 =	simm.s32 $0x0;
	s28 =	simm.s32 $0x10080;
	s29 =	simm.s32 $0x6;
	[tilespmem:s2+$0x10CF0] =	vst.add.f32.msk $0xffff, v0  }
0x2e1: {  	[hbm4b:s25+s26] =	stream.linear.scatter [tilespmem:s28], [sflag:$0x5], $0x4000, $0x38;
	[tilespmem:$0x1C080] =	vst v63  }
0x2e2: {  	_ =	swait.ge [sflag:s29], $0x4000  }
0x2e3: {  	[sflag:s29] =	ssyncset.done $0x0  }
0x2e4: {  	s30 =	simm.s32 $0x7;
	[sflag:s29] =	ssyncadd.s32 $0xFFFFC000  }
0x2e5: {  	_ =	swait.ge [sflag:s30], $0x4000  }
0x2e6: {  	[sflag:s30] =	ssyncset.done $0x0  }
0x2e7: {  	s31 =	simm.s32 $0x5;
	[sflag:s30] =	ssyncadd.s32 $0xFFFFC000  }
0x2e8: {  	_ =	swait.ge [sflag:s31], $0x4000  }
0x2e9: {  	[sflag:s31] =	ssyncset.done $0x0  }
0x2ea: {  	[sflag:s31] =	ssyncadd.s32 $0xFFFFC000  }
0x2eb: {  	_ =	sfence.sel $0x180000  }
0x2ec: {  	[bflag:$0x0] =	sbarrier.arrive $0xFFFF  }
0x2ed: {  	p0 =	sne.s32 s1, $0x0;
	_ =	strace $0x90000047  }
0x2ee: {  	s0 =	sadd.s32 @!p0 $0x100000, s0;
	[bflag:$0x2] =	sbarrier.arrive $0xFFFF  }
0x2ef: {  	[sflag:s0] =	ssyncadd.tile.s32 @!p0 $0x1;
	_ =	shalt  }
.Lfunc_end2:
_tile_overlayer_lowered:
.L_overlay_start_2:
0x2f0: {  	(tag) =	ssettag $0x2  }
0x2f1: {  	s0 =	rddreg [dreg:$0x0];
	s2 =	stileid.u32  }
0x2f2: {  	s1 =	rddreg [dreg:$0x1];
	p0 =	sne.s32 s2, $0x0  }
0x2f3: {  	s3 =	rddreg [dreg:$0x2];
	[bflag:$0x3] =	sbarrier.arrive $0xFFFF;
	s2 =	simm.s32 @!p0 $0x1C08  }
0x2f4: {  	[timem:s3], [sflag:s2] =	dma.local @!p0 [hbm:s0], s1  }
0x2f5: {  	s0 =	simm.s32 @!p0 $0x8  }
0x2f6: {  	_ =	swait.ge @!p0 [sflag:s0], s1  }
0x2f7: {  	s1 =	ssub.s32 @!p0 $0x0, s1;
	[sflag:s0] =	ssyncset.done @!p0 $0x0  }
0x2f8: {  	[sflag:s0] =	ssyncadd.s32 @!p0 s1  }
0x2f9: {  	[bflag:$0x3] =	sbarrier.arrive $0xFFFF  }
0x2fa: {  	_ =	shalt  }

</sc_bundles>
